<compile_context>
chip_gen: v7x
topology: tpu7x:2x2x1
jax: 0.10.2.dev20260603
libtpu: 0.0.44.dev20260713+nightly
codegen_flags: <defaults>
</compile_context>

<pallas_src>
import functools
import math

import jax
import jax.numpy as jnp
from jax import lax
from jax.experimental import pallas as pl
from jax.experimental.pallas import tpu as pltpu
from jax.experimental.pallas import tpu_sc as plsc

D_MODEL = 512
SCALE = math.sqrt(float(D_MODEL))


def _make_gather(V, D, B):
    info = plsc.get_sparse_core_info()
    NC, NS = info.num_cores, info.num_subcores
    NW = NC * NS
    assert B % NW == 0
    b_per_w = B // NW
    K = 40
    assert b_per_w % (2 * K) == 0
    n_chunks = b_per_w // K
    n_pairs = n_chunks // 2
    G = D // 16

    mesh = plsc.VectorSubcoreMesh(core_axis_name="c", subcore_axis_name="s")

    @functools.partial(
        pl.kernel,
        mesh=mesh,
        out_type=jax.ShapeDtypeStruct((B, D), jnp.float32),
        scratch_types=[
            pltpu.VMEM((n_chunks, K), jnp.int32),
            pltpu.VMEM((K, D), jnp.float32),
            pltpu.VMEM((K, D), jnp.float32),
            pltpu.VMEM((K, D), jnp.float32),
            pltpu.VMEM((K, D), jnp.float32),
            pltpu.SemaphoreType.DMA,
            pltpu.SemaphoreType.DMA,
            pltpu.SemaphoreType.DMA,
            pltpu.SemaphoreType.DMA,
        ],
    )
    def k(table, idx_hbm, out, idx_all, g0, g1, s0, s1, gm0, gm1, sm0, sm1):
        wid = lax.axis_index("s") * NC + lax.axis_index("c")
        base = wid * b_per_w
        gbuf = [g0, g1]
        sbuf = [s0, s1]
        gsem = [gm0, gm1]
        ssem = [sm0, sm1]

        pltpu.sync_copy(idx_hbm.at[wid], idx_all)

        def start_gather(b, c):
            pltpu.async_copy(table.at[idx_all.at[c]], gbuf[b], gsem[b])

        def wait_gather(b):
            pltpu.make_async_copy(table.at[idx_all.at[0]], gbuf[b],
                                  gsem[b]).wait()

        def start_store(b, c):
            pltpu.async_copy(sbuf[b], out.at[pl.ds(base + c * K, K)], ssem[b])

        def wait_store(b):
            pltpu.make_async_copy(sbuf[b], out.at[pl.ds(base, K)],
                                  ssem[b]).wait()

        def scale(b):
            def row(r, carry):
                for j in range(G):
                    sl = pl.ds(j * 16, 16)
                    sbuf[b][r, sl] = gbuf[b][r, sl] * SCALE
                return carry

            lax.fori_loop(0, K, row, 0)

        for b in range(2):
            start_gather(b, b)

        for b in range(2):
            wait_gather(b)
            scale(b)
            start_store(b, b)
            start_gather(b, b + 2)

        def pair(p, carry):
            for b in range(2):
                c = 2 * p + b
                wait_gather(b)
                wait_store(b)
                scale(b)
                start_store(b, c)

                @pl.when(c + 2 < n_chunks)
                def _():
                    start_gather(b, c + 2)

            return carry

        lax.fori_loop(1, n_pairs, pair, 0)

        for b in range(2):
            wait_store(b)

    return k


def kernel(x, lut):
    Bdim, T = x.shape
    V, D = lut.shape
    B = Bdim * T
    info = plsc.get_sparse_core_info()
    NW = info.num_cores * info.num_subcores
    K = 40
    xf = x.reshape(NW, (B // NW) // K, K).astype(jnp.int32)
    out = _make_gather(V, D, B)(lut, xf)
    return out.reshape(Bdim, T, D)

# --- scband reference (transcript-rebuilt; emitter-appended) ---
"""Pipeline reference for scband-embeddings-6803228197099 (READ-ONLY COPY).

The authoritative reference and input builder live on the scoring server;
editing this copy changes nothing except your own understanding.
"""

import jax, jax.numpy as jnp
import numpy as np
import math

D_MODEL = 512
VOCAB = 100000

def setup_inputs(seed: int = 0) -> dict:
    key = jax.random.key(seed)
    k1, k2 = jax.random.split(key)
    x = jax.random.randint(k1, (1024, 200), 0, VOCAB)
    lut = jax.random.normal(k2, (VOCAB, D_MODEL), dtype=jnp.float32)
    return {"x": x, "lut": lut}

def reference(x, lut):
    # Embeddings.forward: self.lut(x) * math.sqrt(self.d_model)
    emb = jnp.take(lut, x, axis=0)
    return emb * math.sqrt(D_MODEL)

if __name__ == "__main__":
    import jax
    _d = setup_inputs()
    print(jax.jit(kernel)(*tuple(_d.values())))

</pallas_src>

<mosaic_0001>
#map = affine_map<(d0, d1) -> (0, 0)>
#map1 = affine_map<(d0, d1) -> (0, 0, 0)>
module attributes {stable_mosaic.version = 14 : i64} {
  func.func @k(%arg0: i32, %arg1: i32, %arg2: memref<100000x512xf32, #tpu.memory_space<hbm>>, %arg3: memref<32x160x40xi32, #tpu.memory_space<hbm>>, %arg4: memref<204800x512xf32, #tpu.memory_space<hbm>>, %arg5: memref<160x40xi32, #tpu.memory_space<vmem>>, %arg6: memref<40x512xf32, #tpu.memory_space<vmem>>, %arg7: memref<40x512xf32, #tpu.memory_space<vmem>>, %arg8: memref<40x512xf32, #tpu.memory_space<vmem>>, %arg9: memref<40x512xf32, #tpu.memory_space<vmem>>, %arg10: memref<!tpu.dma_semaphore, #tpu.memory_space<semaphore_mem>>, %arg11: memref<!tpu.dma_semaphore, #tpu.memory_space<semaphore_mem>>, %arg12: memref<!tpu.dma_semaphore, #tpu.memory_space<semaphore_mem>>, %arg13: memref<!tpu.dma_semaphore, #tpu.memory_space<semaphore_mem>>) attributes {dimension_semantics = [#tpu.dimension_semantics<core_parallel>, #tpu.dimension_semantics<subcore_parallel>], iteration_bounds = array<i64: 2, 16>, scalar_prefetch = 0 : i64, scratch_operands = 9 : i64, tpu.core_type = #tpu.core_type<sc_vector_subcore>, window_params = [{transform_indices = #map}, {transform_indices = #map1}, {transform_indices = #map}]} {
    %mul3A = arith.constant 2 : i32
    %mul3A_0 = arith.muli %arg1, %mul3A : i32
    %add3A = arith.addi %mul3A_0, %arg0 : i32
    %mul3A_1 = arith.constant 6400 : i32
    %mul3A_2 = arith.muli %add3A, %mul3A_1 : i32
    "tpu.region"() ({
      %run_scoped3A = tpu.sem_alloc : memref<!tpu.dma_semaphore, #tpu.memory_space<semaphore_mem>>
      %dma_start3A_80 = arith.constant 0 : i32
      %dma_start3A_81 = arith.constant 0 : i32
      %dma_start3A_82 = tpu.memref_slice %arg3[%add3A, %dma_start3A_80, %dma_start3A_81] : memref<32x160x40xi32, #tpu.memory_space<hbm>> -> memref<1x160x40xi32, #tpu.memory_space<hbm>>
      %dma_start3A_83 = tpu.memref_squeeze %dma_start3A_82 : memref<1x160x40xi32, #tpu.memory_space<hbm>> -> memref<160x40xi32, #tpu.memory_space<hbm>>
      %dma_start3A_84 = arith.constant 0 : i32
      %dma_start3A_85 = arith.constant 0 : i32
      %dma_start3A_86 = tpu.memref_slice %arg3[%add3A, %dma_start3A_84, %dma_start3A_85] : memref<32x160x40xi32, #tpu.memory_space<hbm>> -> memref<1x160x40xi32, #tpu.memory_space<hbm>>
      %dma_start3A_87 = tpu.memref_squeeze %dma_start3A_86 : memref<1x160x40xi32, #tpu.memory_space<hbm>> -> memref<160x40xi32, #tpu.memory_space<hbm>>
      tpu.enqueue_dma source(%dma_start3A_87 : memref<160x40xi32, #tpu.memory_space<hbm>>) target(%arg5 : memref<160x40xi32, #tpu.memory_space<vmem>>) target_semaphore(%run_scoped3A : memref<!tpu.dma_semaphore, #tpu.memory_space<semaphore_mem>>)
      %dma_wait3A_88 = arith.constant 0 : i32
      %dma_wait3A_89 = arith.constant 0 : i32
      %dma_wait3A_90 = tpu.memref_slice %arg3[%add3A, %dma_wait3A_88, %dma_wait3A_89] : memref<32x160x40xi32, #tpu.memory_space<hbm>> -> memref<1x160x40xi32, #tpu.memory_space<hbm>>
      %dma_wait3A_91 = tpu.memref_squeeze %dma_wait3A_90 : memref<1x160x40xi32, #tpu.memory_space<hbm>> -> memref<160x40xi32, #tpu.memory_space<hbm>>
      %dma_wait3A_92 = arith.constant 0 : i32
      %dma_wait3A_93 = arith.constant 0 : i32
      %dma_wait3A_94 = tpu.memref_slice %arg3[%add3A, %dma_wait3A_92, %dma_wait3A_93] : memref<32x160x40xi32, #tpu.memory_space<hbm>> -> memref<1x160x40xi32, #tpu.memory_space<hbm>>
      %dma_wait3A_95 = tpu.memref_squeeze %dma_wait3A_94 : memref<1x160x40xi32, #tpu.memory_space<hbm>> -> memref<160x40xi32, #tpu.memory_space<hbm>>
      tpu.wait_dma2 semaphore(%run_scoped3A : memref<!tpu.dma_semaphore, #tpu.memory_space<semaphore_mem>>) src(%dma_wait3A_95 : memref<160x40xi32, #tpu.memory_space<hbm>>) dst(%arg5 : memref<160x40xi32, #tpu.memory_space<vmem>>)
      tpu.yield
    }) : () -> ()
    %dma_start3A = arith.constant 0 : i32
    %dma_start3A_3 = arith.constant 0 : i32
    %dma_start3A_4 = tpu.memref_slice %arg5[%dma_start3A, %dma_start3A_3] : memref<160x40xi32, #tpu.memory_space<vmem>> -> memref<1x40xi32, #tpu.memory_space<vmem>>
    %dma_start3A_5 = tpu.memref_squeeze %dma_start3A_4 : memref<1x40xi32, #tpu.memory_space<vmem>> -> memref<40xi32, #tpu.memory_space<vmem>>
    %dma_start3A_6 = arith.constant 0 : i32
    %dma_start3A_7 = arith.constant 0 : i32
    %dma_start3A_8 = tpu.memref_slice %arg2[%dma_start3A_6, %dma_start3A_7] : memref<100000x512xf32, #tpu.memory_space<hbm>> -> memref<100000x512xf32, #tpu.memory_space<hbm>>
    tpu.enqueue_indirect_dma source(%dma_start3A_8 : memref<100000x512xf32, #tpu.memory_space<hbm>>) target(%arg6 : memref<40x512xf32, #tpu.memory_space<vmem>>) offsets(%dma_start3A_5 : memref<40xi32, #tpu.memory_space<vmem>>) semaphore(%arg10 : memref<!tpu.dma_semaphore, #tpu.memory_space<semaphore_mem>>)
    %dma_start3A_9 = arith.constant 1 : i32
    %dma_start3A_10 = arith.constant 0 : i32
    %dma_start3A_11 = tpu.memref_slice %arg5[%dma_start3A_9, %dma_start3A_10] : memref<160x40xi32, #tpu.memory_space<vmem>> -> memref<1x40xi32, #tpu.memory_space<vmem>>
    %dma_start3A_12 = tpu.memref_squeeze %dma_start3A_11 : memref<1x40xi32, #tpu.memory_space<vmem>> -> memref<40xi32, #tpu.memory_space<vmem>>
    %dma_start3A_13 = arith.constant 0 : i32
    %dma_start3A_14 = arith.constant 0 : i32
    %dma_start3A_15 = tpu.memref_slice %arg2[%dma_start3A_13, %dma_start3A_14] : memref<100000x512xf32, #tpu.memory_space<hbm>> -> memref<100000x512xf32, #tpu.memory_space<hbm>>
    tpu.enqueue_indirect_dma source(%dma_start3A_15 : memref<100000x512xf32, #tpu.memory_space<hbm>>) target(%arg7 : memref<40x512xf32, #tpu.memory_space<vmem>>) offsets(%dma_start3A_12 : memref<40xi32, #tpu.memory_space<vmem>>) semaphore(%arg11 : memref<!tpu.dma_semaphore, #tpu.memory_space<semaphore_mem>>)
    %dma_wait3A = arith.constant 0 : i32
    %dma_wait3A_16 = arith.constant 0 : i32
    %dma_wait3A_17 = tpu.memref_slice %arg5[%dma_wait3A, %dma_wait3A_16] : memref<160x40xi32, #tpu.memory_space<vmem>> -> memref<1x40xi32, #tpu.memory_space<vmem>>
    %dma_wait3A_18 = tpu.memref_squeeze %dma_wait3A_17 : memref<1x40xi32, #tpu.memory_space<vmem>> -> memref<40xi32, #tpu.memory_space<vmem>>
    %dma_wait3A_19 = arith.constant 0 : i32
    %dma_wait3A_20 = arith.constant 0 : i32
    %dma_wait3A_21 = tpu.memref_slice %arg2[%dma_wait3A_19, %dma_wait3A_20] : memref<100000x512xf32, #tpu.memory_space<hbm>> -> memref<100000x512xf32, #tpu.memory_space<hbm>>
    tpu.wait_indirect_dma semaphore(%arg10 : memref<!tpu.dma_semaphore, #tpu.memory_space<semaphore_mem>>) src(%dma_wait3A_21 : memref<100000x512xf32, #tpu.memory_space<hbm>>) dst(%arg6 : memref<40x512xf32, #tpu.memory_space<vmem>>)
    %scan3A = arith.constant 0 : i32
    %scan3A_22 = arith.constant 0 : i32
    %scan3A_23 = arith.constant 40 : i32
    %scan3A_24 = arith.addi %scan3A_22, %scan3A_23 : i32
    %scan3A_25 = arith.constant 1 : i32
    scf.for %scan3A_80 = %scan3A_22 to %scan3A_24 step %scan3A_25  : i32 {
      %get3A = arith.index_cast %scan3A_80 : i32 to index
      %get3A_81 = arith.constant 0 : index
      %get3A_82 = tpu.vector_load %arg6[%get3A, %get3A_81] {strides = array<i32>} : memref<40x512xf32, #tpu.memory_space<vmem>>, vector<1x16xf32>,
      %get3A_83 = vector.shape_cast %get3A_82 : vector<1x16xf32> to vector<16xf32>
      %mul3A_84 = arith.constant 22.6274166 : f32
      %mul3A_85 = vector.broadcast %mul3A_84 : f32 to vector<16xf32>
      %mul3A_86 = arith.mulf %get3A_83, %mul3A_85 : vector<16xf32>
      %swap3A = arith.index_cast %scan3A_80 : i32 to index
      %swap3A_87 = arith.constant 0 : index
      %swap3A_88 = tpu.vector_load %arg8[%swap3A, %swap3A_87] {strides = array<i32>} : memref<40x512xf32, #tpu.memory_space<vmem>>, vector<1x16xf32>,
      %swap3A_89 = vector.shape_cast %swap3A_88 : vector<1x16xf32> to vector<16xf32>
      %swap3A_90 = vector.shape_cast %mul3A_86 : vector<16xf32> to vector<1x16xf32>
      tpu.vector_store %arg8[%swap3A, %swap3A_87], %swap3A_90 {strides = array<i32>} : memref<40x512xf32, #tpu.memory_space<vmem>>, vector<1x16xf32>,
      %get3A_91 = arith.index_cast %scan3A_80 : i32 to index
      %get3A_92 = arith.constant 16 : index
      %get3A_93 = tpu.vector_load %arg6[%get3A_91, %get3A_92] {strides = array<i32>} : memref<40x512xf32, #tpu.memory_space<vmem>>, vector<1x16xf32>,
      %get3A_94 = vector.shape_cast %get3A_93 : vector<1x16xf32> to vector<16xf32>
      %mul3A_95 = arith.constant 22.6274166 : f32
      %mul3A_96 = vector.broadcast %mul3A_95 : f32 to vector<16xf32>
      %mul3A_97 = arith.mulf %get3A_94, %mul3A_96 : vector<16xf32>
      %swap3A_98 = arith.index_cast %scan3A_80 : i32 to index
      %swap3A_99 = arith.constant 16 : index
      %swap3A_100 = tpu.vector_load %arg8[%swap3A_98, %swap3A_99] {strides = array<i32>} : memref<40x512xf32, #tpu.memory_space<vmem>>, vector<1x16xf32>,
      %swap3A_101 = vector.shape_cast %swap3A_100 : vector<1x16xf32> to vector<16xf32>
      %swap3A_102 = vector.shape_cast %mul3A_97 : vector<16xf32> to vector<1x16xf32>
      tpu.vector_store %arg8[%swap3A_98, %swap3A_99], %swap3A_102 {strides = array<i32>} : memref<40x512xf32, #tpu.memory_space<vmem>>, vector<1x16xf32>,
      %get3A_103 = arith.index_cast %scan3A_80 : i32 to index
      %get3A_104 = arith.constant 32 : index
      %get3A_105 = tpu.vector_load %arg6[%get3A_103, %get3A_104] {strides = array<i32>} : memref<40x512xf32, #tpu.memory_space<vmem>>, vector<1x16xf32>,
      %get3A_106 = vector.shape_cast %get3A_105 : vector<1x16xf32> to vector<16xf32>
      %mul3A_107 = arith.constant 22.6274166 : f32
      %mul3A_108 = vector.broadcast %mul3A_107 : f32 to vector<16xf32>
      %mul3A_109 = arith.mulf %get3A_106, %mul3A_108 : vector<16xf32>
      %swap3A_110 = arith.index_cast %scan3A_80 : i32 to index
      %swap3A_111 = arith.constant 32 : index
      %swap3A_112 = tpu.vector_load %arg8[%swap3A_110, %swap3A_111] {strides = array<i32>} : memref<40x512xf32, #tpu.memory_space<vmem>>, vector<1x16xf32>,
      %swap3A_113 = vector.shape_cast %swap3A_112 : vector<1x16xf32> to vector<16xf32>
      %swap3A_114 = vector.shape_cast %mul3A_109 : vector<16xf32> to vector<1x16xf32>
      tpu.vector_store %arg8[%swap3A_110, %swap3A_111], %swap3A_114 {strides = array<i32>} : memref<40x512xf32, #tpu.memory_space<vmem>>, vector<1x16xf32>,
      %get3A_115 = arith.index_cast %scan3A_80 : i32 to index
      %get3A_116 = arith.constant 48 : index
      %get3A_117 = tpu.vector_load %arg6[%get3A_115, %get3A_116] {strides = array<i32>} : memref<40x512xf32, #tpu.memory_space<vmem>>, vector<1x16xf32>,
      %get3A_118 = vector.shape_cast %get3A_117 : vector<1x16xf32> to vector<16xf32>
      %mul3A_119 = arith.constant 22.6274166 : f32
      %mul3A_120 = vector.broadcast %mul3A_119 : f32 to vector<16xf32>
      %mul3A_121 = arith.mulf %get3A_118, %mul3A_120 : vector<16xf32>
      %swap3A_122 = arith.index_cast %scan3A_80 : i32 to index
      %swap3A_123 = arith.constant 48 : index
      %swap3A_124 = tpu.vector_load %arg8[%swap3A_122, %swap3A_123] {strides = array<i32>} : memref<40x512xf32, #tpu.memory_space<vmem>>, vector<1x16xf32>,
      %swap3A_125 = vector.shape_cast %swap3A_124 : vector<1x16xf32> to vector<16xf32>
      %swap3A_126 = vector.shape_cast %mul3A_121 : vector<16xf32> to vector<1x16xf32>
      tpu.vector_store %arg8[%swap3A_122, %swap3A_123], %swap3A_126 {strides = array<i32>} : memref<40x512xf32, #tpu.memory_space<vmem>>, vector<1x16xf32>,
      %get3A_127 = arith.index_cast %scan3A_80 : i32 to index
      %get3A_128 = arith.constant 64 : index
      %get3A_129 = tpu.vector_load %arg6[%get3A_127, %get3A_128] {strides = array<i32>} : memref<40x512xf32, #tpu.memory_space<vmem>>, vector<1x16xf32>,
      %get3A_130 = vector.shape_cast %get3A_129 : vector<1x16xf32> to vector<16xf32>
      %mul3A_131 = arith.constant 22.6274166 : f32
      %mul3A_132 = vector.broadcast %mul3A_131 : f32 to vector<16xf32>
      %mul3A_133 = arith.mulf %get3A_130, %mul3A_132 : vector<16xf32>
      %swap3A_134 = arith.index_cast %scan3A_80 : i32 to index
      %swap3A_135 = arith.constant 64 : index
      %swap3A_136 = tpu.vector_load %arg8[%swap3A_134, %swap3A_135] {strides = array<i32>} : memref<40x512xf32, #tpu.memory_space<vmem>>, vector<1x16xf32>,
      %swap3A_137 = vector.shape_cast %swap3A_136 : vector<1x16xf32> to vector<16xf32>
      %swap3A_138 = vector.shape_cast %mul3A_133 : vector<16xf32> to vector<1x16xf32>
      tpu.vector_store %arg8[%swap3A_134, %swap3A_135], %swap3A_138 {strides = array<i32>} : memref<40x512xf32, #tpu.memory_space<vmem>>, vector<1x16xf32>,
      %get3A_139 = arith.index_cast %scan3A_80 : i32 to index
      %get3A_140 = arith.constant 80 : index
      %get3A_141 = tpu.vector_load %arg6[%get3A_139, %get3A_140] {strides = array<i32>} : memref<40x512xf32, #tpu.memory_space<vmem>>, vector<1x16xf32>,
      %get3A_142 = vector.shape_cast %get3A_141 : vector<1x16xf32> to vector<16xf32>
      %mul3A_143 = arith.constant 22.6274166 : f32
      %mul3A_144 = vector.broadcast %mul3A_143 : f32 to vector<16xf32>
      %mul3A_145 = arith.mulf %get3A_142, %mul3A_144 : vector<16xf32>
      %swap3A_146 = arith.index_cast %scan3A_80 : i32 to index
      %swap3A_147 = arith.constant 80 : index
      %swap3A_148 = tpu.vector_load %arg8[%swap3A_146, %swap3A_147] {strides = array<i32>} : memref<40x512xf32, #tpu.memory_space<vmem>>, vector<1x16xf32>,
      %swap3A_149 = vector.shape_cast %swap3A_148 : vector<1x16xf32> to vector<16xf32>
      %swap3A_150 = vector.shape_cast %mul3A_145 : vector<16xf32> to vector<1x16xf32>
      tpu.vector_store %arg8[%swap3A_146, %swap3A_147], %swap3A_150 {strides = array<i32>} : memref<40x512xf32, #tpu.memory_space<vmem>>, vector<1x16xf32>,
      %get3A_151 = arith.index_cast %scan3A_80 : i32 to index
      %get3A_152 = arith.constant 96 : index
      %get3A_153 = tpu.vector_load %arg6[%get3A_151, %get3A_152] {strides = array<i32>} : memref<40x512xf32, #tpu.memory_space<vmem>>, vector<1x16xf32>,
      %get3A_154 = vector.shape_cast %get3A_153 : vector<1x16xf32> to vector<16xf32>
      %mul3A_155 = arith.constant 22.6274166 : f32
      %mul3A_156 = vector.broadcast %mul3A_155 : f32 to vector<16xf32>
      %mul3A_157 = arith.mulf %get3A_154, %mul3A_156 : vector<16xf32>
      %swap3A_158 = arith.index_cast %scan3A_80 : i32 to index
      %swap3A_159 = arith.constant 96 : index
      %swap3A_160 = tpu.vector_load %arg8[%swap3A_158, %swap3A_159] {strides = array<i32>} : memref<40x512xf32, #tpu.memory_space<vmem>>, vector<1x16xf32>,
      %swap3A_161 = vector.shape_cast %swap3A_160 : vector<1x16xf32> to vector<16xf32>
      %swap3A_162 = vector.shape_cast %mul3A_157 : vector<16xf32> to vector<1x16xf32>
      tpu.vector_store %arg8[%swap3A_158, %swap3A_159], %swap3A_162 {strides = array<i32>} : memref<40x512xf32, #tpu.memory_space<vmem>>, vector<1x16xf32>,
      %get3A_163 = arith.index_cast %scan3A_80 : i32 to index
      %get3A_164 = arith.constant 112 : index
      %get3A_165 = tpu.vector_load %arg6[%get3A_163, %get3A_164] {strides = array<i32>} : memref<40x512xf32, #tpu.memory_space<vmem>>, vector<1x16xf32>,
      %get3A_166 = vector.shape_cast %get3A_165 : vector<1x16xf32> to vector<16xf32>
      %mul3A_167 = arith.constant 22.6274166 : f32
      %mul3A_168 = vector.broadcast %mul3A_167 : f32 to vector<16xf32>
      %mul3A_169 = arith.mulf %get3A_166, %mul3A_168 : vector<16xf32>
      %swap3A_170 = arith.index_cast %scan3A_80 : i32 to index
      %swap3A_171 = arith.constant 112 : index
      %swap3A_172 = tpu.vector_load %arg8[%swap3A_170, %swap3A_171] {strides = array<i32>} : memref<40x512xf32, #tpu.memory_space<vmem>>, vector<1x16xf32>,
      %swap3A_173 = vector.shape_cast %swap3A_172 : vector<1x16xf32> to vector<16xf32>
      %swap3A_174 = vector.shape_cast %mul3A_169 : vector<16xf32> to vector<1x16xf32>
      tpu.vector_store %arg8[%swap3A_170, %swap3A_171], %swap3A_174 {strides = array<i32>} : memref<40x512xf32, #tpu.memory_space<vmem>>, vector<1x16xf32>,
      %get3A_175 = arith.index_cast %scan3A_80 : i32 to index
      %get3A_176 = arith.constant 128 : index
      %get3A_177 = tpu.vector_load %arg6[%get3A_175, %get3A_176] {strides = array<i32>} : memref<40x512xf32, #tpu.memory_space<vmem>>, vector<1x16xf32>,
      %get3A_178 = vector.shape_cast %get3A_177 : vector<1x16xf32> to vector<16xf32>
      %mul3A_179 = arith.constant 22.6274166 : f32
      %mul3A_180 = vector.broadcast %mul3A_179 : f32 to vector<16xf32>
      %mul3A_181 = arith.mulf %get3A_178, %mul3A_180 : vector<16xf32>
      %swap3A_182 = arith.index_cast %scan3A_80 : i32 to index
      %swap3A_183 = arith.constant 128 : index
      %swap3A_184 = tpu.vector_load %arg8[%swap3A_182, %swap3A_183] {strides = array<i32>} : memref<40x512xf32, #tpu.memory_space<vmem>>, vector<1x16xf32>,
      %swap3A_185 = vector.shape_cast %swap3A_184 : vector<1x16xf32> to vector<16xf32>
      %swap3A_186 = vector.shape_cast %mul3A_181 : vector<16xf32> to vector<1x16xf32>
      tpu.vector_store %arg8[%swap3A_182, %swap3A_183], %swap3A_186 {strides = array<i32>} : memref<40x512xf32, #tpu.memory_space<vmem>>, vector<1x16xf32>,
      %get3A_187 = arith.index_cast %scan3A_80 : i32 to index
      %get3A_188 = arith.constant 144 : index
      %get3A_189 = tpu.vector_load %arg6[%get3A_187, %get3A_188] {strides = array<i32>} : memref<40x512xf32, #tpu.memory_space<vmem>>, vector<1x16xf32>,
      %get3A_190 = vector.shape_cast %get3A_189 : vector<1x16xf32> to vector<16xf32>
      %mul3A_191 = arith.constant 22.6274166 : f32
      %mul3A_192 = vector.broadcast %mul3A_191 : f32 to vector<16xf32>
      %mul3A_193 = arith.mulf %get3A_190, %mul3A_192 : vector<16xf32>
      %swap3A_194 = arith.index_cast %scan3A_80 : i32 to index
      %swap3A_195 = arith.constant 144 : index
      %swap3A_196 = tpu.vector_load %arg8[%swap3A_194, %swap3A_195] {strides = array<i32>} : memref<40x512xf32, #tpu.memory_space<vmem>>, vector<1x16xf32>,
      %swap3A_197 = vector.shape_cast %swap3A_196 : vector<1x16xf32> to vector<16xf32>
      %swap3A_198 = vector.shape_cast %mul3A_193 : vector<16xf32> to vector<1x16xf32>
      tpu.vector_store %arg8[%swap3A_194, %swap3A_195], %swap3A_198 {strides = array<i32>} : memref<40x512xf32, #tpu.memory_space<vmem>>, vector<1x16xf32>,
      %get3A_199 = arith.index_cast %scan3A_80 : i32 to index
      %get3A_200 = arith.constant 160 : index
      %get3A_201 = tpu.vector_load %arg6[%get3A_199, %get3A_200] {strides = array<i32>} : memref<40x512xf32, #tpu.memory_space<vmem>>, vector<1x16xf32>,
      %get3A_202 = vector.shape_cast %get3A_201 : vector<1x16xf32> to vector<16xf32>
      %mul3A_203 = arith.constant 22.6274166 : f32
      %mul3A_204 = vector.broadcast %mul3A_203 : f32 to vector<16xf32>
      %mul3A_205 = arith.mulf %get3A_202, %mul3A_204 : vector<16xf32>
      %swap3A_206 = arith.index_cast %scan3A_80 : i32 to index
      %swap3A_207 = arith.constant 160 : index
      %swap3A_208 = tpu.vector_load %arg8[%swap3A_206, %swap3A_207] {strides = array<i32>} : memref<40x512xf32, #tpu.memory_space<vmem>>, vector<1x16xf32>,
      %swap3A_209 = vector.shape_cast %swap3A_208 : vector<1x16xf32> to vector<16xf32>
      %swap3A_210 = vector.shape_cast %mul3A_205 : vector<16xf32> to vector<1x16xf32>
      tpu.vector_store %arg8[%swap3A_206, %swap3A_207], %swap3A_210 {strides = array<i32>} : memref<40x512xf32, #tpu.memory_space<vmem>>, vector<1x16xf32>,
      %get3A_211 = arith.index_cast %scan3A_80 : i32 to index
      %get3A_212 = arith.constant 176 : index
      %get3A_213 = tpu.vector_load %arg6[%get3A_211, %get3A_212] {strides = array<i32>} : memref<40x512xf32, #tpu.memory_space<vmem>>, vector<1x16xf32>,
      %get3A_214 = vector.shape_cast %get3A_213 : vector<1x16xf32> to vector<16xf32>
      %mul3A_215 = arith.constant 22.6274166 : f32
      %mul3A_216 = vector.broadcast %mul3A_215 : f32 to vector<16xf32>
      %mul3A_217 = arith.mulf %get3A_214, %mul3A_216 : vector<16xf32>
      %swap3A_218 = arith.index_cast %scan3A_80 : i32 to index
      %swap3A_219 = arith.constant 176 : index
      %swap3A_220 = tpu.vector_load %arg8[%swap3A_218, %swap3A_219] {strides = array<i32>} : memref<40x512xf32, #tpu.memory_space<vmem>>, vector<1x16xf32>,
      %swap3A_221 = vector.shape_cast %swap3A_220 : vector<1x16xf32> to vector<16xf32>
      %swap3A_222 = vector.shape_cast %mul3A_217 : vector<16xf32> to vector<1x16xf32>
      tpu.vector_store %arg8[%swap3A_218, %swap3A_219], %swap3A_222 {strides = array<i32>} : memref<40x512xf32, #tpu.memory_space<vmem>>, vector<1x16xf32>,
      %get3A_223 = arith.index_cast %scan3A_80 : i32 to index
      %get3A_224 = arith.constant 192 : index
      %get3A_225 = tpu.vector_load %arg6[%get3A_223, %get3A_224] {strides = array<i32>} : memref<40x512xf32, #tpu.memory_space<vmem>>, vector<1x16xf32>,
      %get3A_226 = vector.shape_cast %get3A_225 : vector<1x16xf32> to vector<16xf32>
      %mul3A_227 = arith.constant 22.6274166 : f32
      %mul3A_228 = vector.broadcast %mul3A_227 : f32 to vector<16xf32>
      %mul3A_229 = arith.mulf %get3A_226, %mul3A_228 : vector<16xf32>
      %swap3A_230 = arith.index_cast %scan3A_80 : i32 to index
      %swap3A_231 = arith.constant 192 : index
      %swap3A_232 = tpu.vector_load %arg8[%swap3A_230, %swap3A_231] {strides = array<i32>} : memref<40x512xf32, #tpu.memory_space<vmem>>, vector<1x16xf32>,
      %swap3A_233 = vector.shape_cast %swap3A_232 : vector<1x16xf32> to vector<16xf32>
      %swap3A_234 = vector.shape_cast %mul3A_229 : vector<16xf32> to vector<1x16xf32>
      tpu.vector_store %arg8[%swap3A_230, %swap3A_231], %swap3A_234 {strides = array<i32>} : memref<40x512xf32, #tpu.memory_space<vmem>>, vector<1x16xf32>,
      %get3A_235 = arith.index_cast %scan3A_80 : i32 to index
      %get3A_236 = arith.constant 208 : index
      %get3A_237 = tpu.vector_load %arg6[%get3A_235, %get3A_236] {strides = array<i32>} : memref<40x512xf32, #tpu.memory_space<vmem>>, vector<1x16xf32>,
      %get3A_238 = vector.shape_cast %get3A_237 : vector<1x16xf32> to vector<16xf32>
      %mul3A_239 = arith.constant 22.6274166 : f32
      %mul3A_240 = vector.broadcast %mul3A_239 : f32 to vector<16xf32>
      %mul3A_241 = arith.mulf %get3A_238, %mul3A_240 : vector<16xf32>
      %swap3A_242 = arith.index_cast %scan3A_80 : i32 to index
      %swap3A_243 = arith.constant 208 : index
      %swap3A_244 = tpu.vector_load %arg8[%swap3A_242, %swap3A_243] {strides = array<i32>} : memref<40x512xf32, #tpu.memory_space<vmem>>, vector<1x16xf32>,
      %swap3A_245 = vector.shape_cast %swap3A_244 : vector<1x16xf32> to vector<16xf32>
      %swap3A_246 = vector.shape_cast %mul3A_241 : vector<16xf32> to vector<1x16xf32>
      tpu.vector_store %arg8[%swap3A_242, %swap3A_243], %swap3A_246 {strides = array<i32>} : memref<40x512xf32, #tpu.memory_space<vmem>>, vector<1x16xf32>,
      %get3A_247 = arith.index_cast %scan3A_80 : i32 to index
      %get3A_248 = arith.constant 224 : index
      %get3A_249 = tpu.vector_load %arg6[%get3A_247, %get3A_248] {strides = array<i32>} : memref<40x512xf32, #tpu.memory_space<vmem>>, vector<1x16xf32>,
      %get3A_250 = vector.shape_cast %get3A_249 : vector<1x16xf32> to vector<16xf32>
      %mul3A_251 = arith.constant 22.6274166 : f32
      %mul3A_252 = vector.broadcast %mul3A_251 : f32 to vector<16xf32>
      %mul3A_253 = arith.mulf %get3A_250, %mul3A_252 : vector<16xf32>
      %swap3A_254 = arith.index_cast %scan3A_80 : i32 to index
      %swap3A_255 = arith.constant 224 : index
      %swap3A_256 = tpu.vector_load %arg8[%swap3A_254, %swap3A_255] {strides = array<i32>} : memref<40x512xf32, #tpu.memory_space<vmem>>, vector<1x16xf32>,
      %swap3A_257 = vector.shape_cast %swap3A_256 : vector<1x16xf32> to vector<16xf32>
      %swap3A_258 = vector.shape_cast %mul3A_253 : vector<16xf32> to vector<1x16xf32>
      tpu.vector_store %arg8[%swap3A_254, %swap3A_255], %swap3A_258 {strides = array<i32>} : memref<40x512xf32, #tpu.memory_space<vmem>>, vector<1x16xf32>,
      %get3A_259 = arith.index_cast %scan3A_80 : i32 to index
      %get3A_260 = arith.constant 240 : index
      %get3A_261 = tpu.vector_load %arg6[%get3A_259, %get3A_260] {strides = array<i32>} : memref<40x512xf32, #tpu.memory_space<vmem>>, vector<1x16xf32>,
      %get3A_262 = vector.shape_cast %get3A_261 : vector<1x16xf32> to vector<16xf32>
      %mul3A_263 = arith.constant 22.6274166 : f32
      %mul3A_264 = vector.broadcast %mul3A_263 : f32 to vector<16xf32>
      %mul3A_265 = arith.mulf %get3A_262, %mul3A_264 : vector<16xf32>
      %swap3A_266 = arith.index_cast %scan3A_80 : i32 to index
      %swap3A_267 = arith.constant 240 : index
      %swap3A_268 = tpu.vector_load %arg8[%swap3A_266, %swap3A_267] {strides = array<i32>} : memref<40x512xf32, #tpu.memory_space<vmem>>, vector<1x16xf32>,
      %swap3A_269 = vector.shape_cast %swap3A_268 : vector<1x16xf32> to vector<16xf32>
      %swap3A_270 = vector.shape_cast %mul3A_265 : vector<16xf32> to vector<1x16xf32>
      tpu.vector_store %arg8[%swap3A_266, %swap3A_267], %swap3A_270 {strides = array<i32>} : memref<40x512xf32, #tpu.memory_space<vmem>>, vector<1x16xf32>,
      %get3A_271 = arith.index_cast %scan3A_80 : i32 to index
      %get3A_272 = arith.constant 256 : index
      %get3A_273 = tpu.vector_load %arg6[%get3A_271, %get3A_272] {strides = array<i32>} : memref<40x512xf32, #tpu.memory_space<vmem>>, vector<1x16xf32>,
      %get3A_274 = vector.shape_cast %get3A_273 : vector<1x16xf32> to vector<16xf32>
      %mul3A_275 = arith.constant 22.6274166 : f32
      %mul3A_276 = vector.broadcast %mul3A_275 : f32 to vector<16xf32>
      %mul3A_277 = arith.mulf %get3A_274, %mul3A_276 : vector<16xf32>
      %swap3A_278 = arith.index_cast %scan3A_80 : i32 to index
      %swap3A_279 = arith.constant 256 : index
      %swap3A_280 = tpu.vector_load %arg8[%swap3A_278, %swap3A_279] {strides = array<i32>} : memref<40x512xf32, #tpu.memory_space<vmem>>, vector<1x16xf32>,
      %swap3A_281 = vector.shape_cast %swap3A_280 : vector<1x16xf32> to vector<16xf32>
      %swap3A_282 = vector.shape_cast %mul3A_277 : vector<16xf32> to vector<1x16xf32>
      tpu.vector_store %arg8[%swap3A_278, %swap3A_279], %swap3A_282 {strides = array<i32>} : memref<40x512xf32, #tpu.memory_space<vmem>>, vector<1x16xf32>,
      %get3A_283 = arith.index_cast %scan3A_80 : i32 to index
      %get3A_284 = arith.constant 272 : index
      %get3A_285 = tpu.vector_load %arg6[%get3A_283, %get3A_284] {strides = array<i32>} : memref<40x512xf32, #tpu.memory_space<vmem>>, vector<1x16xf32>,
      %get3A_286 = vector.shape_cast %get3A_285 : vector<1x16xf32> to vector<16xf32>
      %mul3A_287 = arith.constant 22.6274166 : f32
      %mul3A_288 = vector.broadcast %mul3A_287 : f32 to vector<16xf32>
      %mul3A_289 = arith.mulf %get3A_286, %mul3A_288 : vector<16xf32>
      %swap3A_290 = arith.index_cast %scan3A_80 : i32 to index
      %swap3A_291 = arith.constant 272 : index
      %swap3A_292 = tpu.vector_load %arg8[%swap3A_290, %swap3A_291] {strides = array<i32>} : memref<40x512xf32, #tpu.memory_space<vmem>>, vector<1x16xf32>,
      %swap3A_293 = vector.shape_cast %swap3A_292 : vector<1x16xf32> to vector<16xf32>
      %swap3A_294 = vector.shape_cast %mul3A_289 : vector<16xf32> to vector<1x16xf32>
      tpu.vector_store %arg8[%swap3A_290, %swap3A_291], %swap3A_294 {strides = array<i32>} : memref<40x512xf32, #tpu.memory_space<vmem>>, vector<1x16xf32>,
      %get3A_295 = arith.index_cast %scan3A_80 : i32 to index
      %get3A_296 = arith.constant 288 : index
      %get3A_297 = tpu.vector_load %arg6[%get3A_295, %get3A_296] {strides = array<i32>} : memref<40x512xf32, #tpu.memory_space<vmem>>, vector<1x16xf32>,
      %get3A_298 = vector.shape_cast %get3A_297 : vector<1x16xf32> to vector<16xf32>
      %mul3A_299 = arith.constant 22.6274166 : f32
      %mul3A_300 = vector.broadcast %mul3A_299 : f32 to vector<16xf32>
      %mul3A_301 = arith.mulf %get3A_298, %mul3A_300 : vector<16xf32>
      %swap3A_302 = arith.index_cast %scan3A_80 : i32 to index
      %swap3A_303 = arith.constant 288 : index
      %swap3A_304 = tpu.vector_load %arg8[%swap3A_302, %swap3A_303] {strides = array<i32>} : memref<40x512xf32, #tpu.memory_space<vmem>>, vector<1x16xf32>,
      %swap3A_305 = vector.shape_cast %swap3A_304 : vector<1x16xf32> to vector<16xf32>
      %swap3A_306 = vector.shape_cast %mul3A_301 : vector<16xf32> to vector<1x16xf32>
      tpu.vector_store %arg8[%swap3A_302, %swap3A_303], %swap3A_306 {strides = array<i32>} : memref<40x512xf32, #tpu.memory_space<vmem>>, vector<1x16xf32>,
      %get3A_307 = arith.index_cast %scan3A_80 : i32 to index
      %get3A_308 = arith.constant 304 : index
      %get3A_309 = tpu.vector_load %arg6[%get3A_307, %get3A_308] {strides = array<i32>} : memref<40x512xf32, #tpu.memory_space<vmem>>, vector<1x16xf32>,
      %get3A_310 = vector.shape_cast %get3A_309 : vector<1x16xf32> to vector<16xf32>
      %mul3A_311 = arith.constant 22.6274166 : f32
      %mul3A_312 = vector.broadcast %mul3A_311 : f32 to vector<16xf32>
      %mul3A_313 = arith.mulf %get3A_310, %mul3A_312 : vector<16xf32>
      %swap3A_314 = arith.index_cast %scan3A_80 : i32 to index
      %swap3A_315 = arith.constant 304 : index
      %swap3A_316 = tpu.vector_load %arg8[%swap3A_314, %swap3A_315] {strides = array<i32>} : memref<40x512xf32, #tpu.memory_space<vmem>>, vector<1x16xf32>,
      %swap3A_317 = vector.shape_cast %swap3A_316 : vector<1x16xf32> to vector<16xf32>
      %swap3A_318 = vector.shape_cast %mul3A_313 : vector<16xf32> to vector<1x16xf32>
      tpu.vector_store %arg8[%swap3A_314, %swap3A_315], %swap3A_318 {strides = array<i32>} : memref<40x512xf32, #tpu.memory_space<vmem>>, vector<1x16xf32>,
      %get3A_319 = arith.index_cast %scan3A_80 : i32 to index
      %get3A_320 = arith.constant 320 : index
      %get3A_321 = tpu.vector_load %arg6[%get3A_319, %get3A_320] {strides = array<i32>} : memref<40x512xf32, #tpu.memory_space<vmem>>, vector<1x16xf32>,
      %get3A_322 = vector.shape_cast %get3A_321 : vector<1x16xf32> to vector<16xf32>
      %mul3A_323 = arith.constant 22.6274166 : f32
      %mul3A_324 = vector.broadcast %mul3A_323 : f32 to vector<16xf32>
      %mul3A_325 = arith.mulf %get3A_322, %mul3A_324 : vector<16xf32>
      %swap3A_326 = arith.index_cast %scan3A_80 : i32 to index
      %swap3A_327 = arith.constant 320 : index
      %swap3A_328 = tpu.vector_load %arg8[%swap3A_326, %swap3A_327] {strides = array<i32>} : memref<40x512xf32, #tpu.memory_space<vmem>>, vector<1x16xf32>,
      %swap3A_329 = vector.shape_cast %swap3A_328 : vector<1x16xf32> to vector<16xf32>
      %swap3A_330 = vector.shape_cast %mul3A_325 : vector<16xf32> to vector<1x16xf32>
      tpu.vector_store %arg8[%swap3A_326, %swap3A_327], %swap3A_330 {strides = array<i32>} : memref<40x512xf32, #tpu.memory_space<vmem>>, vector<1x16xf32>,
      %get3A_331 = arith.index_cast %scan3A_80 : i32 to index
      %get3A_332 = arith.constant 336 : index
      %get3A_333 = tpu.vector_load %arg6[%get3A_331, %get3A_332] {strides = array<i32>} : memref<40x512xf32, #tpu.memory_space<vmem>>, vector<1x16xf32>,
      %get3A_334 = vector.shape_cast %get3A_333 : vector<1x16xf32> to vector<16xf32>
      %mul3A_335 = arith.constant 22.6274166 : f32
      %mul3A_336 = vector.broadcast %mul3A_335 : f32 to vector<16xf32>
      %mul3A_337 = arith.mulf %get3A_334, %mul3A_336 : vector<16xf32>
      %swap3A_338 = arith.index_cast %scan3A_80 : i32 to index
      %swap3A_339 = arith.constant 336 : index
      %swap3A_340 = tpu.vector_load %arg8[%swap3A_338, %swap3A_339] {strides = array<i32>} : memref<40x512xf32, #tpu.memory_space<vmem>>, vector<1x16xf32>,
      %swap3A_341 = vector.shape_cast %swap3A_340 : vector<1x16xf32> to vector<16xf32>
      %swap3A_342 = vector.shape_cast %mul3A_337 : vector<16xf32> to vector<1x16xf32>
      tpu.vector_store %arg8[%swap3A_338, %swap3A_339], %swap3A_342 {strides = array<i32>} : memref<40x512xf32, #tpu.memory_space<vmem>>, vector<1x16xf32>,
      %get3A_343 = arith.index_cast %scan3A_80 : i32 to index
      %get3A_344 = arith.constant 352 : index
      %get3A_345 = tpu.vector_load %arg6[%get3A_343, %get3A_344] {strides = array<i32>} : memref<40x512xf32, #tpu.memory_space<vmem>>, vector<1x16xf32>,
      %get3A_346 = vector.shape_cast %get3A_345 : vector<1x16xf32> to vector<16xf32>
      %mul3A_347 = arith.constant 22.6274166 : f32
      %mul3A_348 = vector.broadcast %mul3A_347 : f32 to vector<16xf32>
      %mul3A_349 = arith.mulf %get3A_346, %mul3A_348 : vector<16xf32>
      %swap3A_350 = arith.index_cast %scan3A_80 : i32 to index
      %swap3A_351 = arith.constant 352 : index
      %swap3A_352 = tpu.vector_load %arg8[%swap3A_350, %swap3A_351] {strides = array<i32>} : memref<40x512xf32, #tpu.memory_space<vmem>>, vector<1x16xf32>,
      %swap3A_353 = vector.shape_cast %swap3A_352 : vector<1x16xf32> to vector<16xf32>
      %swap3A_354 = vector.shape_cast %mul3A_349 : vector<16xf32> to vector<1x16xf32>
      tpu.vector_store %arg8[%swap3A_350, %swap3A_351], %swap3A_354 {strides = array<i32>} : memref<40x512xf32, #tpu.memory_space<vmem>>, vector<1x16xf32>,
      %get3A_355 = arith.index_cast %scan3A_80 : i32 to index
      %get3A_356 = arith.constant 368 : index
      %get3A_357 = tpu.vector_load %arg6[%get3A_355, %get3A_356] {strides = array<i32>} : memref<40x512xf32, #tpu.memory_space<vmem>>, vector<1x16xf32>,
      %get3A_358 = vector.shape_cast %get3A_357 : vector<1x16xf32> to vector<16xf32>
      %mul3A_359 = arith.constant 22.6274166 : f32
      %mul3A_360 = vector.broadcast %mul3A_359 : f32 to vector<16xf32>
      %mul3A_361 = arith.mulf %get3A_358, %mul3A_360 : vector<16xf32>
      %swap3A_362 = arith.index_cast %scan3A_80 : i32 to index
      %swap3A_363 = arith.constant 368 : index
      %swap3A_364 = tpu.vector_load %arg8[%swap3A_362, %swap3A_363] {strides = array<i32>} : memref<40x512xf32, #tpu.memory_space<vmem>>, vector<1x16xf32>,
      %swap3A_365 = vector.shape_cast %swap3A_364 : vector<1x16xf32> to vector<16xf32>
      %swap3A_366 = vector.shape_cast %mul3A_361 : vector<16xf32> to vector<1x16xf32>
      tpu.vector_store %arg8[%swap3A_362, %swap3A_363], %swap3A_366 {strides = array<i32>} : memref<40x512xf32, #tpu.memory_space<vmem>>, vector<1x16xf32>,
      %get3A_367 = arith.index_cast %scan3A_80 : i32 to index
      %get3A_368 = arith.constant 384 : index
      %get3A_369 = tpu.vector_load %arg6[%get3A_367, %get3A_368] {strides = array<i32>} : memref<40x512xf32, #tpu.memory_space<vmem>>, vector<1x16xf32>,
      %get3A_370 = vector.shape_cast %get3A_369 : vector<1x16xf32> to vector<16xf32>
      %mul3A_371 = arith.constant 22.6274166 : f32
      %mul3A_372 = vector.broadcast %mul3A_371 : f32 to vector<16xf32>
      %mul3A_373 = arith.mulf %get3A_370, %mul3A_372 : vector<16xf32>
      %swap3A_374 = arith.index_cast %scan3A_80 : i32 to index
      %swap3A_375 = arith.constant 384 : index
      %swap3A_376 = tpu.vector_load %arg8[%swap3A_374, %swap3A_375] {strides = array<i32>} : memref<40x512xf32, #tpu.memory_space<vmem>>, vector<1x16xf32>,
      %swap3A_377 = vector.shape_cast %swap3A_376 : vector<1x16xf32> to vector<16xf32>
      %swap3A_378 = vector.shape_cast %mul3A_373 : vector<16xf32> to vector<1x16xf32>
      tpu.vector_store %arg8[%swap3A_374, %swap3A_375], %swap3A_378 {strides = array<i32>} : memref<40x512xf32, #tpu.memory_space<vmem>>, vector<1x16xf32>,
      %get3A_379 = arith.index_cast %scan3A_80 : i32 to index
      %get3A_380 = arith.constant 400 : index
      %get3A_381 = tpu.vector_load %arg6[%get3A_379, %get3A_380] {strides = array<i32>} : memref<40x512xf32, #tpu.memory_space<vmem>>, vector<1x16xf32>,
      %get3A_382 = vector.shape_cast %get3A_381 : vector<1x16xf32> to vector<16xf32>
      %mul3A_383 = arith.constant 22.6274166 : f32
      %mul3A_384 = vector.broadcast %mul3A_383 : f32 to vector<16xf32>
      %mul3A_385 = arith.mulf %get3A_382, %mul3A_384 : vector<16xf32>
      %swap3A_386 = arith.index_cast %scan3A_80 : i32 to index
      %swap3A_387 = arith.constant 400 : index
      %swap3A_388 = tpu.vector_load %arg8[%swap3A_386, %swap3A_387] {strides = array<i32>} : memref<40x512xf32, #tpu.memory_space<vmem>>, vector<1x16xf32>,
      %swap3A_389 = vector.shape_cast %swap3A_388 : vector<1x16xf32> to vector<16xf32>
      %swap3A_390 = vector.shape_cast %mul3A_385 : vector<16xf32> to vector<1x16xf32>
      tpu.vector_store %arg8[%swap3A_386, %swap3A_387], %swap3A_390 {strides = array<i32>} : memref<40x512xf32, #tpu.memory_space<vmem>>, vector<1x16xf32>,
      %get3A_391 = arith.index_cast %scan3A_80 : i32 to index
      %get3A_392 = arith.constant 416 : index
      %get3A_393 = tpu.vector_load %arg6[%get3A_391, %get3A_392] {strides = array<i32>} : memref<40x512xf32, #tpu.memory_space<vmem>>, vector<1x16xf32>,
      %get3A_394 = vector.shape_cast %get3A_393 : vector<1x16xf32> to vector<16xf32>
      %mul3A_395 = arith.constant 22.6274166 : f32
      %mul3A_396 = vector.broadcast %mul3A_395 : f32 to vector<16xf32>
      %mul3A_397 = arith.mulf %get3A_394, %mul3A_396 : vector<16xf32>
      %swap3A_398 = arith.index_cast %scan3A_80 : i32 to index
      %swap3A_399 = arith.constant 416 : index
      %swap3A_400 = tpu.vector_load %arg8[%swap3A_398, %swap3A_399] {strides = array<i32>} : memref<40x512xf32, #tpu.memory_space<vmem>>, vector<1x16xf32>,
      %swap3A_401 = vector.shape_cast %swap3A_400 : vector<1x16xf32> to vector<16xf32>
      %swap3A_402 = vector.shape_cast %mul3A_397 : vector<16xf32> to vector<1x16xf32>
      tpu.vector_store %arg8[%swap3A_398, %swap3A_399], %swap3A_402 {strides = array<i32>} : memref<40x512xf32, #tpu.memory_space<vmem>>, vector<1x16xf32>,
      %get3A_403 = arith.index_cast %scan3A_80 : i32 to index
      %get3A_404 = arith.constant 432 : index
      %get3A_405 = tpu.vector_load %arg6[%get3A_403, %get3A_404] {strides = array<i32>} : memref<40x512xf32, #tpu.memory_space<vmem>>, vector<1x16xf32>,
      %get3A_406 = vector.shape_cast %get3A_405 : vector<1x16xf32> to vector<16xf32>
      %mul3A_407 = arith.constant 22.6274166 : f32
      %mul3A_408 = vector.broadcast %mul3A_407 : f32 to vector<16xf32>
      %mul3A_409 = arith.mulf %get3A_406, %mul3A_408 : vector<16xf32>
      %swap3A_410 = arith.index_cast %scan3A_80 : i32 to index
      %swap3A_411 = arith.constant 432 : index
      %swap3A_412 = tpu.vector_load %arg8[%swap3A_410, %swap3A_411] {strides = array<i32>} : memref<40x512xf32, #tpu.memory_space<vmem>>, vector<1x16xf32>,
      %swap3A_413 = vector.shape_cast %swap3A_412 : vector<1x16xf32> to vector<16xf32>
      %swap3A_414 = vector.shape_cast %mul3A_409 : vector<16xf32> to vector<1x16xf32>
      tpu.vector_store %arg8[%swap3A_410, %swap3A_411], %swap3A_414 {strides = array<i32>} : memref<40x512xf32, #tpu.memory_space<vmem>>, vector<1x16xf32>,
      %get3A_415 = arith.index_cast %scan3A_80 : i32 to index
      %get3A_416 = arith.constant 448 : index
      %get3A_417 = tpu.vector_load %arg6[%get3A_415, %get3A_416] {strides = array<i32>} : memref<40x512xf32, #tpu.memory_space<vmem>>, vector<1x16xf32>,
      %get3A_418 = vector.shape_cast %get3A_417 : vector<1x16xf32> to vector<16xf32>
      %mul3A_419 = arith.constant 22.6274166 : f32
      %mul3A_420 = vector.broadcast %mul3A_419 : f32 to vector<16xf32>
      %mul3A_421 = arith.mulf %get3A_418, %mul3A_420 : vector<16xf32>
      %swap3A_422 = arith.index_cast %scan3A_80 : i32 to index
      %swap3A_423 = arith.constant 448 : index
      %swap3A_424 = tpu.vector_load %arg8[%swap3A_422, %swap3A_423] {strides = array<i32>} : memref<40x512xf32, #tpu.memory_space<vmem>>, vector<1x16xf32>,
      %swap3A_425 = vector.shape_cast %swap3A_424 : vector<1x16xf32> to vector<16xf32>
      %swap3A_426 = vector.shape_cast %mul3A_421 : vector<16xf32> to vector<1x16xf32>
      tpu.vector_store %arg8[%swap3A_422, %swap3A_423], %swap3A_426 {strides = array<i32>} : memref<40x512xf32, #tpu.memory_space<vmem>>, vector<1x16xf32>,
      %get3A_427 = arith.index_cast %scan3A_80 : i32 to index
      %get3A_428 = arith.constant 464 : index
      %get3A_429 = tpu.vector_load %arg6[%get3A_427, %get3A_428] {strides = array<i32>} : memref<40x512xf32, #tpu.memory_space<vmem>>, vector<1x16xf32>,
      %get3A_430 = vector.shape_cast %get3A_429 : vector<1x16xf32> to vector<16xf32>
      %mul3A_431 = arith.constant 22.6274166 : f32
      %mul3A_432 = vector.broadcast %mul3A_431 : f32 to vector<16xf32>
      %mul3A_433 = arith.mulf %get3A_430, %mul3A_432 : vector<16xf32>
      %swap3A_434 = arith.index_cast %scan3A_80 : i32 to index
      %swap3A_435 = arith.constant 464 : index
      %swap3A_436 = tpu.vector_load %arg8[%swap3A_434, %swap3A_435] {strides = array<i32>} : memref<40x512xf32, #tpu.memory_space<vmem>>, vector<1x16xf32>,
      %swap3A_437 = vector.shape_cast %swap3A_436 : vector<1x16xf32> to vector<16xf32>
      %swap3A_438 = vector.shape_cast %mul3A_433 : vector<16xf32> to vector<1x16xf32>
      tpu.vector_store %arg8[%swap3A_434, %swap3A_435], %swap3A_438 {strides = array<i32>} : memref<40x512xf32, #tpu.memory_space<vmem>>, vector<1x16xf32>,
      %get3A_439 = arith.index_cast %scan3A_80 : i32 to index
      %get3A_440 = arith.constant 480 : index
      %get3A_441 = tpu.vector_load %arg6[%get3A_439, %get3A_440] {strides = array<i32>} : memref<40x512xf32, #tpu.memory_space<vmem>>, vector<1x16xf32>,
      %get3A_442 = vector.shape_cast %get3A_441 : vector<1x16xf32> to vector<16xf32>
      %mul3A_443 = arith.constant 22.6274166 : f32
      %mul3A_444 = vector.broadcast %mul3A_443 : f32 to vector<16xf32>
      %mul3A_445 = arith.mulf %get3A_442, %mul3A_444 : vector<16xf32>
      %swap3A_446 = arith.index_cast %scan3A_80 : i32 to index
      %swap3A_447 = arith.constant 480 : index
      %swap3A_448 = tpu.vector_load %arg8[%swap3A_446, %swap3A_447] {strides = array<i32>} : memref<40x512xf32, #tpu.memory_space<vmem>>, vector<1x16xf32>,
      %swap3A_449 = vector.shape_cast %swap3A_448 : vector<1x16xf32> to vector<16xf32>
      %swap3A_450 = vector.shape_cast %mul3A_445 : vector<16xf32> to vector<1x16xf32>
      tpu.vector_store %arg8[%swap3A_446, %swap3A_447], %swap3A_450 {strides = array<i32>} : memref<40x512xf32, #tpu.memory_space<vmem>>, vector<1x16xf32>,
      %get3A_451 = arith.index_cast %scan3A_80 : i32 to index
      %get3A_452 = arith.constant 496 : index
      %get3A_453 = tpu.vector_load %arg6[%get3A_451, %get3A_452] {strides = array<i32>} : memref<40x512xf32, #tpu.memory_space<vmem>>, vector<1x16xf32>,
      %get3A_454 = vector.shape_cast %get3A_453 : vector<1x16xf32> to vector<16xf32>
      %mul3A_455 = arith.constant 22.6274166 : f32
      %mul3A_456 = vector.broadcast %mul3A_455 : f32 to vector<16xf32>
      %mul3A_457 = arith.mulf %get3A_454, %mul3A_456 : vector<16xf32>
      %swap3A_458 = arith.index_cast %scan3A_80 : i32 to index
      %swap3A_459 = arith.constant 496 : index
      %swap3A_460 = tpu.vector_load %arg8[%swap3A_458, %swap3A_459] {strides = array<i32>} : memref<40x512xf32, #tpu.memory_space<vmem>>, vector<1x16xf32>,
      %swap3A_461 = vector.shape_cast %swap3A_460 : vector<1x16xf32> to vector<16xf32>
      %swap3A_462 = vector.shape_cast %mul3A_457 : vector<16xf32> to vector<1x16xf32>
      tpu.vector_store %arg8[%swap3A_458, %swap3A_459], %swap3A_462 {strides = array<i32>} : memref<40x512xf32, #tpu.memory_space<vmem>>, vector<1x16xf32>,
    }
    %scan3A_26 = arith.constant 40 : i32
    %add3A_27 = arith.constant 0 : i32
    %add3A_28 = arith.addi %mul3A_2, %add3A_27 : i32
    %dma_start3A_29 = arith.constant 0 : i32
    %dma_start3A_30 = tpu.memref_slice %arg4[%add3A_28, %dma_start3A_29] : memref<204800x512xf32, #tpu.memory_space<hbm>> -> memref<40x512xf32, #tpu.memory_space<hbm>>
    %dma_start3A_31 = arith.constant 0 : i32
    %dma_start3A_32 = tpu.memref_slice %arg4[%add3A_28, %dma_start3A_31] : memref<204800x512xf32, #tpu.memory_space<hbm>> -> memref<40x512xf32, #tpu.memory_space<hbm>>
    tpu.enqueue_dma source(%arg8 : memref<40x512xf32, #tpu.memory_space<vmem>>) target(%dma_start3A_32 : memref<40x512xf32, #tpu.memory_space<hbm>>) target_semaphore(%arg12 : memref<!tpu.dma_semaphore, #tpu.memory_space<semaphore_mem>>)
    %dma_start3A_33 = arith.constant 2 : i32
    %dma_start3A_34 = arith.constant 0 : i32
    %dma_start3A_35 = tpu.memref_slice %arg5[%dma_start3A_33, %dma_start3A_34] : memref<160x40xi32, #tpu.memory_space<vmem>> -> memref<1x40xi32, #tpu.memory_space<vmem>>
    %dma_start3A_36 = tpu.memref_squeeze %dma_start3A_35 : memref<1x40xi32, #tpu.memory_space<vmem>> -> memref<40xi32, #tpu.memory_space<vmem>>
    %dma_start3A_37 = arith.constant 0 : i32
    %dma_start3A_38 = arith.constant 0 : i32
    %dma_start3A_39 = tpu.memref_slice %arg2[%dma_start3A_37, %dma_start3A_38] : memref<100000x512xf32, #tpu.memory_space<hbm>> -> memref<100000x512xf32, #tpu.memory_space<hbm>>
    tpu.enqueue_indirect_dma source(%dma_start3A_39 : memref<100000x512xf32, #tpu.memory_space<hbm>>) target(%arg6 : memref<40x512xf32, #tpu.memory_space<vmem>>) offsets(%dma_start3A_36 : memref<40xi32, #tpu.memory_space<vmem>>) semaphore(%arg10 : memref<!tpu.dma_semaphore, #tpu.memory_space<semaphore_mem>>)
    %dma_wait3A_40 = arith.constant 0 : i32
    %dma_wait3A_41 = arith.constant 0 : i32
    %dma_wait3A_42 = tpu.memref_slice %arg5[%dma_wait3A_40, %dma_wait3A_41] : memref<160x40xi32, #tpu.memory_space<vmem>> -> memref<1x40xi32, #tpu.memory_space<vmem>>
    %dma_wait3A_43 = tpu.memref_squeeze %dma_wait3A_42 : memref<1x40xi32, #tpu.memory_space<vmem>> -> memref<40xi32, #tpu.memory_space<vmem>>
    %dma_wait3A_44 = arith.constant 0 : i32
    %dma_wait3A_45 = arith.constant 0 : i32
    %dma_wait3A_46 = tpu.memref_slice %arg2[%dma_wait3A_44, %dma_wait3A_45] : memref<100000x512xf32, #tpu.memory_space<hbm>> -> memref<100000x512xf32, #tpu.memory_space<hbm>>
    tpu.wait_indirect_dma semaphore(%arg11 : memref<!tpu.dma_semaphore, #tpu.memory_space<semaphore_mem>>) src(%dma_wait3A_46 : memref<100000x512xf32, #tpu.memory_space<hbm>>) dst(%arg7 : memref<40x512xf32, #tpu.memory_space<vmem>>)
    %scan3A_47 = arith.constant 0 : i32
    %scan3A_48 = arith.constant 0 : i32
    %scan3A_49 = arith.constant 40 : i32
    %scan3A_50 = arith.addi %scan3A_48, %scan3A_49 : i32
    %scan3A_51 = arith.constant 1 : i32
    scf.for %scan3A_80 = %scan3A_48 to %scan3A_50 step %scan3A_51  : i32 {
      %get3A = arith.index_cast %scan3A_80 : i32 to index
      %get3A_81 = arith.constant 0 : index
      %get3A_82 = tpu.vector_load %arg7[%get3A, %get3A_81] {strides = array<i32>} : memref<40x512xf32, #tpu.memory_space<vmem>>, vector<1x16xf32>,
      %get3A_83 = vector.shape_cast %get3A_82 : vector<1x16xf32> to vector<16xf32>
      %mul3A_84 = arith.constant 22.6274166 : f32
      %mul3A_85 = vector.broadcast %mul3A_84 : f32 to vector<16xf32>
      %mul3A_86 = arith.mulf %get3A_83, %mul3A_85 : vector<16xf32>
      %swap3A = arith.index_cast %scan3A_80 : i32 to index
      %swap3A_87 = arith.constant 0 : index
      %swap3A_88 = tpu.vector_load %arg9[%swap3A, %swap3A_87] {strides = array<i32>} : memref<40x512xf32, #tpu.memory_space<vmem>>, vector<1x16xf32>,
      %swap3A_89 = vector.shape_cast %swap3A_88 : vector<1x16xf32> to vector<16xf32>
      %swap3A_90 = vector.shape_cast %mul3A_86 : vector<16xf32> to vector<1x16xf32>
      tpu.vector_store %arg9[%swap3A, %swap3A_87], %swap3A_90 {strides = array<i32>} : memref<40x512xf32, #tpu.memory_space<vmem>>, vector<1x16xf32>,
      %get3A_91 = arith.index_cast %scan3A_80 : i32 to index
      %get3A_92 = arith.constant 16 : index
      %get3A_93 = tpu.vector_load %arg7[%get3A_91, %get3A_92] {strides = array<i32>} : memref<40x512xf32, #tpu.memory_space<vmem>>, vector<1x16xf32>,
      %get3A_94 = vector.shape_cast %get3A_93 : vector<1x16xf32> to vector<16xf32>
      %mul3A_95 = arith.constant 22.6274166 : f32
      %mul3A_96 = vector.broadcast %mul3A_95 : f32 to vector<16xf32>
      %mul3A_97 = arith.mulf %get3A_94, %mul3A_96 : vector<16xf32>
      %swap3A_98 = arith.index_cast %scan3A_80 : i32 to index
      %swap3A_99 = arith.constant 16 : index
      %swap3A_100 = tpu.vector_load %arg9[%swap3A_98, %swap3A_99] {strides = array<i32>} : memref<40x512xf32, #tpu.memory_space<vmem>>, vector<1x16xf32>,
      %swap3A_101 = vector.shape_cast %swap3A_100 : vector<1x16xf32> to vector<16xf32>
      %swap3A_102 = vector.shape_cast %mul3A_97 : vector<16xf32> to vector<1x16xf32>
      tpu.vector_store %arg9[%swap3A_98, %swap3A_99], %swap3A_102 {strides = array<i32>} : memref<40x512xf32, #tpu.memory_space<vmem>>, vector<1x16xf32>,
      %get3A_103 = arith.index_cast %scan3A_80 : i32 to index
      %get3A_104 = arith.constant 32 : index
      %get3A_105 = tpu.vector_load %arg7[%get3A_103, %get3A_104] {strides = array<i32>} : memref<40x512xf32, #tpu.memory_space<vmem>>, vector<1x16xf32>,
      %get3A_106 = vector.shape_cast %get3A_105 : vector<1x16xf32> to vector<16xf32>
      %mul3A_107 = arith.constant 22.6274166 : f32
      %mul3A_108 = vector.broadcast %mul3A_107 : f32 to vector<16xf32>
      %mul3A_109 = arith.mulf %get3A_106, %mul3A_108 : vector<16xf32>
      %swap3A_110 = arith.index_cast %scan3A_80 : i32 to index
      %swap3A_111 = arith.constant 32 : index
      %swap3A_112 = tpu.vector_load %arg9[%swap3A_110, %swap3A_111] {strides = array<i32>} : memref<40x512xf32, #tpu.memory_space<vmem>>, vector<1x16xf32>,
      %swap3A_113 = vector.shape_cast %swap3A_112 : vector<1x16xf32> to vector<16xf32>
      %swap3A_114 = vector.shape_cast %mul3A_109 : vector<16xf32> to vector<1x16xf32>
      tpu.vector_store %arg9[%swap3A_110, %swap3A_111], %swap3A_114 {strides = array<i32>} : memref<40x512xf32, #tpu.memory_space<vmem>>, vector<1x16xf32>,
      %get3A_115 = arith.index_cast %scan3A_80 : i32 to index
      %get3A_116 = arith.constant 48 : index
      %get3A_117 = tpu.vector_load %arg7[%get3A_115, %get3A_116] {strides = array<i32>} : memref<40x512xf32, #tpu.memory_space<vmem>>, vector<1x16xf32>,
      %get3A_118 = vector.shape_cast %get3A_117 : vector<1x16xf32> to vector<16xf32>
      %mul3A_119 = arith.constant 22.6274166 : f32
      %mul3A_120 = vector.broadcast %mul3A_119 : f32 to vector<16xf32>
      %mul3A_121 = arith.mulf %get3A_118, %mul3A_120 : vector<16xf32>
      %swap3A_122 = arith.index_cast %scan3A_80 : i32 to index
      %swap3A_123 = arith.constant 48 : index
      %swap3A_124 = tpu.vector_load %arg9[%swap3A_122, %swap3A_123] {strides = array<i32>} : memref<40x512xf32, #tpu.memory_space<vmem>>, vector<1x16xf32>,
      %swap3A_125 = vector.shape_cast %swap3A_124 : vector<1x16xf32> to vector<16xf32>
      %swap3A_126 = vector.shape_cast %mul3A_121 : vector<16xf32> to vector<1x16xf32>
      tpu.vector_store %arg9[%swap3A_122, %swap3A_123], %swap3A_126 {strides = array<i32>} : memref<40x512xf32, #tpu.memory_space<vmem>>, vector<1x16xf32>,
      %get3A_127 = arith.index_cast %scan3A_80 : i32 to index
      %get3A_128 = arith.constant 64 : index
      %get3A_129 = tpu.vector_load %arg7[%get3A_127, %get3A_128] {strides = array<i32>} : memref<40x512xf32, #tpu.memory_space<vmem>>, vector<1x16xf32>,
      %get3A_130 = vector.shape_cast %get3A_129 : vector<1x16xf32> to vector<16xf32>
      %mul3A_131 = arith.constant 22.6274166 : f32
      %mul3A_132 = vector.broadcast %mul3A_131 : f32 to vector<16xf32>
      %mul3A_133 = arith.mulf %get3A_130, %mul3A_132 : vector<16xf32>
      %swap3A_134 = arith.index_cast %scan3A_80 : i32 to index
      %swap3A_135 = arith.constant 64 : index
      %swap3A_136 = tpu.vector_load %arg9[%swap3A_134, %swap3A_135] {strides = array<i32>} : memref<40x512xf32, #tpu.memory_space<vmem>>, vector<1x16xf32>,
      %swap3A_137 = vector.shape_cast %swap3A_136 : vector<1x16xf32> to vector<16xf32>
      %swap3A_138 = vector.shape_cast %mul3A_133 : vector<16xf32> to vector<1x16xf32>
      tpu.vector_store %arg9[%swap3A_134, %swap3A_135], %swap3A_138 {strides = array<i32>} : memref<40x512xf32, #tpu.memory_space<vmem>>, vector<1x16xf32>,
      %get3A_139 = arith.index_cast %scan3A_80 : i32 to index
      %get3A_140 = arith.constant 80 : index
      %get3A_141 = tpu.vector_load %arg7[%get3A_139, %get3A_140] {strides = array<i32>} : memref<40x512xf32, #tpu.memory_space<vmem>>, vector<1x16xf32>,
      %get3A_142 = vector.shape_cast %get3A_141 : vector<1x16xf32> to vector<16xf32>
      %mul3A_143 = arith.constant 22.6274166 : f32
      %mul3A_144 = vector.broadcast %mul3A_143 : f32 to vector<16xf32>
      %mul3A_145 = arith.mulf %get3A_142, %mul3A_144 : vector<16xf32>
      %swap3A_146 = arith.index_cast %scan3A_80 : i32 to index
      %swap3A_147 = arith.constant 80 : index
      %swap3A_148 = tpu.vector_load %arg9[%swap3A_146, %swap3A_147] {strides = array<i32>} : memref<40x512xf32, #tpu.memory_space<vmem>>, vector<1x16xf32>,
      %swap3A_149 = vector.shape_cast %swap3A_148 : vector<1x16xf32> to vector<16xf32>
      %swap3A_150 = vector.shape_cast %mul3A_145 : vector<16xf32> to vector<1x16xf32>
      tpu.vector_store %arg9[%swap3A_146, %swap3A_147], %swap3A_150 {strides = array<i32>} : memref<40x512xf32, #tpu.memory_space<vmem>>, vector<1x16xf32>,
      %get3A_151 = arith.index_cast %scan3A_80 : i32 to index
      %get3A_152 = arith.constant 96 : index
      %get3A_153 = tpu.vector_load %arg7[%get3A_151, %get3A_152] {strides = array<i32>} : memref<40x512xf32, #tpu.memory_space<vmem>>, vector<1x16xf32>,
      %get3A_154 = vector.shape_cast %get3A_153 : vector<1x16xf32> to vector<16xf32>
      %mul3A_155 = arith.constant 22.6274166 : f32
      %mul3A_156 = vector.broadcast %mul3A_155 : f32 to vector<16xf32>
      %mul3A_157 = arith.mulf %get3A_154, %mul3A_156 : vector<16xf32>
      %swap3A_158 = arith.index_cast %scan3A_80 : i32 to index
      %swap3A_159 = arith.constant 96 : index
      %swap3A_160 = tpu.vector_load %arg9[%swap3A_158, %swap3A_159] {strides = array<i32>} : memref<40x512xf32, #tpu.memory_space<vmem>>, vector<1x16xf32>,
      %swap3A_161 = vector.shape_cast %swap3A_160 : vector<1x16xf32> to vector<16xf32>
      %swap3A_162 = vector.shape_cast %mul3A_157 : vector<16xf32> to vector<1x16xf32>
      tpu.vector_store %arg9[%swap3A_158, %swap3A_159], %swap3A_162 {strides = array<i32>} : memref<40x512xf32, #tpu.memory_space<vmem>>, vector<1x16xf32>,
      %get3A_163 = arith.index_cast %scan3A_80 : i32 to index
      %get3A_164 = arith.constant 112 : index
      %get3A_165 = tpu.vector_load %arg7[%get3A_163, %get3A_164] {strides = array<i32>} : memref<40x512xf32, #tpu.memory_space<vmem>>, vector<1x16xf32>,
      %get3A_166 = vector.shape_cast %get3A_165 : vector<1x16xf32> to vector<16xf32>
      %mul3A_167 = arith.constant 22.6274166 : f32
      %mul3A_168 = vector.broadcast %mul3A_167 : f32 to vector<16xf32>
      %mul3A_169 = arith.mulf %get3A_166, %mul3A_168 : vector<16xf32>
      %swap3A_170 = arith.index_cast %scan3A_80 : i32 to index
      %swap3A_171 = arith.constant 112 : index
      %swap3A_172 = tpu.vector_load %arg9[%swap3A_170, %swap3A_171] {strides = array<i32>} : memref<40x512xf32, #tpu.memory_space<vmem>>, vector<1x16xf32>,
      %swap3A_173 = vector.shape_cast %swap3A_172 : vector<1x16xf32> to vector<16xf32>
      %swap3A_174 = vector.shape_cast %mul3A_169 : vector<16xf32> to vector<1x16xf32>
      tpu.vector_store %arg9[%swap3A_170, %swap3A_171], %swap3A_174 {strides = array<i32>} : memref<40x512xf32, #tpu.memory_space<vmem>>, vector<1x16xf32>,
      %get3A_175 = arith.index_cast %scan3A_80 : i32 to index
      %get3A_176 = arith.constant 128 : index
      %get3A_177 = tpu.vector_load %arg7[%get3A_175, %get3A_176] {strides = array<i32>} : memref<40x512xf32, #tpu.memory_space<vmem>>, vector<1x16xf32>,
      %get3A_178 = vector.shape_cast %get3A_177 : vector<1x16xf32> to vector<16xf32>
      %mul3A_179 = arith.constant 22.6274166 : f32
      %mul3A_180 = vector.broadcast %mul3A_179 : f32 to vector<16xf32>
      %mul3A_181 = arith.mulf %get3A_178, %mul3A_180 : vector<16xf32>
      %swap3A_182 = arith.index_cast %scan3A_80 : i32 to index
      %swap3A_183 = arith.constant 128 : index
      %swap3A_184 = tpu.vector_load %arg9[%swap3A_182, %swap3A_183] {strides = array<i32>} : memref<40x512xf32, #tpu.memory_space<vmem>>, vector<1x16xf32>,
      %swap3A_185 = vector.shape_cast %swap3A_184 : vector<1x16xf32> to vector<16xf32>
      %swap3A_186 = vector.shape_cast %mul3A_181 : vector<16xf32> to vector<1x16xf32>
      tpu.vector_store %arg9[%swap3A_182, %swap3A_183], %swap3A_186 {strides = array<i32>} : memref<40x512xf32, #tpu.memory_space<vmem>>, vector<1x16xf32>,
      %get3A_187 = arith.index_cast %scan3A_80 : i32 to index
      %get3A_188 = arith.constant 144 : index
      %get3A_189 = tpu.vector_load %arg7[%get3A_187, %get3A_188] {strides = array<i32>} : memref<40x512xf32, #tpu.memory_space<vmem>>, vector<1x16xf32>,
      %get3A_190 = vector.shape_cast %get3A_189 : vector<1x16xf32> to vector<16xf32>
      %mul3A_191 = arith.constant 22.6274166 : f32
      %mul3A_192 = vector.broadcast %mul3A_191 : f32 to vector<16xf32>
      %mul3A_193 = arith.mulf %get3A_190, %mul3A_192 : vector<16xf32>
      %swap3A_194 = arith.index_cast %scan3A_80 : i32 to index
      %swap3A_195 = arith.constant 144 : index
      %swap3A_196 = tpu.vector_load %arg9[%swap3A_194, %swap3A_195] {strides = array<i32>} : memref<40x512xf32, #tpu.memory_space<vmem>>, vector<1x16xf32>,
      %swap3A_197 = vector.shape_cast %swap3A_196 : vector<1x16xf32> to vector<16xf32>
      %swap3A_198 = vector.shape_cast %mul3A_193 : vector<16xf32> to vector<1x16xf32>
      tpu.vector_store %arg9[%swap3A_194, %swap3A_195], %swap3A_198 {strides = array<i32>} : memref<40x512xf32, #tpu.memory_space<vmem>>, vector<1x16xf32>,
      %get3A_199 = arith.index_cast %scan3A_80 : i32 to index
      %get3A_200 = arith.constant 160 : index
      %get3A_201 = tpu.vector_load %arg7[%get3A_199, %get3A_200] {strides = array<i32>} : memref<40x512xf32, #tpu.memory_space<vmem>>, vector<1x16xf32>,
      %get3A_202 = vector.shape_cast %get3A_201 : vector<1x16xf32> to vector<16xf32>
      %mul3A_203 = arith.constant 22.6274166 : f32
      %mul3A_204 = vector.broadcast %mul3A_203 : f32 to vector<16xf32>
      %mul3A_205 = arith.mulf %get3A_202, %mul3A_204 : vector<16xf32>
      %swap3A_206 = arith.index_cast %scan3A_80 : i32 to index
      %swap3A_207 = arith.constant 160 : index
      %swap3A_208 = tpu.vector_load %arg9[%swap3A_206, %swap3A_207] {strides = array<i32>} : memref<40x512xf32, #tpu.memory_space<vmem>>, vector<1x16xf32>,
      %swap3A_209 = vector.shape_cast %swap3A_208 : vector<1x16xf32> to vector<16xf32>
      %swap3A_210 = vector.shape_cast %mul3A_205 : vector<16xf32> to vector<1x16xf32>
      tpu.vector_store %arg9[%swap3A_206, %swap3A_207], %swap3A_210 {strides = array<i32>} : memref<40x512xf32, #tpu.memory_space<vmem>>, vector<1x16xf32>,
      %get3A_211 = arith.index_cast %scan3A_80 : i32 to index
      %get3A_212 = arith.constant 176 : index
      %get3A_213 = tpu.vector_load %arg7[%get3A_211, %get3A_212] {strides = array<i32>} : memref<40x512xf32, #tpu.memory_space<vmem>>, vector<1x16xf32>,
      %get3A_214 = vector.shape_cast %get3A_213 : vector<1x16xf32> to vector<16xf32>
      %mul3A_215 = arith.constant 22.6274166 : f32
      %mul3A_216 = vector.broadcast %mul3A_215 : f32 to vector<16xf32>
      %mul3A_217 = arith.mulf %get3A_214, %mul3A_216 : vector<16xf32>
      %swap3A_218 = arith.index_cast %scan3A_80 : i32 to index
      %swap3A_219 = arith.constant 176 : index
      %swap3A_220 = tpu.vector_load %arg9[%swap3A_218, %swap3A_219] {strides = array<i32>} : memref<40x512xf32, #tpu.memory_space<vmem>>, vector<1x16xf32>,
      %swap3A_221 = vector.shape_cast %swap3A_220 : vector<1x16xf32> to vector<16xf32>
      %swap3A_222 = vector.shape_cast %mul3A_217 : vector<16xf32> to vector<1x16xf32>
      tpu.vector_store %arg9[%swap3A_218, %swap3A_219], %swap3A_222 {strides = array<i32>} : memref<40x512xf32, #tpu.memory_space<vmem>>, vector<1x16xf32>,
      %get3A_223 = arith.index_cast %scan3A_80 : i32 to index
      %get3A_224 = arith.constant 192 : index
      %get3A_225 = tpu.vector_load %arg7[%get3A_223, %get3A_224] {strides = array<i32>} : memref<40x512xf32, #tpu.memory_space<vmem>>, vector<1x16xf32>,
      %get3A_226 = vector.shape_cast %get3A_225 : vector<1x16xf32> to vector<16xf32>
      %mul3A_227 = arith.constant 22.6274166 : f32
      %mul3A_228 = vector.broadcast %mul3A_227 : f32 to vector<16xf32>
      %mul3A_229 = arith.mulf %get3A_226, %mul3A_228 : vector<16xf32>
      %swap3A_230 = arith.index_cast %scan3A_80 : i32 to index
      %swap3A_231 = arith.constant 192 : index
      %swap3A_232 = tpu.vector_load %arg9[%swap3A_230, %swap3A_231] {strides = array<i32>} : memref<40x512xf32, #tpu.memory_space<vmem>>, vector<1x16xf32>,
      %swap3A_233 = vector.shape_cast %swap3A_232 : vector<1x16xf32> to vector<16xf32>
      %swap3A_234 = vector.shape_cast %mul3A_229 : vector<16xf32> to vector<1x16xf32>
      tpu.vector_store %arg9[%swap3A_230, %swap3A_231], %swap3A_234 {strides = array<i32>} : memref<40x512xf32, #tpu.memory_space<vmem>>, vector<1x16xf32>,
      %get3A_235 = arith.index_cast %scan3A_80 : i32 to index
      %get3A_236 = arith.constant 208 : index
      %get3A_237 = tpu.vector_load %arg7[%get3A_235, %get3A_236] {strides = array<i32>} : memref<40x512xf32, #tpu.memory_space<vmem>>, vector<1x16xf32>,
      %get3A_238 = vector.shape_cast %get3A_237 : vector<1x16xf32> to vector<16xf32>
      %mul3A_239 = arith.constant 22.6274166 : f32
      %mul3A_240 = vector.broadcast %mul3A_239 : f32 to vector<16xf32>
      %mul3A_241 = arith.mulf %get3A_238, %mul3A_240 : vector<16xf32>
      %swap3A_242 = arith.index_cast %scan3A_80 : i32 to index
      %swap3A_243 = arith.constant 208 : index
      %swap3A_244 = tpu.vector_load %arg9[%swap3A_242, %swap3A_243] {strides = array<i32>} : memref<40x512xf32, #tpu.memory_space<vmem>>, vector<1x16xf32>,
      %swap3A_245 = vector.shape_cast %swap3A_244 : vector<1x16xf32> to vector<16xf32>
      %swap3A_246 = vector.shape_cast %mul3A_241 : vector<16xf32> to vector<1x16xf32>
      tpu.vector_store %arg9[%swap3A_242, %swap3A_243], %swap3A_246 {strides = array<i32>} : memref<40x512xf32, #tpu.memory_space<vmem>>, vector<1x16xf32>,
      %get3A_247 = arith.index_cast %scan3A_80 : i32 to index
      %get3A_248 = arith.constant 224 : index
      %get3A_249 = tpu.vector_load %arg7[%get3A_247, %get3A_248] {strides = array<i32>} : memref<40x512xf32, #tpu.memory_space<vmem>>, vector<1x16xf32>,
      %get3A_250 = vector.shape_cast %get3A_249 : vector<1x16xf32> to vector<16xf32>
      %mul3A_251 = arith.constant 22.6274166 : f32
      %mul3A_252 = vector.broadcast %mul3A_251 : f32 to vector<16xf32>
      %mul3A_253 = arith.mulf %get3A_250, %mul3A_252 : vector<16xf32>
      %swap3A_254 = arith.index_cast %scan3A_80 : i32 to index
      %swap3A_255 = arith.constant 224 : index
      %swap3A_256 = tpu.vector_load %arg9[%swap3A_254, %swap3A_255] {strides = array<i32>} : memref<40x512xf32, #tpu.memory_space<vmem>>, vector<1x16xf32>,
      %swap3A_257 = vector.shape_cast %swap3A_256 : vector<1x16xf32> to vector<16xf32>
      %swap3A_258 = vector.shape_cast %mul3A_253 : vector<16xf32> to vector<1x16xf32>
      tpu.vector_store %arg9[%swap3A_254, %swap3A_255], %swap3A_258 {strides = array<i32>} : memref<40x512xf32, #tpu.memory_space<vmem>>, vector<1x16xf32>,
      %get3A_259 = arith.index_cast %scan3A_80 : i32 to index
      %get3A_260 = arith.constant 240 : index
      %get3A_261 = tpu.vector_load %arg7[%get3A_259, %get3A_260] {strides = array<i32>} : memref<40x512xf32, #tpu.memory_space<vmem>>, vector<1x16xf32>,
      %get3A_262 = vector.shape_cast %get3A_261 : vector<1x16xf32> to vector<16xf32>
      %mul3A_263 = arith.constant 22.6274166 : f32
      %mul3A_264 = vector.broadcast %mul3A_263 : f32 to vector<16xf32>
      %mul3A_265 = arith.mulf %get3A_262, %mul3A_264 : vector<16xf32>
      %swap3A_266 = arith.index_cast %scan3A_80 : i32 to index
      %swap3A_267 = arith.constant 240 : index
      %swap3A_268 = tpu.vector_load %arg9[%swap3A_266, %swap3A_267] {strides = array<i32>} : memref<40x512xf32, #tpu.memory_space<vmem>>, vector<1x16xf32>,
      %swap3A_269 = vector.shape_cast %swap3A_268 : vector<1x16xf32> to vector<16xf32>
      %swap3A_270 = vector.shape_cast %mul3A_265 : vector<16xf32> to vector<1x16xf32>
      tpu.vector_store %arg9[%swap3A_266, %swap3A_267], %swap3A_270 {strides = array<i32>} : memref<40x512xf32, #tpu.memory_space<vmem>>, vector<1x16xf32>,
      %get3A_271 = arith.index_cast %scan3A_80 : i32 to index
      %get3A_272 = arith.constant 256 : index
      %get3A_273 = tpu.vector_load %arg7[%get3A_271, %get3A_272] {strides = array<i32>} : memref<40x512xf32, #tpu.memory_space<vmem>>, vector<1x16xf32>,
      %get3A_274 = vector.shape_cast %get3A_273 : vector<1x16xf32> to vector<16xf32>
      %mul3A_275 = arith.constant 22.6274166 : f32
      %mul3A_276 = vector.broadcast %mul3A_275 : f32 to vector<16xf32>
      %mul3A_277 = arith.mulf %get3A_274, %mul3A_276 : vector<16xf32>
      %swap3A_278 = arith.index_cast %scan3A_80 : i32 to index
      %swap3A_279 = arith.constant 256 : index
      %swap3A_280 = tpu.vector_load %arg9[%swap3A_278, %swap3A_279] {strides = array<i32>} : memref<40x512xf32, #tpu.memory_space<vmem>>, vector<1x16xf32>,
      %swap3A_281 = vector.shape_cast %swap3A_280 : vector<1x16xf32> to vector<16xf32>
      %swap3A_282 = vector.shape_cast %mul3A_277 : vector<16xf32> to vector<1x16xf32>
      tpu.vector_store %arg9[%swap3A_278, %swap3A_279], %swap3A_282 {strides = array<i32>} : memref<40x512xf32, #tpu.memory_space<vmem>>, vector<1x16xf32>,
      %get3A_283 = arith.index_cast %scan3A_80 : i32 to index
      %get3A_284 = arith.constant 272 : index
      %get3A_285 = tpu.vector_load %arg7[%get3A_283, %get3A_284] {strides = array<i32>} : memref<40x512xf32, #tpu.memory_space<vmem>>, vector<1x16xf32>,
      %get3A_286 = vector.shape_cast %get3A_285 : vector<1x16xf32> to vector<16xf32>
      %mul3A_287 = arith.constant 22.6274166 : f32
      %mul3A_288 = vector.broadcast %mul3A_287 : f32 to vector<16xf32>
      %mul3A_289 = arith.mulf %get3A_286, %mul3A_288 : vector<16xf32>
      %swap3A_290 = arith.index_cast %scan3A_80 : i32 to index
      %swap3A_291 = arith.constant 272 : index
      %swap3A_292 = tpu.vector_load %arg9[%swap3A_290, %swap3A_291] {strides = array<i32>} : memref<40x512xf32, #tpu.memory_space<vmem>>, vector<1x16xf32>,
      %swap3A_293 = vector.shape_cast %swap3A_292 : vector<1x16xf32> to vector<16xf32>
      %swap3A_294 = vector.shape_cast %mul3A_289 : vector<16xf32> to vector<1x16xf32>
      tpu.vector_store %arg9[%swap3A_290, %swap3A_291], %swap3A_294 {strides = array<i32>} : memref<40x512xf32, #tpu.memory_space<vmem>>, vector<1x16xf32>,
      %get3A_295 = arith.index_cast %scan3A_80 : i32 to index
      %get3A_296 = arith.constant 288 : index
      %get3A_297 = tpu.vector_load %arg7[%get3A_295, %get3A_296] {strides = array<i32>} : memref<40x512xf32, #tpu.memory_space<vmem>>, vector<1x16xf32>,
      %get3A_298 = vector.shape_cast %get3A_297 : vector<1x16xf32> to vector<16xf32>
      %mul3A_299 = arith.constant 22.6274166 : f32
      %mul3A_300 = vector.broadcast %mul3A_299 : f32 to vector<16xf32>
      %mul3A_301 = arith.mulf %get3A_298, %mul3A_300 : vector<16xf32>
      %swap3A_302 = arith.index_cast %scan3A_80 : i32 to index
      %swap3A_303 = arith.constant 288 : index
      %swap3A_304 = tpu.vector_load %arg9[%swap3A_302, %swap3A_303] {strides = array<i32>} : memref<40x512xf32, #tpu.memory_space<vmem>>, vector<1x16xf32>,
      %swap3A_305 = vector.shape_cast %swap3A_304 : vector<1x16xf32> to vector<16xf32>
      %swap3A_306 = vector.shape_cast %mul3A_301 : vector<16xf32> to vector<1x16xf32>
      tpu.vector_store %arg9[%swap3A_302, %swap3A_303], %swap3A_306 {strides = array<i32>} : memref<40x512xf32, #tpu.memory_space<vmem>>, vector<1x16xf32>,
      %get3A_307 = arith.index_cast %scan3A_80 : i32 to index
      %get3A_308 = arith.constant 304 : index
      %get3A_309 = tpu.vector_load %arg7[%get3A_307, %get3A_308] {strides = array<i32>} : memref<40x512xf32, #tpu.memory_space<vmem>>, vector<1x16xf32>,
      %get3A_310 = vector.shape_cast %get3A_309 : vector<1x16xf32> to vector<16xf32>
      %mul3A_311 = arith.constant 22.6274166 : f32
      %mul3A_312 = vector.broadcast %mul3A_311 : f32 to vector<16xf32>
      %mul3A_313 = arith.mulf %get3A_310, %mul3A_312 : vector<16xf32>
      %swap3A_314 = arith.index_cast %scan3A_80 : i32 to index
      %swap3A_315 = arith.constant 304 : index
      %swap3A_316 = tpu.vector_load %arg9[%swap3A_314, %swap3A_315] {strides = array<i32>} : memref<40x512xf32, #tpu.memory_space<vmem>>, vector<1x16xf32>,
      %swap3A_317 = vector.shape_cast %swap3A_316 : vector<1x16xf32> to vector<16xf32>
      %swap3A_318 = vector.shape_cast %mul3A_313 : vector<16xf32> to vector<1x16xf32>
      tpu.vector_store %arg9[%swap3A_314, %swap3A_315], %swap3A_318 {strides = array<i32>} : memref<40x512xf32, #tpu.memory_space<vmem>>, vector<1x16xf32>,
      %get3A_319 = arith.index_cast %scan3A_80 : i32 to index
      %get3A_320 = arith.constant 320 : index
      %get3A_321 = tpu.vector_load %arg7[%get3A_319, %get3A_320] {strides = array<i32>} : memref<40x512xf32, #tpu.memory_space<vmem>>, vector<1x16xf32>,
      %get3A_322 = vector.shape_cast %get3A_321 : vector<1x16xf32> to vector<16xf32>
      %mul3A_323 = arith.constant 22.6274166 : f32
      %mul3A_324 = vector.broadcast %mul3A_323 : f32 to vector<16xf32>
      %mul3A_325 = arith.mulf %get3A_322, %mul3A_324 : vector<16xf32>
      %swap3A_326 = arith.index_cast %scan3A_80 : i32 to index
      %swap3A_327 = arith.constant 320 : index
      %swap3A_328 = tpu.vector_load %arg9[%swap3A_326, %swap3A_327] {strides = array<i32>} : memref<40x512xf32, #tpu.memory_space<vmem>>, vector<1x16xf32>,
      %swap3A_329 = vector.shape_cast %swap3A_328 : vector<1x16xf32> to vector<16xf32>
      %swap3A_330 = vector.shape_cast %mul3A_325 : vector<16xf32> to vector<1x16xf32>
      tpu.vector_store %arg9[%swap3A_326, %swap3A_327], %swap3A_330 {strides = array<i32>} : memref<40x512xf32, #tpu.memory_space<vmem>>, vector<1x16xf32>,
      %get3A_331 = arith.index_cast %scan3A_80 : i32 to index
      %get3A_332 = arith.constant 336 : index
      %get3A_333 = tpu.vector_load %arg7[%get3A_331, %get3A_332] {strides = array<i32>} : memref<40x512xf32, #tpu.memory_space<vmem>>, vector<1x16xf32>,
      %get3A_334 = vector.shape_cast %get3A_333 : vector<1x16xf32> to vector<16xf32>
      %mul3A_335 = arith.constant 22.6274166 : f32
      %mul3A_336 = vector.broadcast %mul3A_335 : f32 to vector<16xf32>
      %mul3A_337 = arith.mulf %get3A_334, %mul3A_336 : vector<16xf32>
      %swap3A_338 = arith.index_cast %scan3A_80 : i32 to index
      %swap3A_339 = arith.constant 336 : index
      %swap3A_340 = tpu.vector_load %arg9[%swap3A_338, %swap3A_339] {strides = array<i32>} : memref<40x512xf32, #tpu.memory_space<vmem>>, vector<1x16xf32>,
      %swap3A_341 = vector.shape_cast %swap3A_340 : vector<1x16xf32> to vector<16xf32>
      %swap3A_342 = vector.shape_cast %mul3A_337 : vector<16xf32> to vector<1x16xf32>
      tpu.vector_store %arg9[%swap3A_338, %swap3A_339], %swap3A_342 {strides = array<i32>} : memref<40x512xf32, #tpu.memory_space<vmem>>, vector<1x16xf32>,
      %get3A_343 = arith.index_cast %scan3A_80 : i32 to index
      %get3A_344 = arith.constant 352 : index
      %get3A_345 = tpu.vector_load %arg7[%get3A_343, %get3A_344] {strides = array<i32>} : memref<40x512xf32, #tpu.memory_space<vmem>>, vector<1x16xf32>,
      %get3A_346 = vector.shape_cast %get3A_345 : vector<1x16xf32> to vector<16xf32>
      %mul3A_347 = arith.constant 22.6274166 : f32
      %mul3A_348 = vector.broadcast %mul3A_347 : f32 to vector<16xf32>
      %mul3A_349 = arith.mulf %get3A_346, %mul3A_348 : vector<16xf32>
      %swap3A_350 = arith.index_cast %scan3A_80 : i32 to index
      %swap3A_351 = arith.constant 352 : index
      %swap3A_352 = tpu.vector_load %arg9[%swap3A_350, %swap3A_351] {strides = array<i32>} : memref<40x512xf32, #tpu.memory_space<vmem>>, vector<1x16xf32>,
      %swap3A_353 = vector.shape_cast %swap3A_352 : vector<1x16xf32> to vector<16xf32>
      %swap3A_354 = vector.shape_cast %mul3A_349 : vector<16xf32> to vector<1x16xf32>
      tpu.vector_store %arg9[%swap3A_350, %swap3A_351], %swap3A_354 {strides = array<i32>} : memref<40x512xf32, #tpu.memory_space<vmem>>, vector<1x16xf32>,
      %get3A_355 = arith.index_cast %scan3A_80 : i32 to index
      %get3A_356 = arith.constant 368 : index
      %get3A_357 = tpu.vector_load %arg7[%get3A_355, %get3A_356] {strides = array<i32>} : memref<40x512xf32, #tpu.memory_space<vmem>>, vector<1x16xf32>,
      %get3A_358 = vector.shape_cast %get3A_357 : vector<1x16xf32> to vector<16xf32>
      %mul3A_359 = arith.constant 22.6274166 : f32
      %mul3A_360 = vector.broadcast %mul3A_359 : f32 to vector<16xf32>
      %mul3A_361 = arith.mulf %get3A_358, %mul3A_360 : vector<16xf32>
      %swap3A_362 = arith.index_cast %scan3A_80 : i32 to index
      %swap3A_363 = arith.constant 368 : index
      %swap3A_364 = tpu.vector_load %arg9[%swap3A_362, %swap3A_363] {strides = array<i32>} : memref<40x512xf32, #tpu.memory_space<vmem>>, vector<1x16xf32>,
      %swap3A_365 = vector.shape_cast %swap3A_364 : vector<1x16xf32> to vector<16xf32>
      %swap3A_366 = vector.shape_cast %mul3A_361 : vector<16xf32> to vector<1x16xf32>
      tpu.vector_store %arg9[%swap3A_362, %swap3A_363], %swap3A_366 {strides = array<i32>} : memref<40x512xf32, #tpu.memory_space<vmem>>, vector<1x16xf32>,
      %get3A_367 = arith.index_cast %scan3A_80 : i32 to index
      %get3A_368 = arith.constant 384 : index
      %get3A_369 = tpu.vector_load %arg7[%get3A_367, %get3A_368] {strides = array<i32>} : memref<40x512xf32, #tpu.memory_space<vmem>>, vector<1x16xf32>,
      %get3A_370 = vector.shape_cast %get3A_369 : vector<1x16xf32> to vector<16xf32>
      %mul3A_371 = arith.constant 22.6274166 : f32
      %mul3A_372 = vector.broadcast %mul3A_371 : f32 to vector<16xf32>
      %mul3A_373 = arith.mulf %get3A_370, %mul3A_372 : vector<16xf32>
      %swap3A_374 = arith.index_cast %scan3A_80 : i32 to index
      %swap3A_375 = arith.constant 384 : index
      %swap3A_376 = tpu.vector_load %arg9[%swap3A_374, %swap3A_375] {strides = array<i32>} : memref<40x512xf32, #tpu.memory_space<vmem>>, vector<1x16xf32>,
      %swap3A_377 = vector.shape_cast %swap3A_376 : vector<1x16xf32> to vector<16xf32>
      %swap3A_378 = vector.shape_cast %mul3A_373 : vector<16xf32> to vector<1x16xf32>
      tpu.vector_store %arg9[%swap3A_374, %swap3A_375], %swap3A_378 {strides = array<i32>} : memref<40x512xf32, #tpu.memory_space<vmem>>, vector<1x16xf32>,
      %get3A_379 = arith.index_cast %scan3A_80 : i32 to index
      %get3A_380 = arith.constant 400 : index
      %get3A_381 = tpu.vector_load %arg7[%get3A_379, %get3A_380] {strides = array<i32>} : memref<40x512xf32, #tpu.memory_space<vmem>>, vector<1x16xf32>,
      %get3A_382 = vector.shape_cast %get3A_381 : vector<1x16xf32> to vector<16xf32>
      %mul3A_383 = arith.constant 22.6274166 : f32
      %mul3A_384 = vector.broadcast %mul3A_383 : f32 to vector<16xf32>
      %mul3A_385 = arith.mulf %get3A_382, %mul3A_384 : vector<16xf32>
      %swap3A_386 = arith.index_cast %scan3A_80 : i32 to index
      %swap3A_387 = arith.constant 400 : index
      %swap3A_388 = tpu.vector_load %arg9[%swap3A_386, %swap3A_387] {strides = array<i32>} : memref<40x512xf32, #tpu.memory_space<vmem>>, vector<1x16xf32>,
      %swap3A_389 = vector.shape_cast %swap3A_388 : vector<1x16xf32> to vector<16xf32>
      %swap3A_390 = vector.shape_cast %mul3A_385 : vector<16xf32> to vector<1x16xf32>
      tpu.vector_store %arg9[%swap3A_386, %swap3A_387], %swap3A_390 {strides = array<i32>} : memref<40x512xf32, #tpu.memory_space<vmem>>, vector<1x16xf32>,
      %get3A_391 = arith.index_cast %scan3A_80 : i32 to index
      %get3A_392 = arith.constant 416 : index
      %get3A_393 = tpu.vector_load %arg7[%get3A_391, %get3A_392] {strides = array<i32>} : memref<40x512xf32, #tpu.memory_space<vmem>>, vector<1x16xf32>,
      %get3A_394 = vector.shape_cast %get3A_393 : vector<1x16xf32> to vector<16xf32>
      %mul3A_395 = arith.constant 22.6274166 : f32
      %mul3A_396 = vector.broadcast %mul3A_395 : f32 to vector<16xf32>
      %mul3A_397 = arith.mulf %get3A_394, %mul3A_396 : vector<16xf32>
      %swap3A_398 = arith.index_cast %scan3A_80 : i32 to index
      %swap3A_399 = arith.constant 416 : index
      %swap3A_400 = tpu.vector_load %arg9[%swap3A_398, %swap3A_399] {strides = array<i32>} : memref<40x512xf32, #tpu.memory_space<vmem>>, vector<1x16xf32>,
      %swap3A_401 = vector.shape_cast %swap3A_400 : vector<1x16xf32> to vector<16xf32>
      %swap3A_402 = vector.shape_cast %mul3A_397 : vector<16xf32> to vector<1x16xf32>
      tpu.vector_store %arg9[%swap3A_398, %swap3A_399], %swap3A_402 {strides = array<i32>} : memref<40x512xf32, #tpu.memory_space<vmem>>, vector<1x16xf32>,
      %get3A_403 = arith.index_cast %scan3A_80 : i32 to index
      %get3A_404 = arith.constant 432 : index
      %get3A_405 = tpu.vector_load %arg7[%get3A_403, %get3A_404] {strides = array<i32>} : memref<40x512xf32, #tpu.memory_space<vmem>>, vector<1x16xf32>,
      %get3A_406 = vector.shape_cast %get3A_405 : vector<1x16xf32> to vector<16xf32>
      %mul3A_407 = arith.constant 22.6274166 : f32
      %mul3A_408 = vector.broadcast %mul3A_407 : f32 to vector<16xf32>
      %mul3A_409 = arith.mulf %get3A_406, %mul3A_408 : vector<16xf32>
      %swap3A_410 = arith.index_cast %scan3A_80 : i32 to index
      %swap3A_411 = arith.constant 432 : index
      %swap3A_412 = tpu.vector_load %arg9[%swap3A_410, %swap3A_411] {strides = array<i32>} : memref<40x512xf32, #tpu.memory_space<vmem>>, vector<1x16xf32>,
      %swap3A_413 = vector.shape_cast %swap3A_412 : vector<1x16xf32> to vector<16xf32>
      %swap3A_414 = vector.shape_cast %mul3A_409 : vector<16xf32> to vector<1x16xf32>
      tpu.vector_store %arg9[%swap3A_410, %swap3A_411], %swap3A_414 {strides = array<i32>} : memref<40x512xf32, #tpu.memory_space<vmem>>, vector<1x16xf32>,
      %get3A_415 = arith.index_cast %scan3A_80 : i32 to index
      %get3A_416 = arith.constant 448 : index
      %get3A_417 = tpu.vector_load %arg7[%get3A_415, %get3A_416] {strides = array<i32>} : memref<40x512xf32, #tpu.memory_space<vmem>>, vector<1x16xf32>,
      %get3A_418 = vector.shape_cast %get3A_417 : vector<1x16xf32> to vector<16xf32>
      %mul3A_419 = arith.constant 22.6274166 : f32
      %mul3A_420 = vector.broadcast %mul3A_419 : f32 to vector<16xf32>
      %mul3A_421 = arith.mulf %get3A_418, %mul3A_420 : vector<16xf32>
      %swap3A_422 = arith.index_cast %scan3A_80 : i32 to index
      %swap3A_423 = arith.constant 448 : index
      %swap3A_424 = tpu.vector_load %arg9[%swap3A_422, %swap3A_423] {strides = array<i32>} : memref<40x512xf32, #tpu.memory_space<vmem>>, vector<1x16xf32>,
      %swap3A_425 = vector.shape_cast %swap3A_424 : vector<1x16xf32> to vector<16xf32>
      %swap3A_426 = vector.shape_cast %mul3A_421 : vector<16xf32> to vector<1x16xf32>
      tpu.vector_store %arg9[%swap3A_422, %swap3A_423], %swap3A_426 {strides = array<i32>} : memref<40x512xf32, #tpu.memory_space<vmem>>, vector<1x16xf32>,
      %get3A_427 = arith.index_cast %scan3A_80 : i32 to index
      %get3A_428 = arith.constant 464 : index
      %get3A_429 = tpu.vector_load %arg7[%get3A_427, %get3A_428] {strides = array<i32>} : memref<40x512xf32, #tpu.memory_space<vmem>>, vector<1x16xf32>,
      %get3A_430 = vector.shape_cast %get3A_429 : vector<1x16xf32> to vector<16xf32>
      %mul3A_431 = arith.constant 22.6274166 : f32
      %mul3A_432 = vector.broadcast %mul3A_431 : f32 to vector<16xf32>
      %mul3A_433 = arith.mulf %get3A_430, %mul3A_432 : vector<16xf32>
      %swap3A_434 = arith.index_cast %scan3A_80 : i32 to index
      %swap3A_435 = arith.constant 464 : index
      %swap3A_436 = tpu.vector_load %arg9[%swap3A_434, %swap3A_435] {strides = array<i32>} : memref<40x512xf32, #tpu.memory_space<vmem>>, vector<1x16xf32>,
      %swap3A_437 = vector.shape_cast %swap3A_436 : vector<1x16xf32> to vector<16xf32>
      %swap3A_438 = vector.shape_cast %mul3A_433 : vector<16xf32> to vector<1x16xf32>
      tpu.vector_store %arg9[%swap3A_434, %swap3A_435], %swap3A_438 {strides = array<i32>} : memref<40x512xf32, #tpu.memory_space<vmem>>, vector<1x16xf32>,
      %get3A_439 = arith.index_cast %scan3A_80 : i32 to index
      %get3A_440 = arith.constant 480 : index
      %get3A_441 = tpu.vector_load %arg7[%get3A_439, %get3A_440] {strides = array<i32>} : memref<40x512xf32, #tpu.memory_space<vmem>>, vector<1x16xf32>,
      %get3A_442 = vector.shape_cast %get3A_441 : vector<1x16xf32> to vector<16xf32>
      %mul3A_443 = arith.constant 22.6274166 : f32
      %mul3A_444 = vector.broadcast %mul3A_443 : f32 to vector<16xf32>
      %mul3A_445 = arith.mulf %get3A_442, %mul3A_444 : vector<16xf32>
      %swap3A_446 = arith.index_cast %scan3A_80 : i32 to index
      %swap3A_447 = arith.constant 480 : index
      %swap3A_448 = tpu.vector_load %arg9[%swap3A_446, %swap3A_447] {strides = array<i32>} : memref<40x512xf32, #tpu.memory_space<vmem>>, vector<1x16xf32>,
      %swap3A_449 = vector.shape_cast %swap3A_448 : vector<1x16xf32> to vector<16xf32>
      %swap3A_450 = vector.shape_cast %mul3A_445 : vector<16xf32> to vector<1x16xf32>
      tpu.vector_store %arg9[%swap3A_446, %swap3A_447], %swap3A_450 {strides = array<i32>} : memref<40x512xf32, #tpu.memory_space<vmem>>, vector<1x16xf32>,
      %get3A_451 = arith.index_cast %scan3A_80 : i32 to index
      %get3A_452 = arith.constant 496 : index
      %get3A_453 = tpu.vector_load %arg7[%get3A_451, %get3A_452] {strides = array<i32>} : memref<40x512xf32, #tpu.memory_space<vmem>>, vector<1x16xf32>,
      %get3A_454 = vector.shape_cast %get3A_453 : vector<1x16xf32> to vector<16xf32>
      %mul3A_455 = arith.constant 22.6274166 : f32
      %mul3A_456 = vector.broadcast %mul3A_455 : f32 to vector<16xf32>
      %mul3A_457 = arith.mulf %get3A_454, %mul3A_456 : vector<16xf32>
      %swap3A_458 = arith.index_cast %scan3A_80 : i32 to index
      %swap3A_459 = arith.constant 496 : index
      %swap3A_460 = tpu.vector_load %arg9[%swap3A_458, %swap3A_459] {strides = array<i32>} : memref<40x512xf32, #tpu.memory_space<vmem>>, vector<1x16xf32>,
      %swap3A_461 = vector.shape_cast %swap3A_460 : vector<1x16xf32> to vector<16xf32>
      %swap3A_462 = vector.shape_cast %mul3A_457 : vector<16xf32> to vector<1x16xf32>
      tpu.vector_store %arg9[%swap3A_458, %swap3A_459], %swap3A_462 {strides = array<i32>} : memref<40x512xf32, #tpu.memory_space<vmem>>, vector<1x16xf32>,
    }
    %scan3A_52 = arith.constant 40 : i32
    %add3A_53 = arith.constant 40 : i32
    %add3A_54 = arith.addi %mul3A_2, %add3A_53 : i32
    %dma_start3A_55 = arith.constant 0 : i32
    %dma_start3A_56 = tpu.memref_slice %arg4[%add3A_54, %dma_start3A_55] : memref<204800x512xf32, #tpu.memory_space<hbm>> -> memref<40x512xf32, #tpu.memory_space<hbm>>
    %dma_start3A_57 = arith.constant 0 : i32
    %dma_start3A_58 = tpu.memref_slice %arg4[%add3A_54, %dma_start3A_57] : memref<204800x512xf32, #tpu.memory_space<hbm>> -> memref<40x512xf32, #tpu.memory_space<hbm>>
    tpu.enqueue_dma source(%arg9 : memref<40x512xf32, #tpu.memory_space<vmem>>) target(%dma_start3A_58 : memref<40x512xf32, #tpu.memory_space<hbm>>) target_semaphore(%arg13 : memref<!tpu.dma_semaphore, #tpu.memory_space<semaphore_mem>>)
    %dma_start3A_59 = arith.constant 3 : i32
    %dma_start3A_60 = arith.constant 0 : i32
    %dma_start3A_61 = tpu.memref_slice %arg5[%dma_start3A_59, %dma_start3A_60] : memref<160x40xi32, #tpu.memory_space<vmem>> -> memref<1x40xi32, #tpu.memory_space<vmem>>
    %dma_start3A_62 = tpu.memref_squeeze %dma_start3A_61 : memref<1x40xi32, #tpu.memory_space<vmem>> -> memref<40xi32, #tpu.memory_space<vmem>>
    %dma_start3A_63 = arith.constant 0 : i32
    %dma_start3A_64 = arith.constant 0 : i32
    %dma_start3A_65 = tpu.memref_slice %arg2[%dma_start3A_63, %dma_start3A_64] : memref<100000x512xf32, #tpu.memory_space<hbm>> -> memref<100000x512xf32, #tpu.memory_space<hbm>>
    tpu.enqueue_indirect_dma source(%dma_start3A_65 : memref<100000x512xf32, #tpu.memory_space<hbm>>) target(%arg7 : memref<40x512xf32, #tpu.memory_space<vmem>>) offsets(%dma_start3A_62 : memref<40xi32, #tpu.memory_space<vmem>>) semaphore(%arg11 : memref<!tpu.dma_semaphore, #tpu.memory_space<semaphore_mem>>)
    %scan3A_66 = arith.constant 0 : i32
    %scan3A_67 = arith.constant 1 : i32
    %scan3A_68 = arith.constant 79 : i32
    %scan3A_69 = arith.addi %scan3A_67, %scan3A_68 : i32
    %scan3A_70 = arith.constant 1 : i32
    scf.for %scan3A_80 = %scan3A_67 to %scan3A_69 step %scan3A_70  : i32 {
      %mul3A_81 = arith.constant 2 : i32
      %mul3A_82 = arith.muli %mul3A_81, %scan3A_80 : i32
      %add3A_83 = arith.constant 0 : i32
      %add3A_84 = arith.addi %mul3A_82, %add3A_83 : i32
      %dma_wait3A_85 = arith.constant 0 : i32
      %dma_wait3A_86 = arith.constant 0 : i32
      %dma_wait3A_87 = tpu.memref_slice %arg5[%dma_wait3A_85, %dma_wait3A_86] : memref<160x40xi32, #tpu.memory_space<vmem>> -> memref<1x40xi32, #tpu.memory_space<vmem>>
      %dma_wait3A_88 = tpu.memref_squeeze %dma_wait3A_87 : memref<1x40xi32, #tpu.memory_space<vmem>> -> memref<40xi32, #tpu.memory_space<vmem>>
      %dma_wait3A_89 = arith.constant 0 : i32
      %dma_wait3A_90 = arith.constant 0 : i32
      %dma_wait3A_91 = tpu.memref_slice %arg2[%dma_wait3A_89, %dma_wait3A_90] : memref<100000x512xf32, #tpu.memory_space<hbm>> -> memref<100000x512xf32, #tpu.memory_space<hbm>>
      tpu.wait_indirect_dma semaphore(%arg10 : memref<!tpu.dma_semaphore, #tpu.memory_space<semaphore_mem>>) src(%dma_wait3A_91 : memref<100000x512xf32, #tpu.memory_space<hbm>>) dst(%arg6 : memref<40x512xf32, #tpu.memory_space<vmem>>)
      %dma_wait3A_92 = arith.constant 0 : i32
      %dma_wait3A_93 = tpu.memref_slice %arg4[%mul3A_2, %dma_wait3A_92] : memref<204800x512xf32, #tpu.memory_space<hbm>> -> memref<40x512xf32, #tpu.memory_space<hbm>>
      %dma_wait3A_94 = arith.constant 0 : i32
      %dma_wait3A_95 = tpu.memref_slice %arg4[%mul3A_2, %dma_wait3A_94] : memref<204800x512xf32, #tpu.memory_space<hbm>> -> memref<40x512xf32, #tpu.memory_space<hbm>>
      tpu.wait_dma2 semaphore(%arg12 : memref<!tpu.dma_semaphore, #tpu.memory_space<semaphore_mem>>) src(%arg8 : memref<40x512xf32, #tpu.memory_space<vmem>>) dst(%dma_wait3A_95 : memref<40x512xf32, #tpu.memory_space<hbm>>)
      %scan3A_96 = arith.constant 0 : i32
      %scan3A_97 = arith.constant 0 : i32
      %scan3A_98 = arith.constant 40 : i32
      %scan3A_99 = arith.addi %scan3A_97, %scan3A_98 : i32
      %scan3A_100 = arith.constant 1 : i32
      scf.for %scan3A_148 = %scan3A_97 to %scan3A_99 step %scan3A_100  : i32 {
        %get3A = arith.index_cast %scan3A_148 : i32 to index
        %get3A_149 = arith.constant 0 : index
        %get3A_150 = tpu.vector_load %arg6[%get3A, %get3A_149] {strides = array<i32>} : memref<40x512xf32, #tpu.memory_space<vmem>>, vector<1x16xf32>,
        %get3A_151 = vector.shape_cast %get3A_150 : vector<1x16xf32> to vector<16xf32>
        %mul3A_152 = arith.constant 22.6274166 : f32
        %mul3A_153 = vector.broadcast %mul3A_152 : f32 to vector<16xf32>
        %mul3A_154 = arith.mulf %get3A_151, %mul3A_153 : vector<16xf32>
        %swap3A = arith.index_cast %scan3A_148 : i32 to index
        %swap3A_155 = arith.constant 0 : index
        %swap3A_156 = tpu.vector_load %arg8[%swap3A, %swap3A_155] {strides = array<i32>} : memref<40x512xf32, #tpu.memory_space<vmem>>, vector<1x16xf32>,
        %swap3A_157 = vector.shape_cast %swap3A_156 : vector<1x16xf32> to vector<16xf32>
        %swap3A_158 = vector.shape_cast %mul3A_154 : vector<16xf32> to vector<1x16xf32>
        tpu.vector_store %arg8[%swap3A, %swap3A_155], %swap3A_158 {strides = array<i32>} : memref<40x512xf32, #tpu.memory_space<vmem>>, vector<1x16xf32>,
        %get3A_159 = arith.index_cast %scan3A_148 : i32 to index
        %get3A_160 = arith.constant 16 : index
        %get3A_161 = tpu.vector_load %arg6[%get3A_159, %get3A_160] {strides = array<i32>} : memref<40x512xf32, #tpu.memory_space<vmem>>, vector<1x16xf32>,
        %get3A_162 = vector.shape_cast %get3A_161 : vector<1x16xf32> to vector<16xf32>
        %mul3A_163 = arith.constant 22.6274166 : f32
        %mul3A_164 = vector.broadcast %mul3A_163 : f32 to vector<16xf32>
        %mul3A_165 = arith.mulf %get3A_162, %mul3A_164 : vector<16xf32>
        %swap3A_166 = arith.index_cast %scan3A_148 : i32 to index
        %swap3A_167 = arith.constant 16 : index
        %swap3A_168 = tpu.vector_load %arg8[%swap3A_166, %swap3A_167] {strides = array<i32>} : memref<40x512xf32, #tpu.memory_space<vmem>>, vector<1x16xf32>,
        %swap3A_169 = vector.shape_cast %swap3A_168 : vector<1x16xf32> to vector<16xf32>
        %swap3A_170 = vector.shape_cast %mul3A_165 : vector<16xf32> to vector<1x16xf32>
        tpu.vector_store %arg8[%swap3A_166, %swap3A_167], %swap3A_170 {strides = array<i32>} : memref<40x512xf32, #tpu.memory_space<vmem>>, vector<1x16xf32>,
        %get3A_171 = arith.index_cast %scan3A_148 : i32 to index
        %get3A_172 = arith.constant 32 : index
        %get3A_173 = tpu.vector_load %arg6[%get3A_171, %get3A_172] {strides = array<i32>} : memref<40x512xf32, #tpu.memory_space<vmem>>, vector<1x16xf32>,
        %get3A_174 = vector.shape_cast %get3A_173 : vector<1x16xf32> to vector<16xf32>
        %mul3A_175 = arith.constant 22.6274166 : f32
        %mul3A_176 = vector.broadcast %mul3A_175 : f32 to vector<16xf32>
        %mul3A_177 = arith.mulf %get3A_174, %mul3A_176 : vector<16xf32>
        %swap3A_178 = arith.index_cast %scan3A_148 : i32 to index
        %swap3A_179 = arith.constant 32 : index
        %swap3A_180 = tpu.vector_load %arg8[%swap3A_178, %swap3A_179] {strides = array<i32>} : memref<40x512xf32, #tpu.memory_space<vmem>>, vector<1x16xf32>,
        %swap3A_181 = vector.shape_cast %swap3A_180 : vector<1x16xf32> to vector<16xf32>
        %swap3A_182 = vector.shape_cast %mul3A_177 : vector<16xf32> to vector<1x16xf32>
        tpu.vector_store %arg8[%swap3A_178, %swap3A_179], %swap3A_182 {strides = array<i32>} : memref<40x512xf32, #tpu.memory_space<vmem>>, vector<1x16xf32>,
        %get3A_183 = arith.index_cast %scan3A_148 : i32 to index
        %get3A_184 = arith.constant 48 : index
        %get3A_185 = tpu.vector_load %arg6[%get3A_183, %get3A_184] {strides = array<i32>} : memref<40x512xf32, #tpu.memory_space<vmem>>, vector<1x16xf32>,
        %get3A_186 = vector.shape_cast %get3A_185 : vector<1x16xf32> to vector<16xf32>
        %mul3A_187 = arith.constant 22.6274166 : f32
        %mul3A_188 = vector.broadcast %mul3A_187 : f32 to vector<16xf32>
        %mul3A_189 = arith.mulf %get3A_186, %mul3A_188 : vector<16xf32>
        %swap3A_190 = arith.index_cast %scan3A_148 : i32 to index
        %swap3A_191 = arith.constant 48 : index
        %swap3A_192 = tpu.vector_load %arg8[%swap3A_190, %swap3A_191] {strides = array<i32>} : memref<40x512xf32, #tpu.memory_space<vmem>>, vector<1x16xf32>,
        %swap3A_193 = vector.shape_cast %swap3A_192 : vector<1x16xf32> to vector<16xf32>
        %swap3A_194 = vector.shape_cast %mul3A_189 : vector<16xf32> to vector<1x16xf32>
        tpu.vector_store %arg8[%swap3A_190, %swap3A_191], %swap3A_194 {strides = array<i32>} : memref<40x512xf32, #tpu.memory_space<vmem>>, vector<1x16xf32>,
        %get3A_195 = arith.index_cast %scan3A_148 : i32 to index
        %get3A_196 = arith.constant 64 : index
        %get3A_197 = tpu.vector_load %arg6[%get3A_195, %get3A_196] {strides = array<i32>} : memref<40x512xf32, #tpu.memory_space<vmem>>, vector<1x16xf32>,
        %get3A_198 = vector.shape_cast %get3A_197 : vector<1x16xf32> to vector<16xf32>
        %mul3A_199 = arith.constant 22.6274166 : f32
        %mul3A_200 = vector.broadcast %mul3A_199 : f32 to vector<16xf32>
        %mul3A_201 = arith.mulf %get3A_198, %mul3A_200 : vector<16xf32>
        %swap3A_202 = arith.index_cast %scan3A_148 : i32 to index
        %swap3A_203 = arith.constant 64 : index
        %swap3A_204 = tpu.vector_load %arg8[%swap3A_202, %swap3A_203] {strides = array<i32>} : memref<40x512xf32, #tpu.memory_space<vmem>>, vector<1x16xf32>,
        %swap3A_205 = vector.shape_cast %swap3A_204 : vector<1x16xf32> to vector<16xf32>
        %swap3A_206 = vector.shape_cast %mul3A_201 : vector<16xf32> to vector<1x16xf32>
        tpu.vector_store %arg8[%swap3A_202, %swap3A_203], %swap3A_206 {strides = array<i32>} : memref<40x512xf32, #tpu.memory_space<vmem>>, vector<1x16xf32>,
        %get3A_207 = arith.index_cast %scan3A_148 : i32 to index
        %get3A_208 = arith.constant 80 : index
        %get3A_209 = tpu.vector_load %arg6[%get3A_207, %get3A_208] {strides = array<i32>} : memref<40x512xf32, #tpu.memory_space<vmem>>, vector<1x16xf32>,
        %get3A_210 = vector.shape_cast %get3A_209 : vector<1x16xf32> to vector<16xf32>
        %mul3A_211 = arith.constant 22.6274166 : f32
        %mul3A_212 = vector.broadcast %mul3A_211 : f32 to vector<16xf32>
        %mul3A_213 = arith.mulf %get3A_210, %mul3A_212 : vector<16xf32>
        %swap3A_214 = arith.index_cast %scan3A_148 : i32 to index
        %swap3A_215 = arith.constant 80 : index
        %swap3A_216 = tpu.vector_load %arg8[%swap3A_214, %swap3A_215] {strides = array<i32>} : memref<40x512xf32, #tpu.memory_space<vmem>>, vector<1x16xf32>,
        %swap3A_217 = vector.shape_cast %swap3A_216 : vector<1x16xf32> to vector<16xf32>
        %swap3A_218 = vector.shape_cast %mul3A_213 : vector<16xf32> to vector<1x16xf32>
        tpu.vector_store %arg8[%swap3A_214, %swap3A_215], %swap3A_218 {strides = array<i32>} : memref<40x512xf32, #tpu.memory_space<vmem>>, vector<1x16xf32>,
        %get3A_219 = arith.index_cast %scan3A_148 : i32 to index
        %get3A_220 = arith.constant 96 : index
        %get3A_221 = tpu.vector_load %arg6[%get3A_219, %get3A_220] {strides = array<i32>} : memref<40x512xf32, #tpu.memory_space<vmem>>, vector<1x16xf32>,
        %get3A_222 = vector.shape_cast %get3A_221 : vector<1x16xf32> to vector<16xf32>
        %mul3A_223 = arith.constant 22.6274166 : f32
        %mul3A_224 = vector.broadcast %mul3A_223 : f32 to vector<16xf32>
        %mul3A_225 = arith.mulf %get3A_222, %mul3A_224 : vector<16xf32>
        %swap3A_226 = arith.index_cast %scan3A_148 : i32 to index
        %swap3A_227 = arith.constant 96 : index
        %swap3A_228 = tpu.vector_load %arg8[%swap3A_226, %swap3A_227] {strides = array<i32>} : memref<40x512xf32, #tpu.memory_space<vmem>>, vector<1x16xf32>,
        %swap3A_229 = vector.shape_cast %swap3A_228 : vector<1x16xf32> to vector<16xf32>
        %swap3A_230 = vector.shape_cast %mul3A_225 : vector<16xf32> to vector<1x16xf32>
        tpu.vector_store %arg8[%swap3A_226, %swap3A_227], %swap3A_230 {strides = array<i32>} : memref<40x512xf32, #tpu.memory_space<vmem>>, vector<1x16xf32>,
        %get3A_231 = arith.index_cast %scan3A_148 : i32 to index
        %get3A_232 = arith.constant 112 : index
        %get3A_233 = tpu.vector_load %arg6[%get3A_231, %get3A_232] {strides = array<i32>} : memref<40x512xf32, #tpu.memory_space<vmem>>, vector<1x16xf32>,
        %get3A_234 = vector.shape_cast %get3A_233 : vector<1x16xf32> to vector<16xf32>
        %mul3A_235 = arith.constant 22.6274166 : f32
        %mul3A_236 = vector.broadcast %mul3A_235 : f32 to vector<16xf32>
        %mul3A_237 = arith.mulf %get3A_234, %mul3A_236 : vector<16xf32>
        %swap3A_238 = arith.index_cast %scan3A_148 : i32 to index
        %swap3A_239 = arith.constant 112 : index
        %swap3A_240 = tpu.vector_load %arg8[%swap3A_238, %swap3A_239] {strides = array<i32>} : memref<40x512xf32, #tpu.memory_space<vmem>>, vector<1x16xf32>,
        %swap3A_241 = vector.shape_cast %swap3A_240 : vector<1x16xf32> to vector<16xf32>
        %swap3A_242 = vector.shape_cast %mul3A_237 : vector<16xf32> to vector<1x16xf32>
        tpu.vector_store %arg8[%swap3A_238, %swap3A_239], %swap3A_242 {strides = array<i32>} : memref<40x512xf32, #tpu.memory_space<vmem>>, vector<1x16xf32>,
        %get3A_243 = arith.index_cast %scan3A_148 : i32 to index
        %get3A_244 = arith.constant 128 : index
        %get3A_245 = tpu.vector_load %arg6[%get3A_243, %get3A_244] {strides = array<i32>} : memref<40x512xf32, #tpu.memory_space<vmem>>, vector<1x16xf32>,
        %get3A_246 = vector.shape_cast %get3A_245 : vector<1x16xf32> to vector<16xf32>
        %mul3A_247 = arith.constant 22.6274166 : f32
        %mul3A_248 = vector.broadcast %mul3A_247 : f32 to vector<16xf32>
        %mul3A_249 = arith.mulf %get3A_246, %mul3A_248 : vector<16xf32>
        %swap3A_250 = arith.index_cast %scan3A_148 : i32 to index
        %swap3A_251 = arith.constant 128 : index
        %swap3A_252 = tpu.vector_load %arg8[%swap3A_250, %swap3A_251] {strides = array<i32>} : memref<40x512xf32, #tpu.memory_space<vmem>>, vector<1x16xf32>,
        %swap3A_253 = vector.shape_cast %swap3A_252 : vector<1x16xf32> to vector<16xf32>
        %swap3A_254 = vector.shape_cast %mul3A_249 : vector<16xf32> to vector<1x16xf32>
        tpu.vector_store %arg8[%swap3A_250, %swap3A_251], %swap3A_254 {strides = array<i32>} : memref<40x512xf32, #tpu.memory_space<vmem>>, vector<1x16xf32>,
        %get3A_255 = arith.index_cast %scan3A_148 : i32 to index
        %get3A_256 = arith.constant 144 : index
        %get3A_257 = tpu.vector_load %arg6[%get3A_255, %get3A_256] {strides = array<i32>} : memref<40x512xf32, #tpu.memory_space<vmem>>, vector<1x16xf32>,
        %get3A_258 = vector.shape_cast %get3A_257 : vector<1x16xf32> to vector<16xf32>
        %mul3A_259 = arith.constant 22.6274166 : f32
        %mul3A_260 = vector.broadcast %mul3A_259 : f32 to vector<16xf32>
        %mul3A_261 = arith.mulf %get3A_258, %mul3A_260 : vector<16xf32>
        %swap3A_262 = arith.index_cast %scan3A_148 : i32 to index
        %swap3A_263 = arith.constant 144 : index
        %swap3A_264 = tpu.vector_load %arg8[%swap3A_262, %swap3A_263] {strides = array<i32>} : memref<40x512xf32, #tpu.memory_space<vmem>>, vector<1x16xf32>,
        %swap3A_265 = vector.shape_cast %swap3A_264 : vector<1x16xf32> to vector<16xf32>
        %swap3A_266 = vector.shape_cast %mul3A_261 : vector<16xf32> to vector<1x16xf32>
        tpu.vector_store %arg8[%swap3A_262, %swap3A_263], %swap3A_266 {strides = array<i32>} : memref<40x512xf32, #tpu.memory_space<vmem>>, vector<1x16xf32>,
        %get3A_267 = arith.index_cast %scan3A_148 : i32 to index
        %get3A_268 = arith.constant 160 : index
        %get3A_269 = tpu.vector_load %arg6[%get3A_267, %get3A_268] {strides = array<i32>} : memref<40x512xf32, #tpu.memory_space<vmem>>, vector<1x16xf32>,
        %get3A_270 = vector.shape_cast %get3A_269 : vector<1x16xf32> to vector<16xf32>
        %mul3A_271 = arith.constant 22.6274166 : f32
        %mul3A_272 = vector.broadcast %mul3A_271 : f32 to vector<16xf32>
        %mul3A_273 = arith.mulf %get3A_270, %mul3A_272 : vector<16xf32>
        %swap3A_274 = arith.index_cast %scan3A_148 : i32 to index
        %swap3A_275 = arith.constant 160 : index
        %swap3A_276 = tpu.vector_load %arg8[%swap3A_274, %swap3A_275] {strides = array<i32>} : memref<40x512xf32, #tpu.memory_space<vmem>>, vector<1x16xf32>,
        %swap3A_277 = vector.shape_cast %swap3A_276 : vector<1x16xf32> to vector<16xf32>
        %swap3A_278 = vector.shape_cast %mul3A_273 : vector<16xf32> to vector<1x16xf32>
        tpu.vector_store %arg8[%swap3A_274, %swap3A_275], %swap3A_278 {strides = array<i32>} : memref<40x512xf32, #tpu.memory_space<vmem>>, vector<1x16xf32>,
        %get3A_279 = arith.index_cast %scan3A_148 : i32 to index
        %get3A_280 = arith.constant 176 : index
        %get3A_281 = tpu.vector_load %arg6[%get3A_279, %get3A_280] {strides = array<i32>} : memref<40x512xf32, #tpu.memory_space<vmem>>, vector<1x16xf32>,
        %get3A_282 = vector.shape_cast %get3A_281 : vector<1x16xf32> to vector<16xf32>
        %mul3A_283 = arith.constant 22.6274166 : f32
        %mul3A_284 = vector.broadcast %mul3A_283 : f32 to vector<16xf32>
        %mul3A_285 = arith.mulf %get3A_282, %mul3A_284 : vector<16xf32>
        %swap3A_286 = arith.index_cast %scan3A_148 : i32 to index
        %swap3A_287 = arith.constant 176 : index
        %swap3A_288 = tpu.vector_load %arg8[%swap3A_286, %swap3A_287] {strides = array<i32>} : memref<40x512xf32, #tpu.memory_space<vmem>>, vector<1x16xf32>,
        %swap3A_289 = vector.shape_cast %swap3A_288 : vector<1x16xf32> to vector<16xf32>
        %swap3A_290 = vector.shape_cast %mul3A_285 : vector<16xf32> to vector<1x16xf32>
        tpu.vector_store %arg8[%swap3A_286, %swap3A_287], %swap3A_290 {strides = array<i32>} : memref<40x512xf32, #tpu.memory_space<vmem>>, vector<1x16xf32>,
        %get3A_291 = arith.index_cast %scan3A_148 : i32 to index
        %get3A_292 = arith.constant 192 : index
        %get3A_293 = tpu.vector_load %arg6[%get3A_291, %get3A_292] {strides = array<i32>} : memref<40x512xf32, #tpu.memory_space<vmem>>, vector<1x16xf32>,
        %get3A_294 = vector.shape_cast %get3A_293 : vector<1x16xf32> to vector<16xf32>
        %mul3A_295 = arith.constant 22.6274166 : f32
        %mul3A_296 = vector.broadcast %mul3A_295 : f32 to vector<16xf32>
        %mul3A_297 = arith.mulf %get3A_294, %mul3A_296 : vector<16xf32>
        %swap3A_298 = arith.index_cast %scan3A_148 : i32 to index
        %swap3A_299 = arith.constant 192 : index
        %swap3A_300 = tpu.vector_load %arg8[%swap3A_298, %swap3A_299] {strides = array<i32>} : memref<40x512xf32, #tpu.memory_space<vmem>>, vector<1x16xf32>,
        %swap3A_301 = vector.shape_cast %swap3A_300 : vector<1x16xf32> to vector<16xf32>
        %swap3A_302 = vector.shape_cast %mul3A_297 : vector<16xf32> to vector<1x16xf32>
        tpu.vector_store %arg8[%swap3A_298, %swap3A_299], %swap3A_302 {strides = array<i32>} : memref<40x512xf32, #tpu.memory_space<vmem>>, vector<1x16xf32>,
        %get3A_303 = arith.index_cast %scan3A_148 : i32 to index
        %get3A_304 = arith.constant 208 : index
        %get3A_305 = tpu.vector_load %arg6[%get3A_303, %get3A_304] {strides = array<i32>} : memref<40x512xf32, #tpu.memory_space<vmem>>, vector<1x16xf32>,
        %get3A_306 = vector.shape_cast %get3A_305 : vector<1x16xf32> to vector<16xf32>
        %mul3A_307 = arith.constant 22.6274166 : f32
        %mul3A_308 = vector.broadcast %mul3A_307 : f32 to vector<16xf32>
        %mul3A_309 = arith.mulf %get3A_306, %mul3A_308 : vector<16xf32>
        %swap3A_310 = arith.index_cast %scan3A_148 : i32 to index
        %swap3A_311 = arith.constant 208 : index
        %swap3A_312 = tpu.vector_load %arg8[%swap3A_310, %swap3A_311] {strides = array<i32>} : memref<40x512xf32, #tpu.memory_space<vmem>>, vector<1x16xf32>,
        %swap3A_313 = vector.shape_cast %swap3A_312 : vector<1x16xf32> to vector<16xf32>
        %swap3A_314 = vector.shape_cast %mul3A_309 : vector<16xf32> to vector<1x16xf32>
        tpu.vector_store %arg8[%swap3A_310, %swap3A_311], %swap3A_314 {strides = array<i32>} : memref<40x512xf32, #tpu.memory_space<vmem>>, vector<1x16xf32>,
        %get3A_315 = arith.index_cast %scan3A_148 : i32 to index
        %get3A_316 = arith.constant 224 : index
        %get3A_317 = tpu.vector_load %arg6[%get3A_315, %get3A_316] {strides = array<i32>} : memref<40x512xf32, #tpu.memory_space<vmem>>, vector<1x16xf32>,
        %get3A_318 = vector.shape_cast %get3A_317 : vector<1x16xf32> to vector<16xf32>
        %mul3A_319 = arith.constant 22.6274166 : f32
        %mul3A_320 = vector.broadcast %mul3A_319 : f32 to vector<16xf32>
        %mul3A_321 = arith.mulf %get3A_318, %mul3A_320 : vector<16xf32>
        %swap3A_322 = arith.index_cast %scan3A_148 : i32 to index
        %swap3A_323 = arith.constant 224 : index
        %swap3A_324 = tpu.vector_load %arg8[%swap3A_322, %swap3A_323] {strides = array<i32>} : memref<40x512xf32, #tpu.memory_space<vmem>>, vector<1x16xf32>,
        %swap3A_325 = vector.shape_cast %swap3A_324 : vector<1x16xf32> to vector<16xf32>
        %swap3A_326 = vector.shape_cast %mul3A_321 : vector<16xf32> to vector<1x16xf32>
        tpu.vector_store %arg8[%swap3A_322, %swap3A_323], %swap3A_326 {strides = array<i32>} : memref<40x512xf32, #tpu.memory_space<vmem>>, vector<1x16xf32>,
        %get3A_327 = arith.index_cast %scan3A_148 : i32 to index
        %get3A_328 = arith.constant 240 : index
        %get3A_329 = tpu.vector_load %arg6[%get3A_327, %get3A_328] {strides = array<i32>} : memref<40x512xf32, #tpu.memory_space<vmem>>, vector<1x16xf32>,
        %get3A_330 = vector.shape_cast %get3A_329 : vector<1x16xf32> to vector<16xf32>
        %mul3A_331 = arith.constant 22.6274166 : f32
        %mul3A_332 = vector.broadcast %mul3A_331 : f32 to vector<16xf32>
        %mul3A_333 = arith.mulf %get3A_330, %mul3A_332 : vector<16xf32>
        %swap3A_334 = arith.index_cast %scan3A_148 : i32 to index
        %swap3A_335 = arith.constant 240 : index
        %swap3A_336 = tpu.vector_load %arg8[%swap3A_334, %swap3A_335] {strides = array<i32>} : memref<40x512xf32, #tpu.memory_space<vmem>>, vector<1x16xf32>,
        %swap3A_337 = vector.shape_cast %swap3A_336 : vector<1x16xf32> to vector<16xf32>
        %swap3A_338 = vector.shape_cast %mul3A_333 : vector<16xf32> to vector<1x16xf32>
        tpu.vector_store %arg8[%swap3A_334, %swap3A_335], %swap3A_338 {strides = array<i32>} : memref<40x512xf32, #tpu.memory_space<vmem>>, vector<1x16xf32>,
        %get3A_339 = arith.index_cast %scan3A_148 : i32 to index
        %get3A_340 = arith.constant 256 : index
        %get3A_341 = tpu.vector_load %arg6[%get3A_339, %get3A_340] {strides = array<i32>} : memref<40x512xf32, #tpu.memory_space<vmem>>, vector<1x16xf32>,
        %get3A_342 = vector.shape_cast %get3A_341 : vector<1x16xf32> to vector<16xf32>
        %mul3A_343 = arith.constant 22.6274166 : f32
        %mul3A_344 = vector.broadcast %mul3A_343 : f32 to vector<16xf32>
        %mul3A_345 = arith.mulf %get3A_342, %mul3A_344 : vector<16xf32>
        %swap3A_346 = arith.index_cast %scan3A_148 : i32 to index
        %swap3A_347 = arith.constant 256 : index
        %swap3A_348 = tpu.vector_load %arg8[%swap3A_346, %swap3A_347] {strides = array<i32>} : memref<40x512xf32, #tpu.memory_space<vmem>>, vector<1x16xf32>,
        %swap3A_349 = vector.shape_cast %swap3A_348 : vector<1x16xf32> to vector<16xf32>
        %swap3A_350 = vector.shape_cast %mul3A_345 : vector<16xf32> to vector<1x16xf32>
        tpu.vector_store %arg8[%swap3A_346, %swap3A_347], %swap3A_350 {strides = array<i32>} : memref<40x512xf32, #tpu.memory_space<vmem>>, vector<1x16xf32>,
        %get3A_351 = arith.index_cast %scan3A_148 : i32 to index
        %get3A_352 = arith.constant 272 : index
        %get3A_353 = tpu.vector_load %arg6[%get3A_351, %get3A_352] {strides = array<i32>} : memref<40x512xf32, #tpu.memory_space<vmem>>, vector<1x16xf32>,
        %get3A_354 = vector.shape_cast %get3A_353 : vector<1x16xf32> to vector<16xf32>
        %mul3A_355 = arith.constant 22.6274166 : f32
        %mul3A_356 = vector.broadcast %mul3A_355 : f32 to vector<16xf32>
        %mul3A_357 = arith.mulf %get3A_354, %mul3A_356 : vector<16xf32>
        %swap3A_358 = arith.index_cast %scan3A_148 : i32 to index
        %swap3A_359 = arith.constant 272 : index
        %swap3A_360 = tpu.vector_load %arg8[%swap3A_358, %swap3A_359] {strides = array<i32>} : memref<40x512xf32, #tpu.memory_space<vmem>>, vector<1x16xf32>,
        %swap3A_361 = vector.shape_cast %swap3A_360 : vector<1x16xf32> to vector<16xf32>
        %swap3A_362 = vector.shape_cast %mul3A_357 : vector<16xf32> to vector<1x16xf32>
        tpu.vector_store %arg8[%swap3A_358, %swap3A_359], %swap3A_362 {strides = array<i32>} : memref<40x512xf32, #tpu.memory_space<vmem>>, vector<1x16xf32>,
        %get3A_363 = arith.index_cast %scan3A_148 : i32 to index
        %get3A_364 = arith.constant 288 : index
        %get3A_365 = tpu.vector_load %arg6[%get3A_363, %get3A_364] {strides = array<i32>} : memref<40x512xf32, #tpu.memory_space<vmem>>, vector<1x16xf32>,
        %get3A_366 = vector.shape_cast %get3A_365 : vector<1x16xf32> to vector<16xf32>
        %mul3A_367 = arith.constant 22.6274166 : f32
        %mul3A_368 = vector.broadcast %mul3A_367 : f32 to vector<16xf32>
        %mul3A_369 = arith.mulf %get3A_366, %mul3A_368 : vector<16xf32>
        %swap3A_370 = arith.index_cast %scan3A_148 : i32 to index
        %swap3A_371 = arith.constant 288 : index
        %swap3A_372 = tpu.vector_load %arg8[%swap3A_370, %swap3A_371] {strides = array<i32>} : memref<40x512xf32, #tpu.memory_space<vmem>>, vector<1x16xf32>,
        %swap3A_373 = vector.shape_cast %swap3A_372 : vector<1x16xf32> to vector<16xf32>
        %swap3A_374 = vector.shape_cast %mul3A_369 : vector<16xf32> to vector<1x16xf32>
        tpu.vector_store %arg8[%swap3A_370, %swap3A_371], %swap3A_374 {strides = array<i32>} : memref<40x512xf32, #tpu.memory_space<vmem>>, vector<1x16xf32>,
        %get3A_375 = arith.index_cast %scan3A_148 : i32 to index
        %get3A_376 = arith.constant 304 : index
        %get3A_377 = tpu.vector_load %arg6[%get3A_375, %get3A_376] {strides = array<i32>} : memref<40x512xf32, #tpu.memory_space<vmem>>, vector<1x16xf32>,
        %get3A_378 = vector.shape_cast %get3A_377 : vector<1x16xf32> to vector<16xf32>
        %mul3A_379 = arith.constant 22.6274166 : f32
        %mul3A_380 = vector.broadcast %mul3A_379 : f32 to vector<16xf32>
        %mul3A_381 = arith.mulf %get3A_378, %mul3A_380 : vector<16xf32>
        %swap3A_382 = arith.index_cast %scan3A_148 : i32 to index
        %swap3A_383 = arith.constant 304 : index
        %swap3A_384 = tpu.vector_load %arg8[%swap3A_382, %swap3A_383] {strides = array<i32>} : memref<40x512xf32, #tpu.memory_space<vmem>>, vector<1x16xf32>,
        %swap3A_385 = vector.shape_cast %swap3A_384 : vector<1x16xf32> to vector<16xf32>
        %swap3A_386 = vector.shape_cast %mul3A_381 : vector<16xf32> to vector<1x16xf32>
        tpu.vector_store %arg8[%swap3A_382, %swap3A_383], %swap3A_386 {strides = array<i32>} : memref<40x512xf32, #tpu.memory_space<vmem>>, vector<1x16xf32>,
        %get3A_387 = arith.index_cast %scan3A_148 : i32 to index
        %get3A_388 = arith.constant 320 : index
        %get3A_389 = tpu.vector_load %arg6[%get3A_387, %get3A_388] {strides = array<i32>} : memref<40x512xf32, #tpu.memory_space<vmem>>, vector<1x16xf32>,
        %get3A_390 = vector.shape_cast %get3A_389 : vector<1x16xf32> to vector<16xf32>
        %mul3A_391 = arith.constant 22.6274166 : f32
        %mul3A_392 = vector.broadcast %mul3A_391 : f32 to vector<16xf32>
        %mul3A_393 = arith.mulf %get3A_390, %mul3A_392 : vector<16xf32>
        %swap3A_394 = arith.index_cast %scan3A_148 : i32 to index
        %swap3A_395 = arith.constant 320 : index
        %swap3A_396 = tpu.vector_load %arg8[%swap3A_394, %swap3A_395] {strides = array<i32>} : memref<40x512xf32, #tpu.memory_space<vmem>>, vector<1x16xf32>,
        %swap3A_397 = vector.shape_cast %swap3A_396 : vector<1x16xf32> to vector<16xf32>
        %swap3A_398 = vector.shape_cast %mul3A_393 : vector<16xf32> to vector<1x16xf32>
        tpu.vector_store %arg8[%swap3A_394, %swap3A_395], %swap3A_398 {strides = array<i32>} : memref<40x512xf32, #tpu.memory_space<vmem>>, vector<1x16xf32>,
        %get3A_399 = arith.index_cast %scan3A_148 : i32 to index
        %get3A_400 = arith.constant 336 : index
        %get3A_401 = tpu.vector_load %arg6[%get3A_399, %get3A_400] {strides = array<i32>} : memref<40x512xf32, #tpu.memory_space<vmem>>, vector<1x16xf32>,
        %get3A_402 = vector.shape_cast %get3A_401 : vector<1x16xf32> to vector<16xf32>
        %mul3A_403 = arith.constant 22.6274166 : f32
        %mul3A_404 = vector.broadcast %mul3A_403 : f32 to vector<16xf32>
        %mul3A_405 = arith.mulf %get3A_402, %mul3A_404 : vector<16xf32>
        %swap3A_406 = arith.index_cast %scan3A_148 : i32 to index
        %swap3A_407 = arith.constant 336 : index
        %swap3A_408 = tpu.vector_load %arg8[%swap3A_406, %swap3A_407] {strides = array<i32>} : memref<40x512xf32, #tpu.memory_space<vmem>>, vector<1x16xf32>,
        %swap3A_409 = vector.shape_cast %swap3A_408 : vector<1x16xf32> to vector<16xf32>
        %swap3A_410 = vector.shape_cast %mul3A_405 : vector<16xf32> to vector<1x16xf32>
        tpu.vector_store %arg8[%swap3A_406, %swap3A_407], %swap3A_410 {strides = array<i32>} : memref<40x512xf32, #tpu.memory_space<vmem>>, vector<1x16xf32>,
        %get3A_411 = arith.index_cast %scan3A_148 : i32 to index
        %get3A_412 = arith.constant 352 : index
        %get3A_413 = tpu.vector_load %arg6[%get3A_411, %get3A_412] {strides = array<i32>} : memref<40x512xf32, #tpu.memory_space<vmem>>, vector<1x16xf32>,
        %get3A_414 = vector.shape_cast %get3A_413 : vector<1x16xf32> to vector<16xf32>
        %mul3A_415 = arith.constant 22.6274166 : f32
        %mul3A_416 = vector.broadcast %mul3A_415 : f32 to vector<16xf32>
        %mul3A_417 = arith.mulf %get3A_414, %mul3A_416 : vector<16xf32>
        %swap3A_418 = arith.index_cast %scan3A_148 : i32 to index
        %swap3A_419 = arith.constant 352 : index
        %swap3A_420 = tpu.vector_load %arg8[%swap3A_418, %swap3A_419] {strides = array<i32>} : memref<40x512xf32, #tpu.memory_space<vmem>>, vector<1x16xf32>,
        %swap3A_421 = vector.shape_cast %swap3A_420 : vector<1x16xf32> to vector<16xf32>
        %swap3A_422 = vector.shape_cast %mul3A_417 : vector<16xf32> to vector<1x16xf32>
        tpu.vector_store %arg8[%swap3A_418, %swap3A_419], %swap3A_422 {strides = array<i32>} : memref<40x512xf32, #tpu.memory_space<vmem>>, vector<1x16xf32>,
        %get3A_423 = arith.index_cast %scan3A_148 : i32 to index
        %get3A_424 = arith.constant 368 : index
        %get3A_425 = tpu.vector_load %arg6[%get3A_423, %get3A_424] {strides = array<i32>} : memref<40x512xf32, #tpu.memory_space<vmem>>, vector<1x16xf32>,
        %get3A_426 = vector.shape_cast %get3A_425 : vector<1x16xf32> to vector<16xf32>
        %mul3A_427 = arith.constant 22.6274166 : f32
        %mul3A_428 = vector.broadcast %mul3A_427 : f32 to vector<16xf32>
        %mul3A_429 = arith.mulf %get3A_426, %mul3A_428 : vector<16xf32>
        %swap3A_430 = arith.index_cast %scan3A_148 : i32 to index
        %swap3A_431 = arith.constant 368 : index
        %swap3A_432 = tpu.vector_load %arg8[%swap3A_430, %swap3A_431] {strides = array<i32>} : memref<40x512xf32, #tpu.memory_space<vmem>>, vector<1x16xf32>,
        %swap3A_433 = vector.shape_cast %swap3A_432 : vector<1x16xf32> to vector<16xf32>
        %swap3A_434 = vector.shape_cast %mul3A_429 : vector<16xf32> to vector<1x16xf32>
        tpu.vector_store %arg8[%swap3A_430, %swap3A_431], %swap3A_434 {strides = array<i32>} : memref<40x512xf32, #tpu.memory_space<vmem>>, vector<1x16xf32>,
        %get3A_435 = arith.index_cast %scan3A_148 : i32 to index
        %get3A_436 = arith.constant 384 : index
        %get3A_437 = tpu.vector_load %arg6[%get3A_435, %get3A_436] {strides = array<i32>} : memref<40x512xf32, #tpu.memory_space<vmem>>, vector<1x16xf32>,
        %get3A_438 = vector.shape_cast %get3A_437 : vector<1x16xf32> to vector<16xf32>
        %mul3A_439 = arith.constant 22.6274166 : f32
        %mul3A_440 = vector.broadcast %mul3A_439 : f32 to vector<16xf32>
        %mul3A_441 = arith.mulf %get3A_438, %mul3A_440 : vector<16xf32>
        %swap3A_442 = arith.index_cast %scan3A_148 : i32 to index
        %swap3A_443 = arith.constant 384 : index
        %swap3A_444 = tpu.vector_load %arg8[%swap3A_442, %swap3A_443] {strides = array<i32>} : memref<40x512xf32, #tpu.memory_space<vmem>>, vector<1x16xf32>,
        %swap3A_445 = vector.shape_cast %swap3A_444 : vector<1x16xf32> to vector<16xf32>
        %swap3A_446 = vector.shape_cast %mul3A_441 : vector<16xf32> to vector<1x16xf32>
        tpu.vector_store %arg8[%swap3A_442, %swap3A_443], %swap3A_446 {strides = array<i32>} : memref<40x512xf32, #tpu.memory_space<vmem>>, vector<1x16xf32>,
        %get3A_447 = arith.index_cast %scan3A_148 : i32 to index
        %get3A_448 = arith.constant 400 : index
        %get3A_449 = tpu.vector_load %arg6[%get3A_447, %get3A_448] {strides = array<i32>} : memref<40x512xf32, #tpu.memory_space<vmem>>, vector<1x16xf32>,
        %get3A_450 = vector.shape_cast %get3A_449 : vector<1x16xf32> to vector<16xf32>
        %mul3A_451 = arith.constant 22.6274166 : f32
        %mul3A_452 = vector.broadcast %mul3A_451 : f32 to vector<16xf32>
        %mul3A_453 = arith.mulf %get3A_450, %mul3A_452 : vector<16xf32>
        %swap3A_454 = arith.index_cast %scan3A_148 : i32 to index
        %swap3A_455 = arith.constant 400 : index
        %swap3A_456 = tpu.vector_load %arg8[%swap3A_454, %swap3A_455] {strides = array<i32>} : memref<40x512xf32, #tpu.memory_space<vmem>>, vector<1x16xf32>,
        %swap3A_457 = vector.shape_cast %swap3A_456 : vector<1x16xf32> to vector<16xf32>
        %swap3A_458 = vector.shape_cast %mul3A_453 : vector<16xf32> to vector<1x16xf32>
        tpu.vector_store %arg8[%swap3A_454, %swap3A_455], %swap3A_458 {strides = array<i32>} : memref<40x512xf32, #tpu.memory_space<vmem>>, vector<1x16xf32>,
        %get3A_459 = arith.index_cast %scan3A_148 : i32 to index
        %get3A_460 = arith.constant 416 : index
        %get3A_461 = tpu.vector_load %arg6[%get3A_459, %get3A_460] {strides = array<i32>} : memref<40x512xf32, #tpu.memory_space<vmem>>, vector<1x16xf32>,
        %get3A_462 = vector.shape_cast %get3A_461 : vector<1x16xf32> to vector<16xf32>
        %mul3A_463 = arith.constant 22.6274166 : f32
        %mul3A_464 = vector.broadcast %mul3A_463 : f32 to vector<16xf32>
        %mul3A_465 = arith.mulf %get3A_462, %mul3A_464 : vector<16xf32>
        %swap3A_466 = arith.index_cast %scan3A_148 : i32 to index
        %swap3A_467 = arith.constant 416 : index
        %swap3A_468 = tpu.vector_load %arg8[%swap3A_466, %swap3A_467] {strides = array<i32>} : memref<40x512xf32, #tpu.memory_space<vmem>>, vector<1x16xf32>,
        %swap3A_469 = vector.shape_cast %swap3A_468 : vector<1x16xf32> to vector<16xf32>
        %swap3A_470 = vector.shape_cast %mul3A_465 : vector<16xf32> to vector<1x16xf32>
        tpu.vector_store %arg8[%swap3A_466, %swap3A_467], %swap3A_470 {strides = array<i32>} : memref<40x512xf32, #tpu.memory_space<vmem>>, vector<1x16xf32>,
        %get3A_471 = arith.index_cast %scan3A_148 : i32 to index
        %get3A_472 = arith.constant 432 : index
        %get3A_473 = tpu.vector_load %arg6[%get3A_471, %get3A_472] {strides = array<i32>} : memref<40x512xf32, #tpu.memory_space<vmem>>, vector<1x16xf32>,
        %get3A_474 = vector.shape_cast %get3A_473 : vector<1x16xf32> to vector<16xf32>
        %mul3A_475 = arith.constant 22.6274166 : f32
        %mul3A_476 = vector.broadcast %mul3A_475 : f32 to vector<16xf32>
        %mul3A_477 = arith.mulf %get3A_474, %mul3A_476 : vector<16xf32>
        %swap3A_478 = arith.index_cast %scan3A_148 : i32 to index
        %swap3A_479 = arith.constant 432 : index
        %swap3A_480 = tpu.vector_load %arg8[%swap3A_478, %swap3A_479] {strides = array<i32>} : memref<40x512xf32, #tpu.memory_space<vmem>>, vector<1x16xf32>,
        %swap3A_481 = vector.shape_cast %swap3A_480 : vector<1x16xf32> to vector<16xf32>
        %swap3A_482 = vector.shape_cast %mul3A_477 : vector<16xf32> to vector<1x16xf32>
        tpu.vector_store %arg8[%swap3A_478, %swap3A_479], %swap3A_482 {strides = array<i32>} : memref<40x512xf32, #tpu.memory_space<vmem>>, vector<1x16xf32>,
        %get3A_483 = arith.index_cast %scan3A_148 : i32 to index
        %get3A_484 = arith.constant 448 : index
        %get3A_485 = tpu.vector_load %arg6[%get3A_483, %get3A_484] {strides = array<i32>} : memref<40x512xf32, #tpu.memory_space<vmem>>, vector<1x16xf32>,
        %get3A_486 = vector.shape_cast %get3A_485 : vector<1x16xf32> to vector<16xf32>
        %mul3A_487 = arith.constant 22.6274166 : f32
        %mul3A_488 = vector.broadcast %mul3A_487 : f32 to vector<16xf32>
        %mul3A_489 = arith.mulf %get3A_486, %mul3A_488 : vector<16xf32>
        %swap3A_490 = arith.index_cast %scan3A_148 : i32 to index
        %swap3A_491 = arith.constant 448 : index
        %swap3A_492 = tpu.vector_load %arg8[%swap3A_490, %swap3A_491] {strides = array<i32>} : memref<40x512xf32, #tpu.memory_space<vmem>>, vector<1x16xf32>,
        %swap3A_493 = vector.shape_cast %swap3A_492 : vector<1x16xf32> to vector<16xf32>
        %swap3A_494 = vector.shape_cast %mul3A_489 : vector<16xf32> to vector<1x16xf32>
        tpu.vector_store %arg8[%swap3A_490, %swap3A_491], %swap3A_494 {strides = array<i32>} : memref<40x512xf32, #tpu.memory_space<vmem>>, vector<1x16xf32>,
        %get3A_495 = arith.index_cast %scan3A_148 : i32 to index
        %get3A_496 = arith.constant 464 : index
        %get3A_497 = tpu.vector_load %arg6[%get3A_495, %get3A_496] {strides = array<i32>} : memref<40x512xf32, #tpu.memory_space<vmem>>, vector<1x16xf32>,
        %get3A_498 = vector.shape_cast %get3A_497 : vector<1x16xf32> to vector<16xf32>
        %mul3A_499 = arith.constant 22.6274166 : f32
        %mul3A_500 = vector.broadcast %mul3A_499 : f32 to vector<16xf32>
        %mul3A_501 = arith.mulf %get3A_498, %mul3A_500 : vector<16xf32>
        %swap3A_502 = arith.index_cast %scan3A_148 : i32 to index
        %swap3A_503 = arith.constant 464 : index
        %swap3A_504 = tpu.vector_load %arg8[%swap3A_502, %swap3A_503] {strides = array<i32>} : memref<40x512xf32, #tpu.memory_space<vmem>>, vector<1x16xf32>,
        %swap3A_505 = vector.shape_cast %swap3A_504 : vector<1x16xf32> to vector<16xf32>
        %swap3A_506 = vector.shape_cast %mul3A_501 : vector<16xf32> to vector<1x16xf32>
        tpu.vector_store %arg8[%swap3A_502, %swap3A_503], %swap3A_506 {strides = array<i32>} : memref<40x512xf32, #tpu.memory_space<vmem>>, vector<1x16xf32>,
        %get3A_507 = arith.index_cast %scan3A_148 : i32 to index
        %get3A_508 = arith.constant 480 : index
        %get3A_509 = tpu.vector_load %arg6[%get3A_507, %get3A_508] {strides = array<i32>} : memref<40x512xf32, #tpu.memory_space<vmem>>, vector<1x16xf32>,
        %get3A_510 = vector.shape_cast %get3A_509 : vector<1x16xf32> to vector<16xf32>
        %mul3A_511 = arith.constant 22.6274166 : f32
        %mul3A_512 = vector.broadcast %mul3A_511 : f32 to vector<16xf32>
        %mul3A_513 = arith.mulf %get3A_510, %mul3A_512 : vector<16xf32>
        %swap3A_514 = arith.index_cast %scan3A_148 : i32 to index
        %swap3A_515 = arith.constant 480 : index
        %swap3A_516 = tpu.vector_load %arg8[%swap3A_514, %swap3A_515] {strides = array<i32>} : memref<40x512xf32, #tpu.memory_space<vmem>>, vector<1x16xf32>,
        %swap3A_517 = vector.shape_cast %swap3A_516 : vector<1x16xf32> to vector<16xf32>
        %swap3A_518 = vector.shape_cast %mul3A_513 : vector<16xf32> to vector<1x16xf32>
        tpu.vector_store %arg8[%swap3A_514, %swap3A_515], %swap3A_518 {strides = array<i32>} : memref<40x512xf32, #tpu.memory_space<vmem>>, vector<1x16xf32>,
        %get3A_519 = arith.index_cast %scan3A_148 : i32 to index
        %get3A_520 = arith.constant 496 : index
        %get3A_521 = tpu.vector_load %arg6[%get3A_519, %get3A_520] {strides = array<i32>} : memref<40x512xf32, #tpu.memory_space<vmem>>, vector<1x16xf32>,
        %get3A_522 = vector.shape_cast %get3A_521 : vector<1x16xf32> to vector<16xf32>
        %mul3A_523 = arith.constant 22.6274166 : f32
        %mul3A_524 = vector.broadcast %mul3A_523 : f32 to vector<16xf32>
        %mul3A_525 = arith.mulf %get3A_522, %mul3A_524 : vector<16xf32>
        %swap3A_526 = arith.index_cast %scan3A_148 : i32 to index
        %swap3A_527 = arith.constant 496 : index
        %swap3A_528 = tpu.vector_load %arg8[%swap3A_526, %swap3A_527] {strides = array<i32>} : memref<40x512xf32, #tpu.memory_space<vmem>>, vector<1x16xf32>,
        %swap3A_529 = vector.shape_cast %swap3A_528 : vector<1x16xf32> to vector<16xf32>
        %swap3A_530 = vector.shape_cast %mul3A_525 : vector<16xf32> to vector<1x16xf32>
        tpu.vector_store %arg8[%swap3A_526, %swap3A_527], %swap3A_530 {strides = array<i32>} : memref<40x512xf32, #tpu.memory_space<vmem>>, vector<1x16xf32>,
      }
      %scan3A_101 = arith.constant 40 : i32
      %mul3A_102 = arith.constant 40 : i32
      %mul3A_103 = arith.muli %add3A_84, %mul3A_102 : i32
      %add3A_104 = arith.addi %mul3A_2, %mul3A_103 : i32
      %dma_start3A_105 = arith.constant 0 : i32
      %dma_start3A_106 = tpu.memref_slice %arg4[%add3A_104, %dma_start3A_105] : memref<204800x512xf32, #tpu.memory_space<hbm>> -> memref<40x512xf32, #tpu.memory_space<hbm>>
      %dma_start3A_107 = arith.constant 0 : i32
      %dma_start3A_108 = tpu.memref_slice %arg4[%add3A_104, %dma_start3A_107] : memref<204800x512xf32, #tpu.memory_space<hbm>> -> memref<40x512xf32, #tpu.memory_space<hbm>>
      tpu.enqueue_dma source(%arg8 : memref<40x512xf32, #tpu.memory_space<vmem>>) target(%dma_start3A_108 : memref<40x512xf32, #tpu.memory_space<hbm>>) target_semaphore(%arg12 : memref<!tpu.dma_semaphore, #tpu.memory_space<semaphore_mem>>)
      %add3A_109 = arith.constant 2 : i32
      %add3A_110 = arith.addi %add3A_84, %add3A_109 : i32
      %lt3A = arith.constant 160 : i32
      %lt3A_111 = arith.cmpi slt, %add3A_110, %lt3A : i32
      %convert_element_type3A = arith.extui %lt3A_111 : i1 to i32
      %cond3A = arith.constant 0 : i32
      %cond3A_112 = arith.cmpi ne, %convert_element_type3A, %cond3A : i32
      scf.if %cond3A_112 {
        %add3A_148 = arith.constant 2 : i32
        %add3A_149 = arith.addi %add3A_84, %add3A_148 : i32
        %dma_start3A_150 = arith.constant 0 : i32
        %dma_start3A_151 = tpu.memref_slice %arg5[%add3A_149, %dma_start3A_150] : memref<160x40xi32, #tpu.memory_space<vmem>> -> memref<1x40xi32, #tpu.memory_space<vmem>>
        %dma_start3A_152 = tpu.memref_squeeze %dma_start3A_151 : memref<1x40xi32, #tpu.memory_space<vmem>> -> memref<40xi32, #tpu.memory_space<vmem>>
        %dma_start3A_153 = arith.constant 0 : i32
        %dma_start3A_154 = arith.constant 0 : i32
        %dma_start3A_155 = tpu.memref_slice %arg2[%dma_start3A_153, %dma_start3A_154] : memref<100000x512xf32, #tpu.memory_space<hbm>> -> memref<100000x512xf32, #tpu.memory_space<hbm>>
        tpu.enqueue_indirect_dma source(%dma_start3A_155 : memref<100000x512xf32, #tpu.memory_space<hbm>>) target(%arg6 : memref<40x512xf32, #tpu.memory_space<vmem>>) offsets(%dma_start3A_152 : memref<40xi32, #tpu.memory_space<vmem>>) semaphore(%arg10 : memref<!tpu.dma_semaphore, #tpu.memory_space<semaphore_mem>>)
      } else {
      }
      %mul3A_113 = arith.constant 2 : i32
      %mul3A_114 = arith.muli %mul3A_113, %scan3A_80 : i32
      %add3A_115 = arith.constant 1 : i32
      %add3A_116 = arith.addi %mul3A_114, %add3A_115 : i32
      %dma_wait3A_117 = arith.constant 0 : i32
      %dma_wait3A_118 = arith.constant 0 : i32
      %dma_wait3A_119 = tpu.memref_slice %arg5[%dma_wait3A_117, %dma_wait3A_118] : memref<160x40xi32, #tpu.memory_space<vmem>> -> memref<1x40xi32, #tpu.memory_space<vmem>>
      %dma_wait3A_120 = tpu.memref_squeeze %dma_wait3A_119 : memref<1x40xi32, #tpu.memory_space<vmem>> -> memref<40xi32, #tpu.memory_space<vmem>>
      %dma_wait3A_121 = arith.constant 0 : i32
      %dma_wait3A_122 = arith.constant 0 : i32
      %dma_wait3A_123 = tpu.memref_slice %arg2[%dma_wait3A_121, %dma_wait3A_122] : memref<100000x512xf32, #tpu.memory_space<hbm>> -> memref<100000x512xf32, #tpu.memory_space<hbm>>
      tpu.wait_indirect_dma semaphore(%arg11 : memref<!tpu.dma_semaphore, #tpu.memory_space<semaphore_mem>>) src(%dma_wait3A_123 : memref<100000x512xf32, #tpu.memory_space<hbm>>) dst(%arg7 : memref<40x512xf32, #tpu.memory_space<vmem>>)
      %dma_wait3A_124 = arith.constant 0 : i32
      %dma_wait3A_125 = tpu.memref_slice %arg4[%mul3A_2, %dma_wait3A_124] : memref<204800x512xf32, #tpu.memory_space<hbm>> -> memref<40x512xf32, #tpu.memory_space<hbm>>
      %dma_wait3A_126 = arith.constant 0 : i32
      %dma_wait3A_127 = tpu.memref_slice %arg4[%mul3A_2, %dma_wait3A_126] : memref<204800x512xf32, #tpu.memory_space<hbm>> -> memref<40x512xf32, #tpu.memory_space<hbm>>
      tpu.wait_dma2 semaphore(%arg13 : memref<!tpu.dma_semaphore, #tpu.memory_space<semaphore_mem>>) src(%arg9 : memref<40x512xf32, #tpu.memory_space<vmem>>) dst(%dma_wait3A_127 : memref<40x512xf32, #tpu.memory_space<hbm>>)
      %scan3A_128 = arith.constant 0 : i32
      %scan3A_129 = arith.constant 0 : i32
      %scan3A_130 = arith.constant 40 : i32
      %scan3A_131 = arith.addi %scan3A_129, %scan3A_130 : i32
      %scan3A_132 = arith.constant 1 : i32
      scf.for %scan3A_148 = %scan3A_129 to %scan3A_131 step %scan3A_132  : i32 {
        %get3A = arith.index_cast %scan3A_148 : i32 to index
        %get3A_149 = arith.constant 0 : index
        %get3A_150 = tpu.vector_load %arg7[%get3A, %get3A_149] {strides = array<i32>} : memref<40x512xf32, #tpu.memory_space<vmem>>, vector<1x16xf32>,
        %get3A_151 = vector.shape_cast %get3A_150 : vector<1x16xf32> to vector<16xf32>
        %mul3A_152 = arith.constant 22.6274166 : f32
        %mul3A_153 = vector.broadcast %mul3A_152 : f32 to vector<16xf32>
        %mul3A_154 = arith.mulf %get3A_151, %mul3A_153 : vector<16xf32>
        %swap3A = arith.index_cast %scan3A_148 : i32 to index
        %swap3A_155 = arith.constant 0 : index
        %swap3A_156 = tpu.vector_load %arg9[%swap3A, %swap3A_155] {strides = array<i32>} : memref<40x512xf32, #tpu.memory_space<vmem>>, vector<1x16xf32>,
        %swap3A_157 = vector.shape_cast %swap3A_156 : vector<1x16xf32> to vector<16xf32>
        %swap3A_158 = vector.shape_cast %mul3A_154 : vector<16xf32> to vector<1x16xf32>
        tpu.vector_store %arg9[%swap3A, %swap3A_155], %swap3A_158 {strides = array<i32>} : memref<40x512xf32, #tpu.memory_space<vmem>>, vector<1x16xf32>,
        %get3A_159 = arith.index_cast %scan3A_148 : i32 to index
        %get3A_160 = arith.constant 16 : index
        %get3A_161 = tpu.vector_load %arg7[%get3A_159, %get3A_160] {strides = array<i32>} : memref<40x512xf32, #tpu.memory_space<vmem>>, vector<1x16xf32>,
        %get3A_162 = vector.shape_cast %get3A_161 : vector<1x16xf32> to vector<16xf32>
        %mul3A_163 = arith.constant 22.6274166 : f32
        %mul3A_164 = vector.broadcast %mul3A_163 : f32 to vector<16xf32>
        %mul3A_165 = arith.mulf %get3A_162, %mul3A_164 : vector<16xf32>
        %swap3A_166 = arith.index_cast %scan3A_148 : i32 to index
        %swap3A_167 = arith.constant 16 : index
        %swap3A_168 = tpu.vector_load %arg9[%swap3A_166, %swap3A_167] {strides = array<i32>} : memref<40x512xf32, #tpu.memory_space<vmem>>, vector<1x16xf32>,
        %swap3A_169 = vector.shape_cast %swap3A_168 : vector<1x16xf32> to vector<16xf32>
        %swap3A_170 = vector.shape_cast %mul3A_165 : vector<16xf32> to vector<1x16xf32>
        tpu.vector_store %arg9[%swap3A_166, %swap3A_167], %swap3A_170 {strides = array<i32>} : memref<40x512xf32, #tpu.memory_space<vmem>>, vector<1x16xf32>,
        %get3A_171 = arith.index_cast %scan3A_148 : i32 to index
        %get3A_172 = arith.constant 32 : index
        %get3A_173 = tpu.vector_load %arg7[%get3A_171, %get3A_172] {strides = array<i32>} : memref<40x512xf32, #tpu.memory_space<vmem>>, vector<1x16xf32>,
        %get3A_174 = vector.shape_cast %get3A_173 : vector<1x16xf32> to vector<16xf32>
        %mul3A_175 = arith.constant 22.6274166 : f32
        %mul3A_176 = vector.broadcast %mul3A_175 : f32 to vector<16xf32>
        %mul3A_177 = arith.mulf %get3A_174, %mul3A_176 : vector<16xf32>
        %swap3A_178 = arith.index_cast %scan3A_148 : i32 to index
        %swap3A_179 = arith.constant 32 : index
        %swap3A_180 = tpu.vector_load %arg9[%swap3A_178, %swap3A_179] {strides = array<i32>} : memref<40x512xf32, #tpu.memory_space<vmem>>, vector<1x16xf32>,
        %swap3A_181 = vector.shape_cast %swap3A_180 : vector<1x16xf32> to vector<16xf32>
        %swap3A_182 = vector.shape_cast %mul3A_177 : vector<16xf32> to vector<1x16xf32>
        tpu.vector_store %arg9[%swap3A_178, %swap3A_179], %swap3A_182 {strides = array<i32>} : memref<40x512xf32, #tpu.memory_space<vmem>>, vector<1x16xf32>,
        %get3A_183 = arith.index_cast %scan3A_148 : i32 to index
        %get3A_184 = arith.constant 48 : index
        %get3A_185 = tpu.vector_load %arg7[%get3A_183, %get3A_184] {strides = array<i32>} : memref<40x512xf32, #tpu.memory_space<vmem>>, vector<1x16xf32>,
        %get3A_186 = vector.shape_cast %get3A_185 : vector<1x16xf32> to vector<16xf32>
        %mul3A_187 = arith.constant 22.6274166 : f32
        %mul3A_188 = vector.broadcast %mul3A_187 : f32 to vector<16xf32>
        %mul3A_189 = arith.mulf %get3A_186, %mul3A_188 : vector<16xf32>
        %swap3A_190 = arith.index_cast %scan3A_148 : i32 to index
        %swap3A_191 = arith.constant 48 : index
        %swap3A_192 = tpu.vector_load %arg9[%swap3A_190, %swap3A_191] {strides = array<i32>} : memref<40x512xf32, #tpu.memory_space<vmem>>, vector<1x16xf32>,
        %swap3A_193 = vector.shape_cast %swap3A_192 : vector<1x16xf32> to vector<16xf32>
        %swap3A_194 = vector.shape_cast %mul3A_189 : vector<16xf32> to vector<1x16xf32>
        tpu.vector_store %arg9[%swap3A_190, %swap3A_191], %swap3A_194 {strides = array<i32>} : memref<40x512xf32, #tpu.memory_space<vmem>>, vector<1x16xf32>,
        %get3A_195 = arith.index_cast %scan3A_148 : i32 to index
        %get3A_196 = arith.constant 64 : index
        %get3A_197 = tpu.vector_load %arg7[%get3A_195, %get3A_196] {strides = array<i32>} : memref<40x512xf32, #tpu.memory_space<vmem>>, vector<1x16xf32>,
        %get3A_198 = vector.shape_cast %get3A_197 : vector<1x16xf32> to vector<16xf32>
        %mul3A_199 = arith.constant 22.6274166 : f32
        %mul3A_200 = vector.broadcast %mul3A_199 : f32 to vector<16xf32>
        %mul3A_201 = arith.mulf %get3A_198, %mul3A_200 : vector<16xf32>
        %swap3A_202 = arith.index_cast %scan3A_148 : i32 to index
        %swap3A_203 = arith.constant 64 : index
        %swap3A_204 = tpu.vector_load %arg9[%swap3A_202, %swap3A_203] {strides = array<i32>} : memref<40x512xf32, #tpu.memory_space<vmem>>, vector<1x16xf32>,
        %swap3A_205 = vector.shape_cast %swap3A_204 : vector<1x16xf32> to vector<16xf32>
        %swap3A_206 = vector.shape_cast %mul3A_201 : vector<16xf32> to vector<1x16xf32>
        tpu.vector_store %arg9[%swap3A_202, %swap3A_203], %swap3A_206 {strides = array<i32>} : memref<40x512xf32, #tpu.memory_space<vmem>>, vector<1x16xf32>,
        %get3A_207 = arith.index_cast %scan3A_148 : i32 to index
        %get3A_208 = arith.constant 80 : index
        %get3A_209 = tpu.vector_load %arg7[%get3A_207, %get3A_208] {strides = array<i32>} : memref<40x512xf32, #tpu.memory_space<vmem>>, vector<1x16xf32>,
        %get3A_210 = vector.shape_cast %get3A_209 : vector<1x16xf32> to vector<16xf32>
        %mul3A_211 = arith.constant 22.6274166 : f32
        %mul3A_212 = vector.broadcast %mul3A_211 : f32 to vector<16xf32>
        %mul3A_213 = arith.mulf %get3A_210, %mul3A_212 : vector<16xf32>
        %swap3A_214 = arith.index_cast %scan3A_148 : i32 to index
        %swap3A_215 = arith.constant 80 : index
        %swap3A_216 = tpu.vector_load %arg9[%swap3A_214, %swap3A_215] {strides = array<i32>} : memref<40x512xf32, #tpu.memory_space<vmem>>, vector<1x16xf32>,
        %swap3A_217 = vector.shape_cast %swap3A_216 : vector<1x16xf32> to vector<16xf32>
        %swap3A_218 = vector.shape_cast %mul3A_213 : vector<16xf32> to vector<1x16xf32>
        tpu.vector_store %arg9[%swap3A_214, %swap3A_215], %swap3A_218 {strides = array<i32>} : memref<40x512xf32, #tpu.memory_space<vmem>>, vector<1x16xf32>,
        %get3A_219 = arith.index_cast %scan3A_148 : i32 to index
        %get3A_220 = arith.constant 96 : index
        %get3A_221 = tpu.vector_load %arg7[%get3A_219, %get3A_220] {strides = array<i32>} : memref<40x512xf32, #tpu.memory_space<vmem>>, vector<1x16xf32>,
        %get3A_222 = vector.shape_cast %get3A_221 : vector<1x16xf32> to vector<16xf32>
        %mul3A_223 = arith.constant 22.6274166 : f32
        %mul3A_224 = vector.broadcast %mul3A_223 : f32 to vector<16xf32>
        %mul3A_225 = arith.mulf %get3A_222, %mul3A_224 : vector<16xf32>
        %swap3A_226 = arith.index_cast %scan3A_148 : i32 to index
        %swap3A_227 = arith.constant 96 : index
        %swap3A_228 = tpu.vector_load %arg9[%swap3A_226, %swap3A_227] {strides = array<i32>} : memref<40x512xf32, #tpu.memory_space<vmem>>, vector<1x16xf32>,
        %swap3A_229 = vector.shape_cast %swap3A_228 : vector<1x16xf32> to vector<16xf32>
        %swap3A_230 = vector.shape_cast %mul3A_225 : vector<16xf32> to vector<1x16xf32>
        tpu.vector_store %arg9[%swap3A_226, %swap3A_227], %swap3A_230 {strides = array<i32>} : memref<40x512xf32, #tpu.memory_space<vmem>>, vector<1x16xf32>,
        %get3A_231 = arith.index_cast %scan3A_148 : i32 to index
        %get3A_232 = arith.constant 112 : index
        %get3A_233 = tpu.vector_load %arg7[%get3A_231, %get3A_232] {strides = array<i32>} : memref<40x512xf32, #tpu.memory_space<vmem>>, vector<1x16xf32>,
        %get3A_234 = vector.shape_cast %get3A_233 : vector<1x16xf32> to vector<16xf32>
        %mul3A_235 = arith.constant 22.6274166 : f32
        %mul3A_236 = vector.broadcast %mul3A_235 : f32 to vector<16xf32>
        %mul3A_237 = arith.mulf %get3A_234, %mul3A_236 : vector<16xf32>
        %swap3A_238 = arith.index_cast %scan3A_148 : i32 to index
        %swap3A_239 = arith.constant 112 : index
        %swap3A_240 = tpu.vector_load %arg9[%swap3A_238, %swap3A_239] {strides = array<i32>} : memref<40x512xf32, #tpu.memory_space<vmem>>, vector<1x16xf32>,
        %swap3A_241 = vector.shape_cast %swap3A_240 : vector<1x16xf32> to vector<16xf32>
        %swap3A_242 = vector.shape_cast %mul3A_237 : vector<16xf32> to vector<1x16xf32>
        tpu.vector_store %arg9[%swap3A_238, %swap3A_239], %swap3A_242 {strides = array<i32>} : memref<40x512xf32, #tpu.memory_space<vmem>>, vector<1x16xf32>,
        %get3A_243 = arith.index_cast %scan3A_148 : i32 to index
        %get3A_244 = arith.constant 128 : index
        %get3A_245 = tpu.vector_load %arg7[%get3A_243, %get3A_244] {strides = array<i32>} : memref<40x512xf32, #tpu.memory_space<vmem>>, vector<1x16xf32>,
        %get3A_246 = vector.shape_cast %get3A_245 : vector<1x16xf32> to vector<16xf32>
        %mul3A_247 = arith.constant 22.6274166 : f32
        %mul3A_248 = vector.broadcast %mul3A_247 : f32 to vector<16xf32>
        %mul3A_249 = arith.mulf %get3A_246, %mul3A_248 : vector<16xf32>
        %swap3A_250 = arith.index_cast %scan3A_148 : i32 to index
        %swap3A_251 = arith.constant 128 : index
        %swap3A_252 = tpu.vector_load %arg9[%swap3A_250, %swap3A_251] {strides = array<i32>} : memref<40x512xf32, #tpu.memory_space<vmem>>, vector<1x16xf32>,
        %swap3A_253 = vector.shape_cast %swap3A_252 : vector<1x16xf32> to vector<16xf32>
        %swap3A_254 = vector.shape_cast %mul3A_249 : vector<16xf32> to vector<1x16xf32>
        tpu.vector_store %arg9[%swap3A_250, %swap3A_251], %swap3A_254 {strides = array<i32>} : memref<40x512xf32, #tpu.memory_space<vmem>>, vector<1x16xf32>,
        %get3A_255 = arith.index_cast %scan3A_148 : i32 to index
        %get3A_256 = arith.constant 144 : index
        %get3A_257 = tpu.vector_load %arg7[%get3A_255, %get3A_256] {strides = array<i32>} : memref<40x512xf32, #tpu.memory_space<vmem>>, vector<1x16xf32>,
        %get3A_258 = vector.shape_cast %get3A_257 : vector<1x16xf32> to vector<16xf32>
        %mul3A_259 = arith.constant 22.6274166 : f32
        %mul3A_260 = vector.broadcast %mul3A_259 : f32 to vector<16xf32>
        %mul3A_261 = arith.mulf %get3A_258, %mul3A_260 : vector<16xf32>
        %swap3A_262 = arith.index_cast %scan3A_148 : i32 to index
        %swap3A_263 = arith.constant 144 : index
        %swap3A_264 = tpu.vector_load %arg9[%swap3A_262, %swap3A_263] {strides = array<i32>} : memref<40x512xf32, #tpu.memory_space<vmem>>, vector<1x16xf32>,
        %swap3A_265 = vector.shape_cast %swap3A_264 : vector<1x16xf32> to vector<16xf32>
        %swap3A_266 = vector.shape_cast %mul3A_261 : vector<16xf32> to vector<1x16xf32>
        tpu.vector_store %arg9[%swap3A_262, %swap3A_263], %swap3A_266 {strides = array<i32>} : memref<40x512xf32, #tpu.memory_space<vmem>>, vector<1x16xf32>,
        %get3A_267 = arith.index_cast %scan3A_148 : i32 to index
        %get3A_268 = arith.constant 160 : index
        %get3A_269 = tpu.vector_load %arg7[%get3A_267, %get3A_268] {strides = array<i32>} : memref<40x512xf32, #tpu.memory_space<vmem>>, vector<1x16xf32>,
        %get3A_270 = vector.shape_cast %get3A_269 : vector<1x16xf32> to vector<16xf32>
        %mul3A_271 = arith.constant 22.6274166 : f32
        %mul3A_272 = vector.broadcast %mul3A_271 : f32 to vector<16xf32>
        %mul3A_273 = arith.mulf %get3A_270, %mul3A_272 : vector<16xf32>
        %swap3A_274 = arith.index_cast %scan3A_148 : i32 to index
        %swap3A_275 = arith.constant 160 : index
        %swap3A_276 = tpu.vector_load %arg9[%swap3A_274, %swap3A_275] {strides = array<i32>} : memref<40x512xf32, #tpu.memory_space<vmem>>, vector<1x16xf32>,
        %swap3A_277 = vector.shape_cast %swap3A_276 : vector<1x16xf32> to vector<16xf32>
        %swap3A_278 = vector.shape_cast %mul3A_273 : vector<16xf32> to vector<1x16xf32>
        tpu.vector_store %arg9[%swap3A_274, %swap3A_275], %swap3A_278 {strides = array<i32>} : memref<40x512xf32, #tpu.memory_space<vmem>>, vector<1x16xf32>,
        %get3A_279 = arith.index_cast %scan3A_148 : i32 to index
        %get3A_280 = arith.constant 176 : index
        %get3A_281 = tpu.vector_load %arg7[%get3A_279, %get3A_280] {strides = array<i32>} : memref<40x512xf32, #tpu.memory_space<vmem>>, vector<1x16xf32>,
        %get3A_282 = vector.shape_cast %get3A_281 : vector<1x16xf32> to vector<16xf32>
        %mul3A_283 = arith.constant 22.6274166 : f32
        %mul3A_284 = vector.broadcast %mul3A_283 : f32 to vector<16xf32>
        %mul3A_285 = arith.mulf %get3A_282, %mul3A_284 : vector<16xf32>
        %swap3A_286 = arith.index_cast %scan3A_148 : i32 to index
        %swap3A_287 = arith.constant 176 : index
        %swap3A_288 = tpu.vector_load %arg9[%swap3A_286, %swap3A_287] {strides = array<i32>} : memref<40x512xf32, #tpu.memory_space<vmem>>, vector<1x16xf32>,
        %swap3A_289 = vector.shape_cast %swap3A_288 : vector<1x16xf32> to vector<16xf32>
        %swap3A_290 = vector.shape_cast %mul3A_285 : vector<16xf32> to vector<1x16xf32>
        tpu.vector_store %arg9[%swap3A_286, %swap3A_287], %swap3A_290 {strides = array<i32>} : memref<40x512xf32, #tpu.memory_space<vmem>>, vector<1x16xf32>,
        %get3A_291 = arith.index_cast %scan3A_148 : i32 to index
        %get3A_292 = arith.constant 192 : index
        %get3A_293 = tpu.vector_load %arg7[%get3A_291, %get3A_292] {strides = array<i32>} : memref<40x512xf32, #tpu.memory_space<vmem>>, vector<1x16xf32>,
        %get3A_294 = vector.shape_cast %get3A_293 : vector<1x16xf32> to vector<16xf32>
        %mul3A_295 = arith.constant 22.6274166 : f32
        %mul3A_296 = vector.broadcast %mul3A_295 : f32 to vector<16xf32>
        %mul3A_297 = arith.mulf %get3A_294, %mul3A_296 : vector<16xf32>
        %swap3A_298 = arith.index_cast %scan3A_148 : i32 to index
        %swap3A_299 = arith.constant 192 : index
        %swap3A_300 = tpu.vector_load %arg9[%swap3A_298, %swap3A_299] {strides = array<i32>} : memref<40x512xf32, #tpu.memory_space<vmem>>, vector<1x16xf32>,
        %swap3A_301 = vector.shape_cast %swap3A_300 : vector<1x16xf32> to vector<16xf32>
        %swap3A_302 = vector.shape_cast %mul3A_297 : vector<16xf32> to vector<1x16xf32>
        tpu.vector_store %arg9[%swap3A_298, %swap3A_299], %swap3A_302 {strides = array<i32>} : memref<40x512xf32, #tpu.memory_space<vmem>>, vector<1x16xf32>,
        %get3A_303 = arith.index_cast %scan3A_148 : i32 to index
        %get3A_304 = arith.constant 208 : index
        %get3A_305 = tpu.vector_load %arg7[%get3A_303, %get3A_304] {strides = array<i32>} : memref<40x512xf32, #tpu.memory_space<vmem>>, vector<1x16xf32>,
        %get3A_306 = vector.shape_cast %get3A_305 : vector<1x16xf32> to vector<16xf32>
        %mul3A_307 = arith.constant 22.6274166 : f32
        %mul3A_308 = vector.broadcast %mul3A_307 : f32 to vector<16xf32>
        %mul3A_309 = arith.mulf %get3A_306, %mul3A_308 : vector<16xf32>
        %swap3A_310 = arith.index_cast %scan3A_148 : i32 to index
        %swap3A_311 = arith.constant 208 : index
        %swap3A_312 = tpu.vector_load %arg9[%swap3A_310, %swap3A_311] {strides = array<i32>} : memref<40x512xf32, #tpu.memory_space<vmem>>, vector<1x16xf32>,
        %swap3A_313 = vector.shape_cast %swap3A_312 : vector<1x16xf32> to vector<16xf32>
        %swap3A_314 = vector.shape_cast %mul3A_309 : vector<16xf32> to vector<1x16xf32>
        tpu.vector_store %arg9[%swap3A_310, %swap3A_311], %swap3A_314 {strides = array<i32>} : memref<40x512xf32, #tpu.memory_space<vmem>>, vector<1x16xf32>,
        %get3A_315 = arith.index_cast %scan3A_148 : i32 to index
        %get3A_316 = arith.constant 224 : index
        %get3A_317 = tpu.vector_load %arg7[%get3A_315, %get3A_316] {strides = array<i32>} : memref<40x512xf32, #tpu.memory_space<vmem>>, vector<1x16xf32>,
        %get3A_318 = vector.shape_cast %get3A_317 : vector<1x16xf32> to vector<16xf32>
        %mul3A_319 = arith.constant 22.6274166 : f32
        %mul3A_320 = vector.broadcast %mul3A_319 : f32 to vector<16xf32>
        %mul3A_321 = arith.mulf %get3A_318, %mul3A_320 : vector<16xf32>
        %swap3A_322 = arith.index_cast %scan3A_148 : i32 to index
        %swap3A_323 = arith.constant 224 : index
        %swap3A_324 = tpu.vector_load %arg9[%swap3A_322, %swap3A_323] {strides = array<i32>} : memref<40x512xf32, #tpu.memory_space<vmem>>, vector<1x16xf32>,
        %swap3A_325 = vector.shape_cast %swap3A_324 : vector<1x16xf32> to vector<16xf32>
        %swap3A_326 = vector.shape_cast %mul3A_321 : vector<16xf32> to vector<1x16xf32>
        tpu.vector_store %arg9[%swap3A_322, %swap3A_323], %swap3A_326 {strides = array<i32>} : memref<40x512xf32, #tpu.memory_space<vmem>>, vector<1x16xf32>,
        %get3A_327 = arith.index_cast %scan3A_148 : i32 to index
        %get3A_328 = arith.constant 240 : index
        %get3A_329 = tpu.vector_load %arg7[%get3A_327, %get3A_328] {strides = array<i32>} : memref<40x512xf32, #tpu.memory_space<vmem>>, vector<1x16xf32>,
        %get3A_330 = vector.shape_cast %get3A_329 : vector<1x16xf32> to vector<16xf32>
        %mul3A_331 = arith.constant 22.6274166 : f32
        %mul3A_332 = vector.broadcast %mul3A_331 : f32 to vector<16xf32>
        %mul3A_333 = arith.mulf %get3A_330, %mul3A_332 : vector<16xf32>
        %swap3A_334 = arith.index_cast %scan3A_148 : i32 to index
        %swap3A_335 = arith.constant 240 : index
        %swap3A_336 = tpu.vector_load %arg9[%swap3A_334, %swap3A_335] {strides = array<i32>} : memref<40x512xf32, #tpu.memory_space<vmem>>, vector<1x16xf32>,
        %swap3A_337 = vector.shape_cast %swap3A_336 : vector<1x16xf32> to vector<16xf32>
        %swap3A_338 = vector.shape_cast %mul3A_333 : vector<16xf32> to vector<1x16xf32>
        tpu.vector_store %arg9[%swap3A_334, %swap3A_335], %swap3A_338 {strides = array<i32>} : memref<40x512xf32, #tpu.memory_space<vmem>>, vector<1x16xf32>,
        %get3A_339 = arith.index_cast %scan3A_148 : i32 to index
        %get3A_340 = arith.constant 256 : index
        %get3A_341 = tpu.vector_load %arg7[%get3A_339, %get3A_340] {strides = array<i32>} : memref<40x512xf32, #tpu.memory_space<vmem>>, vector<1x16xf32>,
        %get3A_342 = vector.shape_cast %get3A_341 : vector<1x16xf32> to vector<16xf32>
        %mul3A_343 = arith.constant 22.6274166 : f32
        %mul3A_344 = vector.broadcast %mul3A_343 : f32 to vector<16xf32>
        %mul3A_345 = arith.mulf %get3A_342, %mul3A_344 : vector<16xf32>
        %swap3A_346 = arith.index_cast %scan3A_148 : i32 to index
        %swap3A_347 = arith.constant 256 : index
        %swap3A_348 = tpu.vector_load %arg9[%swap3A_346, %swap3A_347] {strides = array<i32>} : memref<40x512xf32, #tpu.memory_space<vmem>>, vector<1x16xf32>,
        %swap3A_349 = vector.shape_cast %swap3A_348 : vector<1x16xf32> to vector<16xf32>
        %swap3A_350 = vector.shape_cast %mul3A_345 : vector<16xf32> to vector<1x16xf32>
        tpu.vector_store %arg9[%swap3A_346, %swap3A_347], %swap3A_350 {strides = array<i32>} : memref<40x512xf32, #tpu.memory_space<vmem>>, vector<1x16xf32>,
        %get3A_351 = arith.index_cast %scan3A_148 : i32 to index
        %get3A_352 = arith.constant 272 : index
        %get3A_353 = tpu.vector_load %arg7[%get3A_351, %get3A_352] {strides = array<i32>} : memref<40x512xf32, #tpu.memory_space<vmem>>, vector<1x16xf32>,
        %get3A_354 = vector.shape_cast %get3A_353 : vector<1x16xf32> to vector<16xf32>
        %mul3A_355 = arith.constant 22.6274166 : f32
        %mul3A_356 = vector.broadcast %mul3A_355 : f32 to vector<16xf32>
        %mul3A_357 = arith.mulf %get3A_354, %mul3A_356 : vector<16xf32>
        %swap3A_358 = arith.index_cast %scan3A_148 : i32 to index
        %swap3A_359 = arith.constant 272 : index
        %swap3A_360 = tpu.vector_load %arg9[%swap3A_358, %swap3A_359] {strides = array<i32>} : memref<40x512xf32, #tpu.memory_space<vmem>>, vector<1x16xf32>,
        %swap3A_361 = vector.shape_cast %swap3A_360 : vector<1x16xf32> to vector<16xf32>
        %swap3A_362 = vector.shape_cast %mul3A_357 : vector<16xf32> to vector<1x16xf32>
        tpu.vector_store %arg9[%swap3A_358, %swap3A_359], %swap3A_362 {strides = array<i32>} : memref<40x512xf32, #tpu.memory_space<vmem>>, vector<1x16xf32>,
        %get3A_363 = arith.index_cast %scan3A_148 : i32 to index
        %get3A_364 = arith.constant 288 : index
        %get3A_365 = tpu.vector_load %arg7[%get3A_363, %get3A_364] {strides = array<i32>} : memref<40x512xf32, #tpu.memory_space<vmem>>, vector<1x16xf32>,
        %get3A_366 = vector.shape_cast %get3A_365 : vector<1x16xf32> to vector<16xf32>
        %mul3A_367 = arith.constant 22.6274166 : f32
        %mul3A_368 = vector.broadcast %mul3A_367 : f32 to vector<16xf32>
        %mul3A_369 = arith.mulf %get3A_366, %mul3A_368 : vector<16xf32>
        %swap3A_370 = arith.index_cast %scan3A_148 : i32 to index
        %swap3A_371 = arith.constant 288 : index
        %swap3A_372 = tpu.vector_load %arg9[%swap3A_370, %swap3A_371] {strides = array<i32>} : memref<40x512xf32, #tpu.memory_space<vmem>>, vector<1x16xf32>,
        %swap3A_373 = vector.shape_cast %swap3A_372 : vector<1x16xf32> to vector<16xf32>
        %swap3A_374 = vector.shape_cast %mul3A_369 : vector<16xf32> to vector<1x16xf32>
        tpu.vector_store %arg9[%swap3A_370, %swap3A_371], %swap3A_374 {strides = array<i32>} : memref<40x512xf32, #tpu.memory_space<vmem>>, vector<1x16xf32>,
        %get3A_375 = arith.index_cast %scan3A_148 : i32 to index
        %get3A_376 = arith.constant 304 : index
        %get3A_377 = tpu.vector_load %arg7[%get3A_375, %get3A_376] {strides = array<i32>} : memref<40x512xf32, #tpu.memory_space<vmem>>, vector<1x16xf32>,
        %get3A_378 = vector.shape_cast %get3A_377 : vector<1x16xf32> to vector<16xf32>
        %mul3A_379 = arith.constant 22.6274166 : f32
        %mul3A_380 = vector.broadcast %mul3A_379 : f32 to vector<16xf32>
        %mul3A_381 = arith.mulf %get3A_378, %mul3A_380 : vector<16xf32>
        %swap3A_382 = arith.index_cast %scan3A_148 : i32 to index
        %swap3A_383 = arith.constant 304 : index
        %swap3A_384 = tpu.vector_load %arg9[%swap3A_382, %swap3A_383] {strides = array<i32>} : memref<40x512xf32, #tpu.memory_space<vmem>>, vector<1x16xf32>,
        %swap3A_385 = vector.shape_cast %swap3A_384 : vector<1x16xf32> to vector<16xf32>
        %swap3A_386 = vector.shape_cast %mul3A_381 : vector<16xf32> to vector<1x16xf32>
        tpu.vector_store %arg9[%swap3A_382, %swap3A_383], %swap3A_386 {strides = array<i32>} : memref<40x512xf32, #tpu.memory_space<vmem>>, vector<1x16xf32>,
        %get3A_387 = arith.index_cast %scan3A_148 : i32 to index
        %get3A_388 = arith.constant 320 : index
        %get3A_389 = tpu.vector_load %arg7[%get3A_387, %get3A_388] {strides = array<i32>} : memref<40x512xf32, #tpu.memory_space<vmem>>, vector<1x16xf32>,
        %get3A_390 = vector.shape_cast %get3A_389 : vector<1x16xf32> to vector<16xf32>
        %mul3A_391 = arith.constant 22.6274166 : f32
        %mul3A_392 = vector.broadcast %mul3A_391 : f32 to vector<16xf32>
        %mul3A_393 = arith.mulf %get3A_390, %mul3A_392 : vector<16xf32>
        %swap3A_394 = arith.index_cast %scan3A_148 : i32 to index
        %swap3A_395 = arith.constant 320 : index
        %swap3A_396 = tpu.vector_load %arg9[%swap3A_394, %swap3A_395] {strides = array<i32>} : memref<40x512xf32, #tpu.memory_space<vmem>>, vector<1x16xf32>,
        %swap3A_397 = vector.shape_cast %swap3A_396 : vector<1x16xf32> to vector<16xf32>
        %swap3A_398 = vector.shape_cast %mul3A_393 : vector<16xf32> to vector<1x16xf32>
        tpu.vector_store %arg9[%swap3A_394, %swap3A_395], %swap3A_398 {strides = array<i32>} : memref<40x512xf32, #tpu.memory_space<vmem>>, vector<1x16xf32>,
        %get3A_399 = arith.index_cast %scan3A_148 : i32 to index
        %get3A_400 = arith.constant 336 : index
        %get3A_401 = tpu.vector_load %arg7[%get3A_399, %get3A_400] {strides = array<i32>} : memref<40x512xf32, #tpu.memory_space<vmem>>, vector<1x16xf32>,
        %get3A_402 = vector.shape_cast %get3A_401 : vector<1x16xf32> to vector<16xf32>
        %mul3A_403 = arith.constant 22.6274166 : f32
        %mul3A_404 = vector.broadcast %mul3A_403 : f32 to vector<16xf32>
        %mul3A_405 = arith.mulf %get3A_402, %mul3A_404 : vector<16xf32>
        %swap3A_406 = arith.index_cast %scan3A_148 : i32 to index
        %swap3A_407 = arith.constant 336 : index
        %swap3A_408 = tpu.vector_load %arg9[%swap3A_406, %swap3A_407] {strides = array<i32>} : memref<40x512xf32, #tpu.memory_space<vmem>>, vector<1x16xf32>,
        %swap3A_409 = vector.shape_cast %swap3A_408 : vector<1x16xf32> to vector<16xf32>
        %swap3A_410 = vector.shape_cast %mul3A_405 : vector<16xf32> to vector<1x16xf32>
        tpu.vector_store %arg9[%swap3A_406, %swap3A_407], %swap3A_410 {strides = array<i32>} : memref<40x512xf32, #tpu.memory_space<vmem>>, vector<1x16xf32>,
        %get3A_411 = arith.index_cast %scan3A_148 : i32 to index
        %get3A_412 = arith.constant 352 : index
        %get3A_413 = tpu.vector_load %arg7[%get3A_411, %get3A_412] {strides = array<i32>} : memref<40x512xf32, #tpu.memory_space<vmem>>, vector<1x16xf32>,
        %get3A_414 = vector.shape_cast %get3A_413 : vector<1x16xf32> to vector<16xf32>
        %mul3A_415 = arith.constant 22.6274166 : f32
        %mul3A_416 = vector.broadcast %mul3A_415 : f32 to vector<16xf32>
        %mul3A_417 = arith.mulf %get3A_414, %mul3A_416 : vector<16xf32>
        %swap3A_418 = arith.index_cast %scan3A_148 : i32 to index
        %swap3A_419 = arith.constant 352 : index
        %swap3A_420 = tpu.vector_load %arg9[%swap3A_418, %swap3A_419] {strides = array<i32>} : memref<40x512xf32, #tpu.memory_space<vmem>>, vector<1x16xf32>,
        %swap3A_421 = vector.shape_cast %swap3A_420 : vector<1x16xf32> to vector<16xf32>
        %swap3A_422 = vector.shape_cast %mul3A_417 : vector<16xf32> to vector<1x16xf32>
        tpu.vector_store %arg9[%swap3A_418, %swap3A_419], %swap3A_422 {strides = array<i32>} : memref<40x512xf32, #tpu.memory_space<vmem>>, vector<1x16xf32>,
        %get3A_423 = arith.index_cast %scan3A_148 : i32 to index
        %get3A_424 = arith.constant 368 : index
        %get3A_425 = tpu.vector_load %arg7[%get3A_423, %get3A_424] {strides = array<i32>} : memref<40x512xf32, #tpu.memory_space<vmem>>, vector<1x16xf32>,
        %get3A_426 = vector.shape_cast %get3A_425 : vector<1x16xf32> to vector<16xf32>
        %mul3A_427 = arith.constant 22.6274166 : f32
        %mul3A_428 = vector.broadcast %mul3A_427 : f32 to vector<16xf32>
        %mul3A_429 = arith.mulf %get3A_426, %mul3A_428 : vector<16xf32>
        %swap3A_430 = arith.index_cast %scan3A_148 : i32 to index
        %swap3A_431 = arith.constant 368 : index
        %swap3A_432 = tpu.vector_load %arg9[%swap3A_430, %swap3A_431] {strides = array<i32>} : memref<40x512xf32, #tpu.memory_space<vmem>>, vector<1x16xf32>,
        %swap3A_433 = vector.shape_cast %swap3A_432 : vector<1x16xf32> to vector<16xf32>
        %swap3A_434 = vector.shape_cast %mul3A_429 : vector<16xf32> to vector<1x16xf32>
        tpu.vector_store %arg9[%swap3A_430, %swap3A_431], %swap3A_434 {strides = array<i32>} : memref<40x512xf32, #tpu.memory_space<vmem>>, vector<1x16xf32>,
        %get3A_435 = arith.index_cast %scan3A_148 : i32 to index
        %get3A_436 = arith.constant 384 : index
        %get3A_437 = tpu.vector_load %arg7[%get3A_435, %get3A_436] {strides = array<i32>} : memref<40x512xf32, #tpu.memory_space<vmem>>, vector<1x16xf32>,
        %get3A_438 = vector.shape_cast %get3A_437 : vector<1x16xf32> to vector<16xf32>
        %mul3A_439 = arith.constant 22.6274166 : f32
        %mul3A_440 = vector.broadcast %mul3A_439 : f32 to vector<16xf32>
        %mul3A_441 = arith.mulf %get3A_438, %mul3A_440 : vector<16xf32>
        %swap3A_442 = arith.index_cast %scan3A_148 : i32 to index
        %swap3A_443 = arith.constant 384 : index
        %swap3A_444 = tpu.vector_load %arg9[%swap3A_442, %swap3A_443] {strides = array<i32>} : memref<40x512xf32, #tpu.memory_space<vmem>>, vector<1x16xf32>,
        %swap3A_445 = vector.shape_cast %swap3A_444 : vector<1x16xf32> to vector<16xf32>
        %swap3A_446 = vector.shape_cast %mul3A_441 : vector<16xf32> to vector<1x16xf32>
        tpu.vector_store %arg9[%swap3A_442, %swap3A_443], %swap3A_446 {strides = array<i32>} : memref<40x512xf32, #tpu.memory_space<vmem>>, vector<1x16xf32>,
        %get3A_447 = arith.index_cast %scan3A_148 : i32 to index
        %get3A_448 = arith.constant 400 : index
        %get3A_449 = tpu.vector_load %arg7[%get3A_447, %get3A_448] {strides = array<i32>} : memref<40x512xf32, #tpu.memory_space<vmem>>, vector<1x16xf32>,
        %get3A_450 = vector.shape_cast %get3A_449 : vector<1x16xf32> to vector<16xf32>
        %mul3A_451 = arith.constant 22.6274166 : f32
        %mul3A_452 = vector.broadcast %mul3A_451 : f32 to vector<16xf32>
        %mul3A_453 = arith.mulf %get3A_450, %mul3A_452 : vector<16xf32>
        %swap3A_454 = arith.index_cast %scan3A_148 : i32 to index
        %swap3A_455 = arith.constant 400 : index
        %swap3A_456 = tpu.vector_load %arg9[%swap3A_454, %swap3A_455] {strides = array<i32>} : memref<40x512xf32, #tpu.memory_space<vmem>>, vector<1x16xf32>,
        %swap3A_457 = vector.shape_cast %swap3A_456 : vector<1x16xf32> to vector<16xf32>
        %swap3A_458 = vector.shape_cast %mul3A_453 : vector<16xf32> to vector<1x16xf32>
        tpu.vector_store %arg9[%swap3A_454, %swap3A_455], %swap3A_458 {strides = array<i32>} : memref<40x512xf32, #tpu.memory_space<vmem>>, vector<1x16xf32>,
        %get3A_459 = arith.index_cast %scan3A_148 : i32 to index
        %get3A_460 = arith.constant 416 : index
        %get3A_461 = tpu.vector_load %arg7[%get3A_459, %get3A_460] {strides = array<i32>} : memref<40x512xf32, #tpu.memory_space<vmem>>, vector<1x16xf32>,
        %get3A_462 = vector.shape_cast %get3A_461 : vector<1x16xf32> to vector<16xf32>
        %mul3A_463 = arith.constant 22.6274166 : f32
        %mul3A_464 = vector.broadcast %mul3A_463 : f32 to vector<16xf32>
        %mul3A_465 = arith.mulf %get3A_462, %mul3A_464 : vector<16xf32>
        %swap3A_466 = arith.index_cast %scan3A_148 : i32 to index
        %swap3A_467 = arith.constant 416 : index
        %swap3A_468 = tpu.vector_load %arg9[%swap3A_466, %swap3A_467] {strides = array<i32>} : memref<40x512xf32, #tpu.memory_space<vmem>>, vector<1x16xf32>,
        %swap3A_469 = vector.shape_cast %swap3A_468 : vector<1x16xf32> to vector<16xf32>
        %swap3A_470 = vector.shape_cast %mul3A_465 : vector<16xf32> to vector<1x16xf32>
        tpu.vector_store %arg9[%swap3A_466, %swap3A_467], %swap3A_470 {strides = array<i32>} : memref<40x512xf32, #tpu.memory_space<vmem>>, vector<1x16xf32>,
        %get3A_471 = arith.index_cast %scan3A_148 : i32 to index
        %get3A_472 = arith.constant 432 : index
        %get3A_473 = tpu.vector_load %arg7[%get3A_471, %get3A_472] {strides = array<i32>} : memref<40x512xf32, #tpu.memory_space<vmem>>, vector<1x16xf32>,
        %get3A_474 = vector.shape_cast %get3A_473 : vector<1x16xf32> to vector<16xf32>
        %mul3A_475 = arith.constant 22.6274166 : f32
        %mul3A_476 = vector.broadcast %mul3A_475 : f32 to vector<16xf32>
        %mul3A_477 = arith.mulf %get3A_474, %mul3A_476 : vector<16xf32>
        %swap3A_478 = arith.index_cast %scan3A_148 : i32 to index
        %swap3A_479 = arith.constant 432 : index
        %swap3A_480 = tpu.vector_load %arg9[%swap3A_478, %swap3A_479] {strides = array<i32>} : memref<40x512xf32, #tpu.memory_space<vmem>>, vector<1x16xf32>,
        %swap3A_481 = vector.shape_cast %swap3A_480 : vector<1x16xf32> to vector<16xf32>
        %swap3A_482 = vector.shape_cast %mul3A_477 : vector<16xf32> to vector<1x16xf32>
        tpu.vector_store %arg9[%swap3A_478, %swap3A_479], %swap3A_482 {strides = array<i32>} : memref<40x512xf32, #tpu.memory_space<vmem>>, vector<1x16xf32>,
        %get3A_483 = arith.index_cast %scan3A_148 : i32 to index
        %get3A_484 = arith.constant 448 : index
        %get3A_485 = tpu.vector_load %arg7[%get3A_483, %get3A_484] {strides = array<i32>} : memref<40x512xf32, #tpu.memory_space<vmem>>, vector<1x16xf32>,
        %get3A_486 = vector.shape_cast %get3A_485 : vector<1x16xf32> to vector<16xf32>
        %mul3A_487 = arith.constant 22.6274166 : f32
        %mul3A_488 = vector.broadcast %mul3A_487 : f32 to vector<16xf32>
        %mul3A_489 = arith.mulf %get3A_486, %mul3A_488 : vector<16xf32>
        %swap3A_490 = arith.index_cast %scan3A_148 : i32 to index
        %swap3A_491 = arith.constant 448 : index
        %swap3A_492 = tpu.vector_load %arg9[%swap3A_490, %swap3A_491] {strides = array<i32>} : memref<40x512xf32, #tpu.memory_space<vmem>>, vector<1x16xf32>,
        %swap3A_493 = vector.shape_cast %swap3A_492 : vector<1x16xf32> to vector<16xf32>
        %swap3A_494 = vector.shape_cast %mul3A_489 : vector<16xf32> to vector<1x16xf32>
        tpu.vector_store %arg9[%swap3A_490, %swap3A_491], %swap3A_494 {strides = array<i32>} : memref<40x512xf32, #tpu.memory_space<vmem>>, vector<1x16xf32>,
        %get3A_495 = arith.index_cast %scan3A_148 : i32 to index
        %get3A_496 = arith.constant 464 : index
        %get3A_497 = tpu.vector_load %arg7[%get3A_495, %get3A_496] {strides = array<i32>} : memref<40x512xf32, #tpu.memory_space<vmem>>, vector<1x16xf32>,
        %get3A_498 = vector.shape_cast %get3A_497 : vector<1x16xf32> to vector<16xf32>
        %mul3A_499 = arith.constant 22.6274166 : f32
        %mul3A_500 = vector.broadcast %mul3A_499 : f32 to vector<16xf32>
        %mul3A_501 = arith.mulf %get3A_498, %mul3A_500 : vector<16xf32>
        %swap3A_502 = arith.index_cast %scan3A_148 : i32 to index
        %swap3A_503 = arith.constant 464 : index
        %swap3A_504 = tpu.vector_load %arg9[%swap3A_502, %swap3A_503] {strides = array<i32>} : memref<40x512xf32, #tpu.memory_space<vmem>>, vector<1x16xf32>,
        %swap3A_505 = vector.shape_cast %swap3A_504 : vector<1x16xf32> to vector<16xf32>
        %swap3A_506 = vector.shape_cast %mul3A_501 : vector<16xf32> to vector<1x16xf32>
        tpu.vector_store %arg9[%swap3A_502, %swap3A_503], %swap3A_506 {strides = array<i32>} : memref<40x512xf32, #tpu.memory_space<vmem>>, vector<1x16xf32>,
        %get3A_507 = arith.index_cast %scan3A_148 : i32 to index
        %get3A_508 = arith.constant 480 : index
        %get3A_509 = tpu.vector_load %arg7[%get3A_507, %get3A_508] {strides = array<i32>} : memref<40x512xf32, #tpu.memory_space<vmem>>, vector<1x16xf32>,
        %get3A_510 = vector.shape_cast %get3A_509 : vector<1x16xf32> to vector<16xf32>
        %mul3A_511 = arith.constant 22.6274166 : f32
        %mul3A_512 = vector.broadcast %mul3A_511 : f32 to vector<16xf32>
        %mul3A_513 = arith.mulf %get3A_510, %mul3A_512 : vector<16xf32>
        %swap3A_514 = arith.index_cast %scan3A_148 : i32 to index
        %swap3A_515 = arith.constant 480 : index
        %swap3A_516 = tpu.vector_load %arg9[%swap3A_514, %swap3A_515] {strides = array<i32>} : memref<40x512xf32, #tpu.memory_space<vmem>>, vector<1x16xf32>,
        %swap3A_517 = vector.shape_cast %swap3A_516 : vector<1x16xf32> to vector<16xf32>
        %swap3A_518 = vector.shape_cast %mul3A_513 : vector<16xf32> to vector<1x16xf32>
        tpu.vector_store %arg9[%swap3A_514, %swap3A_515], %swap3A_518 {strides = array<i32>} : memref<40x512xf32, #tpu.memory_space<vmem>>, vector<1x16xf32>,
        %get3A_519 = arith.index_cast %scan3A_148 : i32 to index
        %get3A_520 = arith.constant 496 : index
        %get3A_521 = tpu.vector_load %arg7[%get3A_519, %get3A_520] {strides = array<i32>} : memref<40x512xf32, #tpu.memory_space<vmem>>, vector<1x16xf32>,
        %get3A_522 = vector.shape_cast %get3A_521 : vector<1x16xf32> to vector<16xf32>
        %mul3A_523 = arith.constant 22.6274166 : f32
        %mul3A_524 = vector.broadcast %mul3A_523 : f32 to vector<16xf32>
        %mul3A_525 = arith.mulf %get3A_522, %mul3A_524 : vector<16xf32>
        %swap3A_526 = arith.index_cast %scan3A_148 : i32 to index
        %swap3A_527 = arith.constant 496 : index
        %swap3A_528 = tpu.vector_load %arg9[%swap3A_526, %swap3A_527] {strides = array<i32>} : memref<40x512xf32, #tpu.memory_space<vmem>>, vector<1x16xf32>,
        %swap3A_529 = vector.shape_cast %swap3A_528 : vector<1x16xf32> to vector<16xf32>
        %swap3A_530 = vector.shape_cast %mul3A_525 : vector<16xf32> to vector<1x16xf32>
        tpu.vector_store %arg9[%swap3A_526, %swap3A_527], %swap3A_530 {strides = array<i32>} : memref<40x512xf32, #tpu.memory_space<vmem>>, vector<1x16xf32>,
      }
      %scan3A_133 = arith.constant 40 : i32
      %mul3A_134 = arith.constant 40 : i32
      %mul3A_135 = arith.muli %add3A_116, %mul3A_134 : i32
      %add3A_136 = arith.addi %mul3A_2, %mul3A_135 : i32
      %dma_start3A_137 = arith.constant 0 : i32
      %dma_start3A_138 = tpu.memref_slice %arg4[%add3A_136, %dma_start3A_137] : memref<204800x512xf32, #tpu.memory_space<hbm>> -> memref<40x512xf32, #tpu.memory_space<hbm>>
      %dma_start3A_139 = arith.constant 0 : i32
      %dma_start3A_140 = tpu.memref_slice %arg4[%add3A_136, %dma_start3A_139] : memref<204800x512xf32, #tpu.memory_space<hbm>> -> memref<40x512xf32, #tpu.memory_space<hbm>>
      tpu.enqueue_dma source(%arg9 : memref<40x512xf32, #tpu.memory_space<vmem>>) target(%dma_start3A_140 : memref<40x512xf32, #tpu.memory_space<hbm>>) target_semaphore(%arg13 : memref<!tpu.dma_semaphore, #tpu.memory_space<semaphore_mem>>)
      %add3A_141 = arith.constant 2 : i32
      %add3A_142 = arith.addi %add3A_116, %add3A_141 : i32
      %lt3A_143 = arith.constant 160 : i32
      %lt3A_144 = arith.cmpi slt, %add3A_142, %lt3A_143 : i32
      %convert_element_type3A_145 = arith.extui %lt3A_144 : i1 to i32
      %cond3A_146 = arith.constant 0 : i32
      %cond3A_147 = arith.cmpi ne, %convert_element_type3A_145, %cond3A_146 : i32
      scf.if %cond3A_147 {
        %add3A_148 = arith.constant 2 : i32
        %add3A_149 = arith.addi %add3A_116, %add3A_148 : i32
        %dma_start3A_150 = arith.constant 0 : i32
        %dma_start3A_151 = tpu.memref_slice %arg5[%add3A_149, %dma_start3A_150] : memref<160x40xi32, #tpu.memory_space<vmem>> -> memref<1x40xi32, #tpu.memory_space<vmem>>
        %dma_start3A_152 = tpu.memref_squeeze %dma_start3A_151 : memref<1x40xi32, #tpu.memory_space<vmem>> -> memref<40xi32, #tpu.memory_space<vmem>>
        %dma_start3A_153 = arith.constant 0 : i32
        %dma_start3A_154 = arith.constant 0 : i32
        %dma_start3A_155 = tpu.memref_slice %arg2[%dma_start3A_153, %dma_start3A_154] : memref<100000x512xf32, #tpu.memory_space<hbm>> -> memref<100000x512xf32, #tpu.memory_space<hbm>>
        tpu.enqueue_indirect_dma source(%dma_start3A_155 : memref<100000x512xf32, #tpu.memory_space<hbm>>) target(%arg7 : memref<40x512xf32, #tpu.memory_space<vmem>>) offsets(%dma_start3A_152 : memref<40xi32, #tpu.memory_space<vmem>>) semaphore(%arg11 : memref<!tpu.dma_semaphore, #tpu.memory_space<semaphore_mem>>)
      } else {
      }
    }
    %scan3A_71 = arith.constant 79 : i32
    %dma_wait3A_72 = arith.constant 0 : i32
    %dma_wait3A_73 = tpu.memref_slice %arg4[%mul3A_2, %dma_wait3A_72] : memref<204800x512xf32, #tpu.memory_space<hbm>> -> memref<40x512xf32, #tpu.memory_space<hbm>>
    %dma_wait3A_74 = arith.constant 0 : i32
    %dma_wait3A_75 = tpu.memref_slice %arg4[%mul3A_2, %dma_wait3A_74] : memref<204800x512xf32, #tpu.memory_space<hbm>> -> memref<40x512xf32, #tpu.memory_space<hbm>>
    tpu.wait_dma2 semaphore(%arg12 : memref<!tpu.dma_semaphore, #tpu.memory_space<semaphore_mem>>) src(%arg8 : memref<40x512xf32, #tpu.memory_space<vmem>>) dst(%dma_wait3A_75 : memref<40x512xf32, #tpu.memory_space<hbm>>)
    %dma_wait3A_76 = arith.constant 0 : i32
    %dma_wait3A_77 = tpu.memref_slice %arg4[%mul3A_2, %dma_wait3A_76] : memref<204800x512xf32, #tpu.memory_space<hbm>> -> memref<40x512xf32, #tpu.memory_space<hbm>>
    %dma_wait3A_78 = arith.constant 0 : i32
    %dma_wait3A_79 = tpu.memref_slice %arg4[%mul3A_2, %dma_wait3A_78] : memref<204800x512xf32, #tpu.memory_space<hbm>> -> memref<40x512xf32, #tpu.memory_space<hbm>>
    tpu.wait_dma2 semaphore(%arg13 : memref<!tpu.dma_semaphore, #tpu.memory_space<semaphore_mem>>) src(%arg9 : memref<40x512xf32, #tpu.memory_space<vmem>>) dst(%dma_wait3A_79 : memref<40x512xf32, #tpu.memory_space<hbm>>)
    return
  }
}

</mosaic_0001>

<sc_bundles>
// kernel: kernel.3.cloned.1.call-start
scs
__scs_entry_jumppad:
0x0: {  	(pc) =	sbr.rel $0x88, $3  }
0x1: {  	(tag) =	ssettag $0x0;
	lr =	simm.s32 $0x1  }
0x2: {  	[smem:$0x3F9F] =	sst lr;
	_ =	strace $0xD0000000  }
0x3: {  	_ = 	snop  }
0x4: {  	_ = 	snop  }
0x5: {  	_ = 	snop  }
0x6: {  	_ = 	snop  }
0x7: {  	_ = 	snop  }
__scs_overlays_trampoline_lowered:
0x8: {  	[smem:$0x3FAE] =	sst s0  }
0x9: {  	[smem:$0x3FAF] =	sst s1  }
0xa: {  	[smem:$0x3FB0] =	sst s2  }
0xb: {  	[smem:$0x3FB1] =	sst s3  }
0xc: {  	[smem:$0x3FB2] =	sst s4  }
0xd: {  	[smem:$0x3FB3] =	sst s5  }
0xe: {  	[smem:$0x3FB4] =	sst s6  }
0xf: {  	[smem:$0x3FB5] =	sst s7  }
0x10: {  	[smem:$0x3FB6] =	sst s8  }
0x11: {  	[smem:$0x3FB7] =	sst s9;
	s0 =	simm.s32 @!p0 $0x0  }
0x12: {  	s1 =	sld [smem:$0x3F9D];
	s0 =	simm.s32 @p0 $0x1  }
0x13: {  	[smem:$0x3FB8] =	sst s0;
	s0 =	simm.s32 @!p1 $0x0  }
0x14: {  	s2 =	sld [smem:$0x3F9C];
	s0 =	simm.s32 @p1 $0x1  }
0x15: {  	[smem:$0x3FB9] =	sst s0;
	s0 =	simm.s32 @!p2 $0x0  }
0x16: {  	s3 =	sld [smem:$0x3FDB];
	s0 =	simm.s32 @p2 $0x1  }
0x17: {  	s4 =	simm.s32 $0x1BF5;
	[smem:$0x3FBB] =	sst s0  }
0x18: {  	s0 =	sld [smem:$0x3F9E];
	_ =	swait.ge [sflag:s4], $0x0  }
0x19: {  	s7 =	sld [smem:$0x3F9F]  }
0x1a: {  	s8 =	sadd.s32 $0xFFFFE003, lr  }
0x1b: {  	s9 =	sadd.s32 $0xFFFFFEF7, lr;
	s5 =	simm.s32 $0xFFFFFFFF;
	p2 =	slt.u32 s8, $0xFFFFF086  }
0x1c: {  	p1 =	slt.u32 s9, $0xF7A;
	s5 =	simm.s32 @!p2 $0x0  }
0x1d: {  	s5 =	simm.s32 @p1 $0x1;
	p0 =	seq.s32 s7, s2  }
0x1e: {  	s7 =	smul.u32 @!p0 $0xF7A, s2;
	p2 =	seq.s32 @!p0 s5, $0x0  }
0x1f: {  	s9 =	smul.u32 $0xF7A, s1;
	s8 =	simm.s32 @!p0 $0x1BF5;
	p2 =	por !p2, p0  }
0x20: {  	[sflag:s8] =	ssyncset.s32 @!p0 $0xFFFFF086;
	s6 =	sadd.s32 @!p0 s3, s7;
	s7 =	simm.s32 @!p0 $0x108  }
0x21: {  	s3 =	sadd.s32 s3, s9;
	s6 =	sadd.s32 @!p0 $0x88, s6;
	s7 =	simm.s32 @p2 $0x1082  }
0x22: {  	[simem:s7], [sflag:s8] =	dma.local @!p0 [hbm:s6], $0xF7A  }
0x23: {  	s9 =	sor.u32 $0xD0000000, s2;
	s6 =	simm.s32 $0x108;
	_ =	swait.ge @!p0 [sflag:s8], $0x0  }
0x24: {  	s3 =	sadd.s32 $0x88, s3;
	s6 =	simm.s32 @!p1 $0x1082;
	[sflag:s4] =	ssyncset.s32 $0xFFFFF086  }
0x25: {  	[simem:s6], [sflag:s4] =	dma.local [hbm:s3], $0xF7A  }
0x26: {  	[smem:$0x3F9F] =	sst s1;
	(tag) =	ssettag s2;
	_ =	strace s9  }
0x27: {  	s1 =	sld [smem:$0x3FAF]  }
0x28: {  	s2 =	sld [smem:$0x3FB0]  }
0x29: {  	s4 =	sld [smem:$0x3FB2]  }
0x2a: {  	p0 =	seq.s32 s5, $0x0;
	s5 =	sld [smem:$0x3FB3]  }
0x2b: {  	s6 =	sld [smem:$0x3FB4]  }
0x2c: {  	s7 =	sld [smem:$0x3FB5]  }
0x2d: {  	s3 =	simm.s32 $0x108;
	s8 =	sld [smem:$0x3FB6]  }
0x2e: {  	s3 =	simm.s32 @!p0 $0x1082;
	s9 =	sld [smem:$0x3FB7]  }
0x2f: {  	lr =	sadd.s32 s0, s3;
	s0 =	sld [smem:$0x3FAE]  }
0x30: {  	s3 =	sld [smem:$0x3FB1]  }
0x31: {  	[smem:$0x3FBA] =	sst s10  }
0x32: {  	s10 =	sld [smem:$0x3FB8];
	_ =	sdelay $0x3  }
0x33: {  	p0 =	seq.s32 s10, $0x1;
	s10 =	sld [smem:$0x3FBA];
	_ =	sdelay $0x3  }
0x34: {  	[smem:$0x3FBA] =	sst s10  }
0x35: {  	s10 =	sld [smem:$0x3FB9];
	_ =	sdelay $0x3  }
0x36: {  	p1 =	seq.s32 s10, $0x1;
	s10 =	sld [smem:$0x3FBA];
	_ =	sdelay $0x3  }
0x37: {  	[smem:$0x3FBA] =	sst s10  }
0x38: {  	s10 =	sld [smem:$0x3FBB]  }
0x39: {  	_ = 	snop;
	(pc) =	sbr.ind lr, $3  }
0x3a: {  	_ = 	snop  }
0x3b: {  	_ = 	snop  }
0x3c: {  	p2 =	seq.s32 s10, $0x1;
	s10 =	sld [smem:$0x3FBA]  }
0x3d: {  	_ =	shalt  }
0x3e: {  	_ =	shalt  }
0x3f: {  	_ =	shalt  }
0x40: {  	_ =	shalt  }
0x41: {  	_ =	shalt  }
0x42: {  	_ =	shalt  }
0x43: {  	_ =	shalt  }
0x44: {  	_ =	shalt  }
0x45: {  	_ =	shalt  }
0x46: {  	_ =	shalt  }
0x47: {  	_ =	shalt  }
0x48: {  	_ =	shalt  }
0x49: {  	_ =	shalt  }
0x4a: {  	_ =	shalt  }
0x4b: {  	_ =	shalt  }
0x4c: {  	_ =	shalt  }
0x4d: {  	_ =	shalt  }
0x4e: {  	_ =	shalt  }
0x4f: {  	_ =	shalt  }
0x50: {  	_ =	shalt  }
0x51: {  	_ =	shalt  }
0x52: {  	_ =	shalt  }
0x53: {  	_ =	shalt  }
0x54: {  	_ =	shalt  }
0x55: {  	_ =	shalt  }
0x56: {  	_ =	shalt  }
0x57: {  	_ =	shalt  }
0x58: {  	_ =	shalt  }
0x59: {  	_ =	shalt  }
0x5a: {  	_ =	shalt  }
0x5b: {  	_ =	shalt  }
0x5c: {  	_ =	shalt  }
0x5d: {  	_ =	shalt  }
0x5e: {  	_ =	shalt  }
0x5f: {  	_ =	shalt  }
0x60: {  	_ =	shalt  }
0x61: {  	_ =	shalt  }
0x62: {  	_ =	shalt  }
0x63: {  	_ =	shalt  }
0x64: {  	_ =	shalt  }
0x65: {  	_ =	shalt  }
0x66: {  	_ =	shalt  }
0x67: {  	_ =	shalt  }
0x68: {  	_ =	shalt  }
0x69: {  	_ =	shalt  }
0x6a: {  	_ =	shalt  }
0x6b: {  	_ =	shalt  }
0x6c: {  	_ =	shalt  }
0x6d: {  	_ =	shalt  }
0x6e: {  	_ =	shalt  }
0x6f: {  	_ =	shalt  }
0x70: {  	_ =	shalt  }
0x71: {  	_ =	shalt  }
0x72: {  	_ =	shalt  }
0x73: {  	_ =	shalt  }
0x74: {  	_ =	shalt  }
0x75: {  	_ =	shalt  }
0x76: {  	_ =	shalt  }
0x77: {  	_ =	shalt  }
0x78: {  	_ =	shalt  }
0x79: {  	_ =	shalt  }
0x7a: {  	_ =	shalt  }
0x7b: {  	_ =	shalt  }
0x7c: {  	_ =	shalt  }
0x7d: {  	_ =	shalt  }
0x7e: {  	_ =	shalt  }
0x7f: {  	_ =	shalt  }
0x80: {  	_ =	shalt  }
0x81: {  	_ =	shalt  }
0x82: {  	_ =	shalt  }
0x83: {  	_ =	shalt  }
0x84: {  	_ =	shalt  }
0x85: {  	_ =	shalt  }
0x86: {  	_ =	shalt  }
0x87: {  	_ =	shalt  }
.Lfunc_end0:
.L_simem_size_0:
called_computation_lowered:
.L_overlay_start_0:
0x88: {  	s2 =	sld [smem:$0x3FD9]  }
0x89: {  	s3 =	sld [smem:$0x3FFE];
	_ =	sdelay $0x1  }
0x8a: {  	s1 =	srdreg.scid  }
0x8b: {  	s0 =	sand.u32 $0x1, s1  }
0x8c: {  	s17 =	sshll.u32 s0, $0xA;
	s2 =	sadd.s32 s3, s2  }
0x8d: {  	s2 =	sadd.s32 s2, s17  }
0x8e: {  	[smem:$0x3FC6] =	sst s2  }
0x8f: {  	_ = 	snop  }
0x90: {  	s2 =	sld [smem:$0x3FC8]  }
0x91: {  	s18 =	sld [smem:$0x3FD0];
	(tm) =	ssettm $0x1  }
0x92: {  	s4 =	sld [smem:$0x3FFB];
	_ =	sdelay $0x3  }
0x93: {  	_ =	strace s4  }
0x94: {  	s4 =	sld [smem:$0x3FFC];
	_ =	sdelay $0x3  }
0x95: {  	_ =	strace s4  }
0x96: {  	s4 =	sld [smem:$0x3FFD];
	_ =	sdelay $0x3  }
0x97: {  	_ =	strace s4  }
0x98: {  	_ =	strace $0x8FFFFFFF  }
0x99: {  	s19 =	sld [smem:$0x3FDB];
	_ =	sdelay $0x1  }
0x9a: {  	s5 =	simm.s32 $_scs_section_size  }
0x9b: {  	s6 =	simm.s32 $_size__tile_overlayer_lowered;
	s7 =	simm.s32 $_tile_overlayer_lowered  }
0x9c: {  	s22 =	simm.s32 $0x1BFF;
	s21 =	sshll.u32 s7, $0x1;
	s4 =	sadd.s32 s5, s19  }
0x9d: {  	s8 =	simm.s32 $0x0;
	s20 =	sshll.u32 s6, $0x1;
	s6 =	sadd.s32 s21, s4  }
0x9e: {  	[timem:s8], [sflag:s22] =	dma.local [hbm:s6], s20  }
0x9f: {  	_ =	swait.ge [sflag:s22], s20  }
0xa0: {  	s5 =	ssub.s32 $0x0, s20;
	[sflag:s22] =	ssyncset.done $0x0  }
0xa1: {  	[sflag:s22] =	ssyncadd.s32 s5;
	_ =	sdelay $0x1  }
0xa2: {  	s23 =	simm.s32 $0x1B8B  }
0xa3: {  	_ =	swait.ge [sflag:s23], $0x1  }
0xa4: {  	[sflag:s23] =	ssyncset.done $0x0  }
0xa5: {  	s25 =	simm.s32 $0x1B8E;
	s24 =	sld [smem:$0x3FFE];
	[sflag:s23] =	ssyncadd.s32 $0xFFFFFFFF  }
0xa6: {  	s26 =	simm.s32 $execute0_lowered;
	[smem:$0x3FD2] =	sst s25  }
0xa7: {  	s6 =	sshll.u32 s26, $0x1;
	_ =	strace $0x80000046;
	[dreg:$0x1] =	wrdreg $0xFFFFFFFF  }
0xa8: {  	s28 =	simm.s32 $_size_execute0_lowered;
	s4 =	sadd.s32 s4, s6;
	[dreg:$0x0] =	wrdreg $0x0  }
0xa9: {  	s6 =	sshll.u32 s28, $0x1;
	[dreg:$0x2] =	wrdreg s4  }
0xaa: {  	[dreg:$0x3] =	wrdreg s6  }
0xab: {  	[dreg:$0x4] =	wrdreg $0xC0  }
0xac: {  	_ =	task [dreg:s8], $0x5FFFF  }
0xad: {  	[dreg:$0x1] =	wrdreg $0xFFFFFFFF  }
0xae: {  	[dreg:$0x0] =	wrdreg $0x60  }
0xaf: {  	[dreg:$0x2] =	wrdreg s2  }
0xb0: {  	[dreg:$0x3] =	wrdreg s24  }
0xb1: {  	[dreg:$0x4] =	wrdreg s18  }
0xb2: {  	[dreg:$0x5] =	wrdreg $0x9  }
0xb3: {  	_ =	task.clear_ibuf [dreg:s8], $0x6FFFF;
	_ =	strace $0x90000046  }
0xb4: {  	s29 =	simm.s32 $0x9;
	_ =	strace $0x80000048  }
0xb5: {  	_ =	swait.ge [sflag:s29], $0x1  }
0xb6: {  	[sflag:s29] =	ssyncadd.s32 $0xFFFFFFFF  }
0xb7: {  	_ =	strace $0x90000048  }
0xb8: {  	_ =	sfence  }
0xb9: {  	s30 =	sld [smem:$0x0];
	_ =	sdelay $0x2  }
0xba: {  	s31 =	sshll.u32 s1, $0xD;
	s1 =	sshrl.u32 s1, $0x2  }
0xbb: {  	s3 =	sand.u32 $0x4000, s31;
	s1 =	sadd.s32 s1, s30  }
0xbc: {  	s0 =	sor.u32 s3, s0;
	s1 =	sshll.u32 s1, $0x11  }
0xbd: {  	s0 =	sor.u32 s1, s0  }
0xbe: {  	s0 =	sadd.s32 $0x8F2B, s0  }
0xbf: {  	[sflag:s0] =	ssyncadd.remote.s32 $0x1  }
0xc0: {  	_ =	sfence.sel $0xFFFF  }
0xc1: {  	[dreg:$0x0] =	wrdreg $0xFFFFFFFF;
	(pc) =	sbr.abs _section_cstart, $3  }
0xc2: {  	[dreg:$0x1] =	wrdreg $0xFFFFFFFF  }
0xc3: {  	_ =	task.clear_ibuf [dreg:s8], $0x2FFFF;
	_ =	strace $0x9FFFFFFF  }
0xc4: {  	(tm) =	ssettm $0x7FFFFFFF  }
0xc5: {  	_ =	shalt  }
tec
execute0_lowered:
.L_overlay_start_1:
0x0: {  	(tag) =	ssettag $0x1  }
0x1: {  	s1 =	rddreg [dreg:$0x0];
	s0 =	srdreg.scid  }
0x2: {  	s3 =	stileid.u32;
	s2 =	rddreg [dreg:$0x1]  }
0x3: {  	s19 =	simm.s32 $0x5000;
	s21 =	simm.s32 $0x5800;
	s22 =	simm.s32 $0x6000  }
0x4: {  	s23 =	simm.s32 $0xA000;
	s28 =	simm.s32 $0xC000;
	s29 =	simm.s32 $0xC800  }
0x5: {  	s30 =	simm.s32 $0xD000;
	s31 =	simm.s32 $0xD800;
	s13 =	simm.s32 $0x1  }
0x6: {  	s14 =	simm.s32 $0xF000;
	s15 =	simm.s32 $0x2;
	s16 =	simm.s32 $0x14000  }
0x7: {  	s17 =	simm.s32 $0x3;
	s0 =	sand.u32 $0x1, s0;
	s4 =	sshll.u32 s3, $0x1  }
0x8: {  	s18 =	simm.s32 $0x4;
	s3 =	rddreg [dreg:$0x2];
	s5 =	sor.u32 s0, s4  }
0x9: {  	s8 =	sadd.s32 $0x100, s1;
	s4 =	simm.s32 $0x0;
	s6 =	smul.u32 $0xA00, s5  }
0xa: {  	s0 =	ssub.s32 $0x2, s0;
	[smem:$0x7FF] =	sst s4;
	s7 =	smul.u32 $0x64000, s5  }
0xb: {  	s24 =	sshrl.u32 s0, $0x1;
	s5 =	smul.u32 $0x1900, s5;
	_ =	strace $0x80000047  }
0xc: {  	s0 =	ssub.s32 s0, s24;
	s24 =	simm.s32 $0xA800;
	s2 =	sadd.s32 s6, s2  }
.Ltmp0:
0xd: {  	s25 =	sadd.s32 s3, s7;
	s10 =	sor.u32 $0x28, s5;
	(pc) =	sbr.rel .LBB2_1-.Ltmp0, $4  }
0xe: {  	s0 =	smax.u32 s0, $0x1;
	s7 =	simm.s32 $0x0;
	[dreg:$0x4] =	wrdreg s25  }
0xf: {  	v2 =	vlaneseq.u32;
	s2 =	sadd.s32 $0x400, s2;
	s26 =	sadd.s32 $0xA00, s25;
	[dreg:$0x7] =	wrdreg s0  }
0x10: {  	vm0 =	vmmov $0xffff;
	v1 =	vshrl.u32 v2, $0x3;
	s25 =	simm.s32 $0xB000;
	s0 =	simm.s32 $0xE800;
	[dreg:$0x5] =	wrdreg s2  }
0x11: {  	v0 =	vand.u32 $0x7, v2;
	v2 =	vor.u32 $0x8, v2;
	v1 =	vmul.u32 $0x8, v1;
	[dreg:$0x6] =	wrdreg s26;
	s26 =	simm.s32 $0xB800;
	s2 =	simm.s32 $0xE000  }
.LBB2_12:
0x12: {  	_ =	swait.ge [sflag:s17], $0x5000  }
0x13: {  	[sflag:s17] =	ssyncset.done $0x0  }
0x14: {  	[sflag:s17] =	ssyncadd.s32 $0xFFFFB000  }
0x15: {  	_ =	swait.ge [sflag:s18], $0x5000  }
0x16: {  	s7 =	rddreg [dreg:$0x8]  }
0x17: {  	s6 =	rddreg [dreg:$0x7];
	s7 =	sadd.s32 $0x1, s7  }
0x18: {  	p0 =	sne.s32 s7, s6  }
.Ltmp1:
0x19: {  	_ = 	snop;
	(pc) =	sbr.rel @!p0 .LBB2_13-.Ltmp1, $3  }
0x1a: {  	_ =	sdelay $0x1  }
0x1b: {  	s19 =	simm.s32 $0x5000;
	[sflag:s18] =	ssyncset.done $0x0  }
0x1c: {  	s21 =	simm.s32 $0x5800;
	s22 =	simm.s32 $0x6000;
	[sflag:s18] =	ssyncadd.s32 $0xFFFFB000  }
.LBB2_1:
0x1d: {  	[dreg:$0x8] =	wrdreg s7  }
0x1e: {  	s6 =	rddreg [dreg:$0x5];
	s11 =	simm.s32 $0x5  }
0x1f: {  	[tilespmem:s4], [sflag:$0x5] =	stream.linear.gather [hbm4b:s6+s4], $0x5000, $0x38;
	[tilespmem:$0x19000] =	vst v63  }
0x20: {  	_ =	swait.ge [sflag:s11], $0x5000  }
0x21: {  	[sflag:s11] =	ssyncset.done $0x0  }
0x22: {  	[sflag:s11] =	ssyncadd.s32 $0xFFFFB000  }
0x23: {  	v3 =	vld [tilespmem:$0x0];
	_ =	sdelay $0x4  }
0x24: {  	v4 =	vshll.u32 v3, $0x2  }
0x25: {  	v3 =	vand.u32 $0x7, v3;
	v4 =	vand.u32 $0xFFFFFFE0, v4  }
0x26: {  	v3 =	vor.u32 v3, v4  }
0x27: {  	v4 =	vperm.xlane v3, v0;
	_ =	sdelay $0x1  }
0x28: {  	v4 =	vadd.s32 v1, v4;
	_ =	sdelay $0x1  }
0x29: {  	v3 =	vperm.xlane v3, v2;
	_ =	sdelay $0x1  }
0x2a: {  	v3 =	vadd.s32 v1, v3  }
0x2b: {  	[tilespmem:s19], [sflag:$0x1] =	stream.indirect_vreg.gather [hbm4b:s1+s4], $0x80, v4, vm0, $0xb8;
	[tilespmem:$0x19000] =	vst v63  }
0x2c: {  	_ = 	snop  }
0x2d: {  	[tilespmem:s21], [sflag:$0x1] =	stream.indirect_vreg.gather [hbm4b:s8+s4], $0x80, v4, vm0, $0xb8;
	[tilespmem:$0x19000] =	vst v63  }
0x2e: {  	_ = 	snop  }
0x2f: {  	[tilespmem:s22], [sflag:$0x1] =	stream.indirect_vreg.gather [hbm4b:s1+s4], $0x80, v3, vm0, $0xb8;
	[tilespmem:$0x19000] =	vst v63  }
0x30: {  	s12 =	simm.s32 $0x6800  }
0x31: {  	[tilespmem:s12], [sflag:$0x1] =	stream.indirect_vreg.gather [hbm4b:s8+s4], $0x80, v3, vm0, $0xb8;
	[tilespmem:$0x19000] =	vst v63  }
0x32: {  	v3 =	vld [tilespmem:$0x10];
	_ =	sdelay $0x4  }
0x33: {  	v4 =	vshll.u32 v3, $0x2  }
0x34: {  	v3 =	vand.u32 $0x7, v3;
	v4 =	vand.u32 $0xFFFFFFE0, v4  }
0x35: {  	v3 =	vor.u32 v3, v4  }
0x36: {  	v4 =	vperm.xlane v3, v0;
	_ =	sdelay $0x1  }
0x37: {  	v4 =	vadd.s32 v1, v4;
	_ =	sdelay $0x1  }
0x38: {  	v3 =	vperm.xlane v3, v2;
	_ =	sdelay $0x1  }
0x39: {  	s20 =	simm.s32 $0x7000;
	v3 =	vadd.s32 v1, v3  }
0x3a: {  	[tilespmem:s20], [sflag:$0x1] =	stream.indirect_vreg.gather [hbm4b:s1+s4], $0x80, v4, vm0, $0xb8;
	[tilespmem:$0x19000] =	vst v63  }
0x3b: {  	s7 =	simm.s32 $0x7800  }
0x3c: {  	[tilespmem:s7], [sflag:$0x1] =	stream.indirect_vreg.gather [hbm4b:s8+s4], $0x80, v4, vm0, $0xb8;
	[tilespmem:$0x19000] =	vst v63  }
0x3d: {  	s9 =	simm.s32 $0x8000  }
0x3e: {  	[tilespmem:s9], [sflag:$0x1] =	stream.indirect_vreg.gather [hbm4b:s1+s4], $0x80, v3, vm0, $0xb8;
	[tilespmem:$0x19000] =	vst v63  }
0x3f: {  	s11 =	simm.s32 $0x8800  }
0x40: {  	[tilespmem:s11], [sflag:$0x1] =	stream.indirect_vreg.gather [hbm4b:s8+s4], $0x80, v3, vm0, $0xb8;
	[tilespmem:$0x19000] =	vst v63  }
0x41: {  	v3 =	vld.msk [tilespmem:$0x20], $0xff;
	_ =	sdelay $0x4  }
0x42: {  	v4 =	vshll.u32 v3, $0x2  }
0x43: {  	v3 =	vand.u32 $0x7, v3;
	v4 =	vand.u32 $0xFFFFFFE0, v4  }
0x44: {  	v3 =	vor.u32 v3, v4  }
0x45: {  	v3 =	vperm.xlane v3, v0;
	_ =	sdelay $0x1  }
0x46: {  	v3 =	vadd.s32 v1, v3;
	_ =	sdelay $0x3  }
0x47: {  	s12 =	simm.s32 $0x9000  }
0x48: {  	[tilespmem:s12], [sflag:$0x1] =	stream.indirect_vreg.gather [hbm4b:s1+s4], $0x80, v3, vm0, $0xb8;
	[tilespmem:$0x19000] =	vst v63  }
0x49: {  	s20 =	simm.s32 $0x9800  }
0x4a: {  	[tilespmem:s20], [sflag:$0x1] =	stream.indirect_vreg.gather [hbm4b:s8+s4], $0x80, v3, vm0, $0xb8;
	[tilespmem:$0x19000] =	vst v63  }
0x4b: {  	v3 =	vld [tilespmem:$0x80];
	_ =	sdelay $0x4  }
0x4c: {  	v4 =	vshll.u32 v3, $0x2  }
0x4d: {  	v3 =	vand.u32 $0x7, v3;
	v4 =	vand.u32 $0xFFFFFFE0, v4  }
0x4e: {  	v3 =	vor.u32 v3, v4  }
0x4f: {  	v4 =	vperm.xlane v3, v0;
	_ =	sdelay $0x1  }
0x50: {  	v4 =	vadd.s32 v1, v4;
	_ =	sdelay $0x1  }
0x51: {  	v3 =	vperm.xlane v3, v2;
	_ =	sdelay $0x1  }
0x52: {  	v3 =	vadd.s32 v1, v3  }
0x53: {  	[tilespmem:s23], [sflag:$0x2] =	stream.indirect_vreg.gather [hbm4b:s1+s4], $0x80, v4, vm0, $0xb8;
	[tilespmem:$0x19000] =	vst v63  }
0x54: {  	_ = 	snop  }
0x55: {  	[tilespmem:s24], [sflag:$0x2] =	stream.indirect_vreg.gather [hbm4b:s8+s4], $0x80, v4, vm0, $0xb8;
	[tilespmem:$0x19000] =	vst v63  }
0x56: {  	_ = 	snop  }
0x57: {  	[tilespmem:s25], [sflag:$0x2] =	stream.indirect_vreg.gather [hbm4b:s1+s4], $0x80, v3, vm0, $0xb8;
	[tilespmem:$0x19000] =	vst v63  }
0x58: {  	_ = 	snop  }
0x59: {  	[tilespmem:s26], [sflag:$0x2] =	stream.indirect_vreg.gather [hbm4b:s8+s4], $0x80, v3, vm0, $0xb8;
	[tilespmem:$0x19000] =	vst v63  }
0x5a: {  	v3 =	vld [tilespmem:$0x90];
	_ =	sdelay $0x4  }
0x5b: {  	v4 =	vshll.u32 v3, $0x2  }
0x5c: {  	v3 =	vand.u32 $0x7, v3;
	v4 =	vand.u32 $0xFFFFFFE0, v4  }
0x5d: {  	v3 =	vor.u32 v3, v4  }
0x5e: {  	v4 =	vperm.xlane v3, v0;
	_ =	sdelay $0x1  }
0x5f: {  	v4 =	vadd.s32 v1, v4;
	_ =	sdelay $0x1  }
0x60: {  	v3 =	vperm.xlane v3, v2;
	_ =	sdelay $0x1  }
0x61: {  	v3 =	vadd.s32 v1, v3  }
0x62: {  	[tilespmem:s28], [sflag:$0x2] =	stream.indirect_vreg.gather [hbm4b:s1+s4], $0x80, v4, vm0, $0xb8;
	[tilespmem:$0x19000] =	vst v63  }
0x63: {  	_ = 	snop  }
0x64: {  	[tilespmem:s29], [sflag:$0x2] =	stream.indirect_vreg.gather [hbm4b:s8+s4], $0x80, v4, vm0, $0xb8;
	[tilespmem:$0x19000] =	vst v63  }
0x65: {  	_ = 	snop  }
0x66: {  	[tilespmem:s30], [sflag:$0x2] =	stream.indirect_vreg.gather [hbm4b:s1+s4], $0x80, v3, vm0, $0xb8;
	[tilespmem:$0x19000] =	vst v63  }
0x67: {  	_ = 	snop  }
0x68: {  	[tilespmem:s31], [sflag:$0x2] =	stream.indirect_vreg.gather [hbm4b:s8+s4], $0x80, v3, vm0, $0xb8;
	[tilespmem:$0x19000] =	vst v63  }
0x69: {  	v3 =	vld.msk [tilespmem:$0xA0], $0xff;
	_ =	sdelay $0x4  }
0x6a: {  	v4 =	vshll.u32 v3, $0x2  }
0x6b: {  	v3 =	vand.u32 $0x7, v3;
	v4 =	vand.u32 $0xFFFFFFE0, v4  }
0x6c: {  	v3 =	vor.u32 v3, v4  }
0x6d: {  	v3 =	vperm.xlane v3, v0;
	_ =	sdelay $0x1  }
0x6e: {  	v3 =	vadd.s32 v1, v3;
	_ =	sdelay $0x4  }
0x6f: {  	[tilespmem:s2], [sflag:$0x2] =	stream.indirect_vreg.gather [hbm4b:s1+s4], $0x80, v3, vm0, $0xb8;
	[tilespmem:$0x19000] =	vst v63  }
0x70: {  	_ = 	snop  }
0x71: {  	[tilespmem:s0], [sflag:$0x2] =	stream.indirect_vreg.gather [hbm4b:s8+s4], $0x80, v3, vm0, $0xb8;
	[tilespmem:$0x19000] =	vst v63  }
0x72: {  	_ =	swait.ge [sflag:s13], $0x5000  }
0x73: {  	s7 =	sand.u32 $0x7000, s4;
	s9 =	sand.u32 $0x380, s4;
	[sflag:s13] =	ssyncset.done $0x0  }
0x74: {  	s7 =	sor.u32 s9, s7;
	[sflag:s13] =	ssyncadd.s32 $0xFFFFB000  }
0x75: {  	v3 =	vld [tilespmem:s7+$0x5C70]  }
0x76: {  	v4 =	vld [tilespmem:s7+$0x5000]  }
0x77: {  	v5 =	vld [tilespmem:s7+$0x5010]  }
0x78: {  	v6 =	vld [tilespmem:s7+$0x5020]  }
0x79: {  	v7 =	vld [tilespmem:s7+$0x5030]  }
0x7a: {  	v8 =	vld [tilespmem:s7+$0x5040];
	v3 =	vmul.f32 $2.262741660e+01, v3  }
0x7b: {  	v9 =	vld [tilespmem:s7+$0x5050];
	v4 =	vmul.f32 $2.262741660e+01, v4  }
0x7c: {  	v10 =	vld [tilespmem:s7+$0x5060];
	[tilespmem:s7+$0xFC70] =	vst v3;
	v3 =	vmul.f32 $2.262741660e+01, v5  }
0x7d: {  	[tilespmem:s7+$0xF000] =	vst v4;
	v4 =	vld [tilespmem:s7+$0x5070];
	v5 =	vmul.f32 $2.262741660e+01, v6  }
0x7e: {  	v6 =	vmul.f32 $2.262741660e+01, v7;
	[tilespmem:s7+$0xF010] =	vst v3;
	v3 =	vld [tilespmem:s7+$0x5400]  }
0x7f: {  	v7 =	vmul.f32 $2.262741660e+01, v8;
	[tilespmem:s7+$0xF020] =	vst v5;
	v5 =	vld [tilespmem:s7+$0x5410]  }
0x80: {  	v8 =	vmul.f32 $2.262741660e+01, v9;
	[tilespmem:s7+$0xF030] =	vst v6;
	v6 =	vld [tilespmem:s7+$0x5420]  }
0x81: {  	v9 =	vmul.f32 $2.262741660e+01, v10;
	[tilespmem:s7+$0xF040] =	vst v7;
	v7 =	vld [tilespmem:s7+$0x5430]  }
0x82: {  	[tilespmem:s7+$0xF050] =	vst v8;
	v8 =	vld [tilespmem:s7+$0x5440];
	v4 =	vmul.f32 $2.262741660e+01, v4  }
0x83: {  	[tilespmem:s7+$0xF060] =	vst v9;
	v9 =	vld [tilespmem:s7+$0x5450];
	v3 =	vmul.f32 $2.262741660e+01, v3  }
0x84: {  	[tilespmem:s7+$0xF070] =	vst v4;
	v4 =	vld [tilespmem:s7+$0x5460];
	v5 =	vmul.f32 $2.262741660e+01, v5  }
0x85: {  	v6 =	vmul.f32 $2.262741660e+01, v6;
	[tilespmem:s7+$0xF400] =	vst v3;
	v3 =	vld [tilespmem:s7+$0x5470]  }
0x86: {  	v7 =	vmul.f32 $2.262741660e+01, v7;
	[tilespmem:s7+$0xF410] =	vst v5;
	v5 =	vld [tilespmem:s7+$0x5800]  }
0x87: {  	v8 =	vmul.f32 $2.262741660e+01, v8;
	[tilespmem:s7+$0xF420] =	vst v6;
	v6 =	vld [tilespmem:s7+$0x5810]  }
0x88: {  	v9 =	vmul.f32 $2.262741660e+01, v9;
	[tilespmem:s7+$0xF430] =	vst v7;
	v7 =	vld [tilespmem:s7+$0x5820]  }
0x89: {  	[tilespmem:s7+$0xF440] =	vst v8;
	v8 =	vld [tilespmem:s7+$0x5830];
	v4 =	vmul.f32 $2.262741660e+01, v4  }
0x8a: {  	[tilespmem:s7+$0xF450] =	vst v9;
	v9 =	vld [tilespmem:s7+$0x5840];
	v3 =	vmul.f32 $2.262741660e+01, v3  }
0x8b: {  	[tilespmem:s7+$0xF460] =	vst v4;
	v4 =	vld [tilespmem:s7+$0x5850];
	v5 =	vmul.f32 $2.262741660e+01, v5  }
0x8c: {  	v6 =	vmul.f32 $2.262741660e+01, v6;
	[tilespmem:s7+$0xF470] =	vst v3;
	v3 =	vld [tilespmem:s7+$0x5860]  }
0x8d: {  	v7 =	vmul.f32 $2.262741660e+01, v7;
	[tilespmem:s7+$0xF800] =	vst v5;
	v5 =	vld [tilespmem:s7+$0x5870]  }
0x8e: {  	v10 =	vld [tilespmem:s7+$0x5C60];
	v8 =	vmul.f32 $2.262741660e+01, v8;
	[tilespmem:s7+$0xF810] =	vst v6  }
0x8f: {  	v9 =	vmul.f32 $2.262741660e+01, v9;
	v6 =	vld [tilespmem:s7+$0x5C00];
	[tilespmem:s7+$0xF820] =	vst v7  }
0x90: {  	v7 =	vld [tilespmem:s7+$0x5C10];
	[tilespmem:s7+$0xF830] =	vst v8;
	v4 =	vmul.f32 $2.262741660e+01, v4  }
0x91: {  	v8 =	vld [tilespmem:s7+$0x5C20];
	[tilespmem:s7+$0xF840] =	vst v9;
	v3 =	vmul.f32 $2.262741660e+01, v3  }
0x92: {  	s9 =	simm.s32 $0x80;
	s11 =	simm.s32 $0x200;
	v9 =	vld [tilespmem:s7+$0x5C30];
	[tilespmem:s7+$0xF850] =	vst v4;
	v5 =	vmul.f32 $2.262741660e+01, v5  }
0x93: {  	s9 =	sand.u32 $0x380, s9;
	s6 =	sand.u32 $0x7000, s11;
	v4 =	vld [tilespmem:s7+$0x5C40];
	[tilespmem:s7+$0xF860] =	vst v3  }
0x94: {  	s20 =	sor.u32 s9, s6;
	v3 =	vld [tilespmem:s7+$0x5C50];
	[tilespmem:s7+$0xF870] =	vst v5;
	v5 =	vmul.f32 $2.262741660e+01, v6  }
0x95: {  	v7 =	vmul.f32 $2.262741660e+01, v7;
	v6 =	vld [tilespmem:s20+$0x5C70]  }
0x96: {  	v8 =	vmul.f32 $2.262741660e+01, v8;
	v11 =	vld [tilespmem:s20+$0x5000];
	[tilespmem:s7+$0xFC00] =	vst v5  }
0x97: {  	v9 =	vmul.f32 $2.262741660e+01, v9;
	v5 =	vld [tilespmem:s20+$0x5010];
	[tilespmem:s7+$0xFC10] =	vst v7  }
0x98: {  	v4 =	vmul.f32 $2.262741660e+01, v4;
	v7 =	vld [tilespmem:s20+$0x5020];
	[tilespmem:s7+$0xFC20] =	vst v8  }
0x99: {  	v8 =	vld [tilespmem:s20+$0x5030];
	[tilespmem:s7+$0xFC30] =	vst v9;
	v3 =	vmul.f32 $2.262741660e+01, v3  }
0x9a: {  	v9 =	vld [tilespmem:s20+$0x5040];
	[tilespmem:s7+$0xFC40] =	vst v4;
	v6 =	vmul.f32 $2.262741660e+01, v6  }
0x9b: {  	v4 =	vld [tilespmem:s20+$0x5050];
	[tilespmem:s7+$0xFC50] =	vst v3;
	v3 =	vmul.f32 $2.262741660e+01, v11  }
0x9c: {  	v11 =	vld [tilespmem:s20+$0x5060];
	[tilespmem:s20+$0xFC70] =	vst v6;
	v5 =	vmul.f32 $2.262741660e+01, v5  }
0x9d: {  	[tilespmem:s20+$0xF000] =	vst v3;
	v3 =	vld [tilespmem:s20+$0x5070];
	v6 =	vmul.f32 $2.262741660e+01, v7  }
0x9e: {  	[tilespmem:s20+$0xF010] =	vst v5;
	v5 =	vld [tilespmem:s20+$0x5400];
	v7 =	vmul.f32 $2.262741660e+01, v8  }
0x9f: {  	[tilespmem:s20+$0xF020] =	vst v6;
	v6 =	vld [tilespmem:s20+$0x5410];
	v8 =	vmul.f32 $2.262741660e+01, v9  }
0xa0: {  	[tilespmem:s20+$0xF030] =	vst v7;
	v7 =	vld [tilespmem:s20+$0x5420];
	v4 =	vmul.f32 $2.262741660e+01, v4  }
0xa1: {  	[tilespmem:s20+$0xF040] =	vst v8;
	v8 =	vld [tilespmem:s20+$0x5430];
	v9 =	vmul.f32 $2.262741660e+01, v11  }
0xa2: {  	[tilespmem:s20+$0xF050] =	vst v4;
	v4 =	vld [tilespmem:s20+$0x5440];
	v3 =	vmul.f32 $2.262741660e+01, v3  }
0xa3: {  	[tilespmem:s20+$0xF060] =	vst v9;
	v9 =	vld [tilespmem:s20+$0x5450];
	v5 =	vmul.f32 $2.262741660e+01, v5  }
0xa4: {  	[tilespmem:s20+$0xF070] =	vst v3;
	v3 =	vld [tilespmem:s20+$0x5460];
	v6 =	vmul.f32 $2.262741660e+01, v6  }
0xa5: {  	[tilespmem:s20+$0xF400] =	vst v5;
	v5 =	vld [tilespmem:s20+$0x5470];
	v7 =	vmul.f32 $2.262741660e+01, v7  }
0xa6: {  	[tilespmem:s20+$0xF410] =	vst v6;
	v6 =	vld [tilespmem:s20+$0x5800];
	v8 =	vmul.f32 $2.262741660e+01, v8  }
0xa7: {  	[tilespmem:s20+$0xF420] =	vst v7;
	v7 =	vld [tilespmem:s20+$0x5810];
	v4 =	vmul.f32 $2.262741660e+01, v4  }
0xa8: {  	[tilespmem:s20+$0xF430] =	vst v8;
	v8 =	vld [tilespmem:s20+$0x5820];
	v9 =	vmul.f32 $2.262741660e+01, v9  }
0xa9: {  	v11 =	vld [tilespmem:s20+$0x5830];
	[tilespmem:s20+$0xF440] =	vst v4;
	v3 =	vmul.f32 $2.262741660e+01, v3  }
0xaa: {  	[tilespmem:s20+$0xF450] =	vst v9;
	v9 =	vld [tilespmem:s20+$0x5840];
	v4 =	vmul.f32 $2.262741660e+01, v5  }
0xab: {  	[tilespmem:s20+$0xF460] =	vst v3;
	v3 =	vld [tilespmem:s20+$0x5850];
	v5 =	vmul.f32 $2.262741660e+01, v6  }
0xac: {  	v6 =	vld [tilespmem:s20+$0x5860];
	[tilespmem:s20+$0xF470] =	vst v4;
	v4 =	vmul.f32 $2.262741660e+01, v7  }
0xad: {  	v12 =	vld [tilespmem:s20+$0x5870];
	[tilespmem:s20+$0xF800] =	vst v5;
	v5 =	vmul.f32 $2.262741660e+01, v8  }
0xae: {  	v7 =	vld [tilespmem:s20+$0x5C10];
	v8 =	vmul.f32 $2.262741660e+01, v11;
	[tilespmem:s20+$0xF810] =	vst v4  }
0xaf: {  	v4 =	vld [tilespmem:s20+$0x5C00];
	[tilespmem:s20+$0xF820] =	vst v5;
	v5 =	vmul.f32 $2.262741660e+01, v9  }
0xb0: {  	[tilespmem:s20+$0xF830] =	vst v8;
	v8 =	vld [tilespmem:s20+$0x5C20];
	v3 =	vmul.f32 $2.262741660e+01, v3  }
0xb1: {  	v9 =	vmul.f32 $2.262741660e+01, v6;
	[tilespmem:s20+$0xF840] =	vst v5;
	v5 =	vld [tilespmem:s20+$0x5C30]  }
0xb2: {  	s12 =	simm.s32 $0x400;
	s9 =	simm.s32 $0x100;
	v6 =	vld [tilespmem:s20+$0x5C40];
	[tilespmem:s20+$0xF850] =	vst v3;
	v3 =	vmul.f32 $2.262741660e+01, v10;
	v10 =	vmul.f32 $2.262741660e+01, v12  }
0xb3: {  	s11 =	simm.s32 $0x600;
	s6 =	sand.u32 $0x7000, s12;
	s12 =	sand.u32 $0x380, s9;
	[tilespmem:s20+$0xF860] =	vst v9;
	v9 =	vld [tilespmem:s20+$0x5C50]  }
.LBB2_2:
0xb4: {  	p0 =	sne.s32 s11, $0x4E00;
	s6 =	sor.u32 s12, s6;
	[tilespmem:s20+$0xF870] =	vst v10;
	v4 =	vmul.f32 $2.262741660e+01, v4;
	v7 =	vmul.f32 $2.262741660e+01, v7;
	v10 =	vld [tilespmem:s20+$0x5C60]  }
0xb5: {  	v11 =	vld [tilespmem:s6+$0x5C70];
	v8 =	vmul.f32 $2.262741660e+01, v8;
	[tilespmem:s7+$0xFC60] =	vst v3;
	s7 =	smov.u32 s20;
	s20 =	smov.u32 s6  }
0xb6: {  	v12 =	vld [tilespmem:s20+$0x5000];
	[tilespmem:s7+$0xFC00] =	vst v4;
	v3 =	vmul.f32 $2.262741660e+01, v5  }
0xb7: {  	v4 =	vld [tilespmem:s20+$0x5010];
	[tilespmem:s7+$0xFC10] =	vst v7;
	v5 =	vmul.f32 $2.262741660e+01, v6  }
0xb8: {  	v6 =	vld [tilespmem:s20+$0x5020];
	[tilespmem:s7+$0xFC20] =	vst v8;
	v7 =	vmul.f32 $2.262741660e+01, v9  }
0xb9: {  	v8 =	vld [tilespmem:s20+$0x5030];
	[tilespmem:s7+$0xFC30] =	vst v3;
	v3 =	vmul.f32 $2.262741660e+01, v10  }
0xba: {  	v9 =	vld [tilespmem:s20+$0x5040];
	v10 =	vmul.f32 $2.262741660e+01, v11;
	[tilespmem:s7+$0xFC40] =	vst v5  }
0xbb: {  	v5 =	vmul.f32 $2.262741660e+01, v12;
	v11 =	vld [tilespmem:s20+$0x5050];
	[tilespmem:s7+$0xFC50] =	vst v7  }
0xbc: {  	v4 =	vmul.f32 $2.262741660e+01, v4;
	v7 =	vld [tilespmem:s20+$0x5060];
	[tilespmem:s20+$0xFC70] =	vst v10  }
0xbd: {  	[tilespmem:s20+$0xF000] =	vst v5;
	v5 =	vmul.f32 $2.262741660e+01, v6;
	v6 =	vld [tilespmem:s20+$0x5070]  }
0xbe: {  	[tilespmem:s20+$0xF010] =	vst v4;
	v4 =	vmul.f32 $2.262741660e+01, v8;
	v8 =	vld [tilespmem:s20+$0x5400]  }
0xbf: {  	[tilespmem:s20+$0xF020] =	vst v5;
	v5 =	vmul.f32 $2.262741660e+01, v9;
	v9 =	vld [tilespmem:s20+$0x5410]  }
0xc0: {  	[tilespmem:s20+$0xF030] =	vst v4;
	v4 =	vmul.f32 $2.262741660e+01, v11;
	v10 =	vld [tilespmem:s20+$0x5420]  }
0xc1: {  	[tilespmem:s20+$0xF040] =	vst v5;
	v5 =	vmul.f32 $2.262741660e+01, v7;
	v7 =	vld [tilespmem:s20+$0x5430]  }
0xc2: {  	[tilespmem:s20+$0xF050] =	vst v4;
	v4 =	vmul.f32 $2.262741660e+01, v6;
	v6 =	vld [tilespmem:s20+$0x5440]  }
0xc3: {  	[tilespmem:s20+$0xF060] =	vst v5;
	v5 =	vmul.f32 $2.262741660e+01, v8;
	v8 =	vld [tilespmem:s20+$0x5450]  }
0xc4: {  	[tilespmem:s20+$0xF070] =	vst v4;
	v4 =	vmul.f32 $2.262741660e+01, v9;
	v9 =	vld [tilespmem:s20+$0x5460]  }
0xc5: {  	[tilespmem:s20+$0xF400] =	vst v5;
	v5 =	vmul.f32 $2.262741660e+01, v10;
	v10 =	vld [tilespmem:s20+$0x5470]  }
0xc6: {  	[tilespmem:s20+$0xF410] =	vst v4;
	v4 =	vmul.f32 $2.262741660e+01, v7;
	v7 =	vld [tilespmem:s20+$0x5800]  }
0xc7: {  	[tilespmem:s20+$0xF420] =	vst v5;
	v5 =	vmul.f32 $2.262741660e+01, v6;
	v6 =	vld [tilespmem:s20+$0x5810]  }
0xc8: {  	[tilespmem:s20+$0xF430] =	vst v4;
	v4 =	vmul.f32 $2.262741660e+01, v8;
	v8 =	vld [tilespmem:s20+$0x5820]  }
0xc9: {  	[tilespmem:s20+$0xF440] =	vst v5;
	v5 =	vmul.f32 $2.262741660e+01, v9;
	v9 =	vld [tilespmem:s20+$0x5830]  }
0xca: {  	[tilespmem:s20+$0xF450] =	vst v4;
	v4 =	vmul.f32 $2.262741660e+01, v10;
	v10 =	vld [tilespmem:s20+$0x5840]  }
0xcb: {  	[tilespmem:s20+$0xF460] =	vst v5;
	v5 =	vmul.f32 $2.262741660e+01, v7;
	v11 =	vld [tilespmem:s20+$0x5850]  }
0xcc: {  	[tilespmem:s20+$0xF470] =	vst v4;
	v4 =	vmul.f32 $2.262741660e+01, v6;
	v6 =	vld [tilespmem:s20+$0x5860]  }
0xcd: {  	[tilespmem:s20+$0xF800] =	vst v5;
	v5 =	vmul.f32 $2.262741660e+01, v8;
	v12 =	vld [tilespmem:s20+$0x5870]  }
0xce: {  	[tilespmem:s20+$0xF810] =	vst v4;
	v8 =	vmul.f32 $2.262741660e+01, v9;
	v4 =	vld [tilespmem:s20+$0x5C00]  }
.Ltmp2:
0xcf: {  	[tilespmem:s20+$0xF820] =	vst v5;
	v5 =	vmul.f32 $2.262741660e+01, v10;
	v7 =	vld [tilespmem:s20+$0x5C10];
	(pc) =	sbr.rel @p0 .LBB2_2-.Ltmp2, $4  }
0xd0: {  	[tilespmem:s20+$0xF830] =	vst v8;
	v9 =	vmul.f32 $2.262741660e+01, v11;
	v8 =	vld [tilespmem:s20+$0x5C20]  }
0xd1: {  	[tilespmem:s20+$0xF840] =	vst v5;
	v11 =	vmul.f32 $2.262741660e+01, v6;
	v5 =	vld [tilespmem:s20+$0x5C30]  }
0xd2: {  	s9 =	sadd.s32 $0x80, s9;
	[tilespmem:s20+$0xF850] =	vst v9;
	v10 =	vmul.f32 $2.262741660e+01, v12;
	v6 =	vld [tilespmem:s20+$0x5C40]  }
0xd3: {  	s6 =	sand.u32 $0x7000, s11;
	s12 =	sand.u32 $0x380, s9;
	s11 =	sadd.s32 $0x200, s11;
	[tilespmem:s20+$0xF860] =	vst v11;
	v9 =	vld [tilespmem:s20+$0x5C50]  }
0xd4: {  	[tilespmem:s20+$0xF870] =	vst v10;
	s6 =	sor.u32 s12, s6;
	v10 =	vld [tilespmem:s20+$0x5C60];
	v4 =	vmul.f32 $2.262741660e+01, v4  }
0xd5: {  	v7 =	vmul.f32 $2.262741660e+01, v7;
	v11 =	vld [tilespmem:s6+$0x5C70];
	[tilespmem:s7+$0xFC60] =	vst v3  }
0xd6: {  	v8 =	vmul.f32 $2.262741660e+01, v8;
	v3 =	vld [tilespmem:s6+$0x5000];
	[tilespmem:s20+$0xFC00] =	vst v4  }
0xd7: {  	v5 =	vmul.f32 $2.262741660e+01, v5;
	v4 =	vld [tilespmem:s6+$0x5010];
	[tilespmem:s20+$0xFC10] =	vst v7  }
0xd8: {  	v6 =	vmul.f32 $2.262741660e+01, v6;
	v7 =	vld [tilespmem:s6+$0x5020];
	[tilespmem:s20+$0xFC20] =	vst v8  }
0xd9: {  	v9 =	vmul.f32 $2.262741660e+01, v9;
	v8 =	vld [tilespmem:s6+$0x5030];
	[tilespmem:s20+$0xFC30] =	vst v5  }
0xda: {  	v5 =	vld [tilespmem:s6+$0x5040];
	[tilespmem:s20+$0xFC40] =	vst v6;
	v6 =	vmul.f32 $2.262741660e+01, v11  }
0xdb: {  	v11 =	vld [tilespmem:s6+$0x5050];
	v3 =	vmul.f32 $2.262741660e+01, v3;
	[tilespmem:s20+$0xFC50] =	vst v9  }
0xdc: {  	v4 =	vmul.f32 $2.262741660e+01, v4;
	v9 =	vld [tilespmem:s6+$0x5060];
	[tilespmem:s6+$0xFC70] =	vst v6  }
0xdd: {  	v6 =	vld [tilespmem:s6+$0x5070];
	[tilespmem:s6+$0xF000] =	vst v3;
	v3 =	vmul.f32 $2.262741660e+01, v7  }
0xde: {  	v7 =	vld [tilespmem:s6+$0x5400];
	[tilespmem:s6+$0xF010] =	vst v4;
	v4 =	vmul.f32 $2.262741660e+01, v8  }
0xdf: {  	[tilespmem:s6+$0xF020] =	vst v3;
	v3 =	vmul.f32 $2.262741660e+01, v5;
	v5 =	vld [tilespmem:s6+$0x5410]  }
0xe0: {  	v8 =	vld [tilespmem:s6+$0x5420];
	[tilespmem:s6+$0xF030] =	vst v4;
	v4 =	vmul.f32 $2.262741660e+01, v11  }
0xe1: {  	[tilespmem:s6+$0xF040] =	vst v3;
	v3 =	vmul.f32 $2.262741660e+01, v9;
	v9 =	vld [tilespmem:s6+$0x5430]  }
0xe2: {  	[tilespmem:s6+$0xF050] =	vst v4;
	v4 =	vmul.f32 $2.262741660e+01, v6;
	v6 =	vld [tilespmem:s6+$0x5440]  }
0xe3: {  	[tilespmem:s6+$0xF060] =	vst v3;
	v3 =	vmul.f32 $2.262741660e+01, v7;
	v7 =	vld [tilespmem:s6+$0x5450]  }
0xe4: {  	[tilespmem:s6+$0xF070] =	vst v4;
	v4 =	vmul.f32 $2.262741660e+01, v5;
	v5 =	vld [tilespmem:s6+$0x5460]  }
0xe5: {  	[tilespmem:s6+$0xF400] =	vst v3;
	v3 =	vmul.f32 $2.262741660e+01, v8;
	v8 =	vld [tilespmem:s6+$0x5470]  }
0xe6: {  	[tilespmem:s6+$0xF410] =	vst v4;
	v4 =	vmul.f32 $2.262741660e+01, v9;
	v9 =	vld [tilespmem:s6+$0x5800]  }
0xe7: {  	[tilespmem:s6+$0xF420] =	vst v3;
	v3 =	vmul.f32 $2.262741660e+01, v6;
	v6 =	vld [tilespmem:s6+$0x5810]  }
0xe8: {  	[tilespmem:s6+$0xF430] =	vst v4;
	v4 =	vmul.f32 $2.262741660e+01, v7;
	v7 =	vld [tilespmem:s6+$0x5820]  }
0xe9: {  	[tilespmem:s6+$0xF440] =	vst v3;
	v3 =	vmul.f32 $2.262741660e+01, v5;
	v5 =	vld [tilespmem:s6+$0x5830]  }
0xea: {  	[tilespmem:s6+$0xF450] =	vst v4;
	v4 =	vmul.f32 $2.262741660e+01, v8;
	v8 =	vld [tilespmem:s6+$0x5840]  }
0xeb: {  	[tilespmem:s6+$0xF460] =	vst v3;
	v3 =	vmul.f32 $2.262741660e+01, v9;
	v9 =	vld [tilespmem:s6+$0x5850]  }
0xec: {  	[tilespmem:s6+$0xF470] =	vst v4;
	v4 =	vmul.f32 $2.262741660e+01, v6;
	v6 =	vld [tilespmem:s6+$0x5860]  }
0xed: {  	[tilespmem:s6+$0xF800] =	vst v3;
	v3 =	vmul.f32 $2.262741660e+01, v7;
	v7 =	vld [tilespmem:s6+$0x5870]  }
0xee: {  	[tilespmem:s6+$0xF810] =	vst v4;
	v4 =	vmul.f32 $2.262741660e+01, v5  }
0xef: {  	v5 =	vld [tilespmem:s6+$0x5C00];
	[tilespmem:s6+$0xF820] =	vst v3;
	v3 =	vmul.f32 $2.262741660e+01, v8  }
0xf0: {  	v8 =	vld [tilespmem:s6+$0x5C10];
	[tilespmem:s6+$0xF830] =	vst v4;
	v4 =	vmul.f32 $2.262741660e+01, v9  }
0xf1: {  	v9 =	vld [tilespmem:s6+$0x5C20];
	[tilespmem:s6+$0xF840] =	vst v3;
	v3 =	vmul.f32 $2.262741660e+01, v6  }
0xf2: {  	v6 =	vld [tilespmem:s6+$0x5C30];
	[tilespmem:s6+$0xF850] =	vst v4;
	v4 =	vmul.f32 $2.262741660e+01, v7  }
0xf3: {  	v10 =	vmul.f32 $2.262741660e+01, v10;
	v7 =	vld [tilespmem:s6+$0x5C40];
	[tilespmem:s6+$0xF860] =	vst v3  }
0xf4: {  	v3 =	vld [tilespmem:s6+$0x5C50];
	[tilespmem:s6+$0xF870] =	vst v4;
	v4 =	vmul.f32 $2.262741660e+01, v5  }
0xf5: {  	v5 =	vld [tilespmem:s6+$0x5C60];
	v8 =	vmul.f32 $2.262741660e+01, v8;
	[tilespmem:s20+$0xFC60] =	vst v10  }
0xf6: {  	v9 =	vmul.f32 $2.262741660e+01, v9;
	[tilespmem:s6+$0xFC00] =	vst v4  }
0xf7: {  	v4 =	vmul.f32 $2.262741660e+01, v6;
	[tilespmem:s6+$0xFC10] =	vst v8  }
0xf8: {  	v6 =	vmul.f32 $2.262741660e+01, v7;
	[tilespmem:s6+$0xFC20] =	vst v9  }
0xf9: {  	v3 =	vmul.f32 $2.262741660e+01, v3;
	[tilespmem:s6+$0xFC30] =	vst v4  }
0xfa: {  	v4 =	vmul.f32 $2.262741660e+01, v5;
	[tilespmem:s6+$0xFC40] =	vst v6  }
0xfb: {  	[tilespmem:s6+$0xFC50] =	vst v3  }
0xfc: {  	s12 =	rddreg [dreg:$0x4];
	[tilespmem:s6+$0xFC60] =	vst v4;
	s6 =	simm.s32 $0x0  }
0xfd: {  	[hbm4b:s12+s6] =	stream.linear.scatter [tilespmem:s14], [sflag:$0x3], $0x5000, $0x38;
	[tilespmem:$0x19000] =	vst v63  }
0xfe: {  	v3 =	vld [tilespmem:$0x100];
	_ =	sdelay $0x4  }
0xff: {  	v4 =	vshll.u32 v3, $0x2  }
0x100: {  	v3 =	vand.u32 $0x7, v3;
	v4 =	vand.u32 $0xFFFFFFE0, v4  }
0x101: {  	v3 =	vor.u32 v3, v4  }
0x102: {  	v4 =	vperm.xlane v3, v0;
	_ =	sdelay $0x1  }
0x103: {  	v4 =	vadd.s32 v1, v4;
	_ =	sdelay $0x1  }
0x104: {  	v3 =	vperm.xlane v3, v2;
	_ =	sdelay $0x1  }
0x105: {  	v3 =	vadd.s32 v1, v3  }
0x106: {  	[tilespmem:s19], [sflag:$0x1] =	stream.indirect_vreg.gather [hbm4b:s1+s6], $0x80, v4, vm0, $0xb8;
	[tilespmem:$0x19000] =	vst v63  }
0x107: {  	_ = 	snop  }
0x108: {  	[tilespmem:s21], [sflag:$0x1] =	stream.indirect_vreg.gather [hbm4b:s8+s6], $0x80, v4, vm0, $0xb8;
	[tilespmem:$0x19000] =	vst v63  }
0x109: {  	_ = 	snop  }
0x10a: {  	[tilespmem:s22], [sflag:$0x1] =	stream.indirect_vreg.gather [hbm4b:s1+s6], $0x80, v3, vm0, $0xb8;
	[tilespmem:$0x19000] =	vst v63  }
0x10b: {  	s20 =	simm.s32 $0x6800  }
0x10c: {  	[tilespmem:s20], [sflag:$0x1] =	stream.indirect_vreg.gather [hbm4b:s8+s6], $0x80, v3, vm0, $0xb8;
	[tilespmem:$0x19000] =	vst v63  }
0x10d: {  	v3 =	vld [tilespmem:$0x110];
	_ =	sdelay $0x4  }
0x10e: {  	v4 =	vshll.u32 v3, $0x2  }
0x10f: {  	v3 =	vand.u32 $0x7, v3;
	v4 =	vand.u32 $0xFFFFFFE0, v4  }
0x110: {  	v3 =	vor.u32 v3, v4  }
0x111: {  	v4 =	vperm.xlane v3, v0;
	_ =	sdelay $0x1  }
0x112: {  	v4 =	vadd.s32 v1, v4;
	_ =	sdelay $0x1  }
0x113: {  	v3 =	vperm.xlane v3, v2;
	_ =	sdelay $0x1  }
0x114: {  	s21 =	simm.s32 $0x7000;
	v3 =	vadd.s32 v1, v3  }
0x115: {  	[tilespmem:s21], [sflag:$0x1] =	stream.indirect_vreg.gather [hbm4b:s1+s6], $0x80, v4, vm0, $0xb8;
	[tilespmem:$0x19000] =	vst v63  }
0x116: {  	s22 =	simm.s32 $0x7800  }
0x117: {  	[tilespmem:s22], [sflag:$0x1] =	stream.indirect_vreg.gather [hbm4b:s8+s6], $0x80, v4, vm0, $0xb8;
	[tilespmem:$0x19000] =	vst v63  }
0x118: {  	s9 =	simm.s32 $0x8000  }
0x119: {  	[tilespmem:s9], [sflag:$0x1] =	stream.indirect_vreg.gather [hbm4b:s1+s6], $0x80, v3, vm0, $0xb8;
	[tilespmem:$0x19000] =	vst v63  }
0x11a: {  	s11 =	simm.s32 $0x8800  }
0x11b: {  	[tilespmem:s11], [sflag:$0x1] =	stream.indirect_vreg.gather [hbm4b:s8+s6], $0x80, v3, vm0, $0xb8;
	[tilespmem:$0x19000] =	vst v63  }
0x11c: {  	v3 =	vld.msk [tilespmem:$0x120], $0xff;
	_ =	sdelay $0x4  }
0x11d: {  	v4 =	vshll.u32 v3, $0x2  }
0x11e: {  	v3 =	vand.u32 $0x7, v3;
	v4 =	vand.u32 $0xFFFFFFE0, v4  }
0x11f: {  	v3 =	vor.u32 v3, v4  }
0x120: {  	v3 =	vperm.xlane v3, v0;
	_ =	sdelay $0x1  }
0x121: {  	v3 =	vadd.s32 v1, v3;
	_ =	sdelay $0x3  }
0x122: {  	s12 =	simm.s32 $0x9000  }
0x123: {  	[tilespmem:s12], [sflag:$0x1] =	stream.indirect_vreg.gather [hbm4b:s1+s6], $0x80, v3, vm0, $0xb8;
	[tilespmem:$0x19000] =	vst v63  }
0x124: {  	s19 =	simm.s32 $0x9800  }
0x125: {  	[tilespmem:s19], [sflag:$0x1] =	stream.indirect_vreg.gather [hbm4b:s8+s6], $0x80, v3, vm0, $0xb8;
	[tilespmem:$0x19000] =	vst v63  }
0x126: {  	_ =	swait.ge [sflag:s15], $0x5000  }
0x127: {  	s20 =	sand.u32 $0x7000, s6;
	s6 =	sand.u32 $0x380, s6;
	[sflag:s15] =	ssyncset.done $0x0  }
0x128: {  	s7 =	sor.u32 s6, s20;
	[sflag:s15] =	ssyncadd.s32 $0xFFFFB000  }
0x129: {  	v3 =	vld [tilespmem:s7+$0xAC70]  }
0x12a: {  	v4 =	vld [tilespmem:s7+$0xA000]  }
0x12b: {  	v5 =	vld [tilespmem:s7+$0xA010]  }
0x12c: {  	v6 =	vld [tilespmem:s7+$0xA020]  }
0x12d: {  	v7 =	vld [tilespmem:s7+$0xA030]  }
0x12e: {  	v8 =	vld [tilespmem:s7+$0xA040];
	v3 =	vmul.f32 $2.262741660e+01, v3  }
0x12f: {  	v9 =	vld [tilespmem:s7+$0xA050];
	v4 =	vmul.f32 $2.262741660e+01, v4  }
0x130: {  	v10 =	vld [tilespmem:s7+$0xA060];
	[tilespmem:s7+$0x14C70] =	vst v3;
	v3 =	vmul.f32 $2.262741660e+01, v5  }
0x131: {  	[tilespmem:s7+$0x14000] =	vst v4;
	v4 =	vld [tilespmem:s7+$0xA070];
	v5 =	vmul.f32 $2.262741660e+01, v6  }
0x132: {  	v6 =	vmul.f32 $2.262741660e+01, v7;
	[tilespmem:s7+$0x14010] =	vst v3;
	v3 =	vld [tilespmem:s7+$0xA400]  }
0x133: {  	v7 =	vmul.f32 $2.262741660e+01, v8;
	[tilespmem:s7+$0x14020] =	vst v5;
	v5 =	vld [tilespmem:s7+$0xA410]  }
0x134: {  	v8 =	vmul.f32 $2.262741660e+01, v9;
	[tilespmem:s7+$0x14030] =	vst v6;
	v6 =	vld [tilespmem:s7+$0xA420]  }
0x135: {  	v9 =	vmul.f32 $2.262741660e+01, v10;
	[tilespmem:s7+$0x14040] =	vst v7;
	v7 =	vld [tilespmem:s7+$0xA430]  }
0x136: {  	[tilespmem:s7+$0x14050] =	vst v8;
	v8 =	vld [tilespmem:s7+$0xA440];
	v4 =	vmul.f32 $2.262741660e+01, v4  }
0x137: {  	[tilespmem:s7+$0x14060] =	vst v9;
	v9 =	vld [tilespmem:s7+$0xA450];
	v3 =	vmul.f32 $2.262741660e+01, v3  }
0x138: {  	[tilespmem:s7+$0x14070] =	vst v4;
	v4 =	vld [tilespmem:s7+$0xA460];
	v5 =	vmul.f32 $2.262741660e+01, v5  }
0x139: {  	v6 =	vmul.f32 $2.262741660e+01, v6;
	[tilespmem:s7+$0x14400] =	vst v3;
	v3 =	vld [tilespmem:s7+$0xA470]  }
0x13a: {  	v7 =	vmul.f32 $2.262741660e+01, v7;
	[tilespmem:s7+$0x14410] =	vst v5;
	v5 =	vld [tilespmem:s7+$0xA800]  }
0x13b: {  	v8 =	vmul.f32 $2.262741660e+01, v8;
	[tilespmem:s7+$0x14420] =	vst v6;
	v6 =	vld [tilespmem:s7+$0xA810]  }
0x13c: {  	v9 =	vmul.f32 $2.262741660e+01, v9;
	[tilespmem:s7+$0x14430] =	vst v7;
	v7 =	vld [tilespmem:s7+$0xA820]  }
0x13d: {  	[tilespmem:s7+$0x14440] =	vst v8;
	v8 =	vld [tilespmem:s7+$0xA830];
	v4 =	vmul.f32 $2.262741660e+01, v4  }
0x13e: {  	[tilespmem:s7+$0x14450] =	vst v9;
	v9 =	vld [tilespmem:s7+$0xA840];
	v3 =	vmul.f32 $2.262741660e+01, v3  }
0x13f: {  	[tilespmem:s7+$0x14460] =	vst v4;
	v4 =	vld [tilespmem:s7+$0xA850];
	v5 =	vmul.f32 $2.262741660e+01, v5  }
0x140: {  	v6 =	vmul.f32 $2.262741660e+01, v6;
	[tilespmem:s7+$0x14470] =	vst v3;
	v3 =	vld [tilespmem:s7+$0xA860]  }
0x141: {  	v7 =	vmul.f32 $2.262741660e+01, v7;
	[tilespmem:s7+$0x14800] =	vst v5;
	v5 =	vld [tilespmem:s7+$0xA870]  }
0x142: {  	v10 =	vld [tilespmem:s7+$0xAC60];
	v8 =	vmul.f32 $2.262741660e+01, v8;
	[tilespmem:s7+$0x14810] =	vst v6  }
0x143: {  	v9 =	vmul.f32 $2.262741660e+01, v9;
	v6 =	vld [tilespmem:s7+$0xAC00];
	[tilespmem:s7+$0x14820] =	vst v7  }
0x144: {  	v7 =	vld [tilespmem:s7+$0xAC10];
	[tilespmem:s7+$0x14830] =	vst v8;
	v4 =	vmul.f32 $2.262741660e+01, v4  }
0x145: {  	v8 =	vld [tilespmem:s7+$0xAC20];
	[tilespmem:s7+$0x14840] =	vst v9;
	v3 =	vmul.f32 $2.262741660e+01, v3  }
0x146: {  	s21 =	simm.s32 $0x200;
	s9 =	simm.s32 $0x80;
	v9 =	vld [tilespmem:s7+$0xAC30];
	[tilespmem:s7+$0x14850] =	vst v4;
	v5 =	vmul.f32 $2.262741660e+01, v5  }
0x147: {  	s9 =	sand.u32 $0x380, s9;
	s6 =	sand.u32 $0x7000, s21;
	v4 =	vld [tilespmem:s7+$0xAC40];
	[tilespmem:s7+$0x14860] =	vst v3  }
0x148: {  	s20 =	sor.u32 s9, s6;
	v3 =	vld [tilespmem:s7+$0xAC50];
	[tilespmem:s7+$0x14870] =	vst v5;
	v5 =	vmul.f32 $2.262741660e+01, v6  }
0x149: {  	v7 =	vmul.f32 $2.262741660e+01, v7;
	v6 =	vld [tilespmem:s20+$0xAC70]  }
0x14a: {  	v8 =	vmul.f32 $2.262741660e+01, v8;
	v11 =	vld [tilespmem:s20+$0xA000];
	[tilespmem:s7+$0x14C00] =	vst v5  }
0x14b: {  	v9 =	vmul.f32 $2.262741660e+01, v9;
	v5 =	vld [tilespmem:s20+$0xA010];
	[tilespmem:s7+$0x14C10] =	vst v7  }
0x14c: {  	v4 =	vmul.f32 $2.262741660e+01, v4;
	v7 =	vld [tilespmem:s20+$0xA020];
	[tilespmem:s7+$0x14C20] =	vst v8  }
0x14d: {  	v8 =	vld [tilespmem:s20+$0xA030];
	[tilespmem:s7+$0x14C30] =	vst v9;
	v3 =	vmul.f32 $2.262741660e+01, v3  }
0x14e: {  	v9 =	vld [tilespmem:s20+$0xA040];
	[tilespmem:s7+$0x14C40] =	vst v4;
	v6 =	vmul.f32 $2.262741660e+01, v6  }
0x14f: {  	v4 =	vld [tilespmem:s20+$0xA050];
	[tilespmem:s7+$0x14C50] =	vst v3;
	v3 =	vmul.f32 $2.262741660e+01, v11  }
0x150: {  	v11 =	vld [tilespmem:s20+$0xA060];
	[tilespmem:s20+$0x14C70] =	vst v6;
	v5 =	vmul.f32 $2.262741660e+01, v5  }
0x151: {  	[tilespmem:s20+$0x14000] =	vst v3;
	v3 =	vld [tilespmem:s20+$0xA070];
	v6 =	vmul.f32 $2.262741660e+01, v7  }
0x152: {  	[tilespmem:s20+$0x14010] =	vst v5;
	v5 =	vld [tilespmem:s20+$0xA400];
	v7 =	vmul.f32 $2.262741660e+01, v8  }
0x153: {  	[tilespmem:s20+$0x14020] =	vst v6;
	v6 =	vld [tilespmem:s20+$0xA410];
	v8 =	vmul.f32 $2.262741660e+01, v9  }
0x154: {  	[tilespmem:s20+$0x14030] =	vst v7;
	v7 =	vld [tilespmem:s20+$0xA420];
	v4 =	vmul.f32 $2.262741660e+01, v4  }
0x155: {  	[tilespmem:s20+$0x14040] =	vst v8;
	v8 =	vld [tilespmem:s20+$0xA430];
	v9 =	vmul.f32 $2.262741660e+01, v11  }
0x156: {  	[tilespmem:s20+$0x14050] =	vst v4;
	v4 =	vld [tilespmem:s20+$0xA440];
	v3 =	vmul.f32 $2.262741660e+01, v3  }
0x157: {  	[tilespmem:s20+$0x14060] =	vst v9;
	v9 =	vld [tilespmem:s20+$0xA450];
	v5 =	vmul.f32 $2.262741660e+01, v5  }
0x158: {  	[tilespmem:s20+$0x14070] =	vst v3;
	v3 =	vld [tilespmem:s20+$0xA460];
	v6 =	vmul.f32 $2.262741660e+01, v6  }
0x159: {  	[tilespmem:s20+$0x14400] =	vst v5;
	v5 =	vld [tilespmem:s20+$0xA470];
	v7 =	vmul.f32 $2.262741660e+01, v7  }
0x15a: {  	[tilespmem:s20+$0x14410] =	vst v6;
	v6 =	vld [tilespmem:s20+$0xA800];
	v8 =	vmul.f32 $2.262741660e+01, v8  }
0x15b: {  	[tilespmem:s20+$0x14420] =	vst v7;
	v7 =	vld [tilespmem:s20+$0xA810];
	v4 =	vmul.f32 $2.262741660e+01, v4  }
0x15c: {  	[tilespmem:s20+$0x14430] =	vst v8;
	v8 =	vld [tilespmem:s20+$0xA820];
	v9 =	vmul.f32 $2.262741660e+01, v9  }
0x15d: {  	v11 =	vld [tilespmem:s20+$0xA830];
	[tilespmem:s20+$0x14440] =	vst v4;
	v3 =	vmul.f32 $2.262741660e+01, v3  }
0x15e: {  	[tilespmem:s20+$0x14450] =	vst v9;
	v9 =	vld [tilespmem:s20+$0xA840];
	v4 =	vmul.f32 $2.262741660e+01, v5  }
0x15f: {  	[tilespmem:s20+$0x14460] =	vst v3;
	v3 =	vld [tilespmem:s20+$0xA850];
	v5 =	vmul.f32 $2.262741660e+01, v6  }
0x160: {  	v6 =	vld [tilespmem:s20+$0xA860];
	[tilespmem:s20+$0x14470] =	vst v4;
	v4 =	vmul.f32 $2.262741660e+01, v7  }
0x161: {  	v12 =	vld [tilespmem:s20+$0xA870];
	[tilespmem:s20+$0x14800] =	vst v5;
	v5 =	vmul.f32 $2.262741660e+01, v8  }
0x162: {  	v7 =	vld [tilespmem:s20+$0xAC10];
	v8 =	vmul.f32 $2.262741660e+01, v11;
	[tilespmem:s20+$0x14810] =	vst v4  }
0x163: {  	v4 =	vld [tilespmem:s20+$0xAC00];
	[tilespmem:s20+$0x14820] =	vst v5;
	v5 =	vmul.f32 $2.262741660e+01, v9  }
0x164: {  	[tilespmem:s20+$0x14830] =	vst v8;
	v8 =	vld [tilespmem:s20+$0xAC20];
	v3 =	vmul.f32 $2.262741660e+01, v3  }
0x165: {  	v9 =	vmul.f32 $2.262741660e+01, v6;
	[tilespmem:s20+$0x14840] =	vst v5;
	v5 =	vld [tilespmem:s20+$0xAC30]  }
0x166: {  	s22 =	simm.s32 $0x400;
	s9 =	simm.s32 $0x100;
	v6 =	vld [tilespmem:s20+$0xAC40];
	[tilespmem:s20+$0x14850] =	vst v3;
	v3 =	vmul.f32 $2.262741660e+01, v10;
	v10 =	vmul.f32 $2.262741660e+01, v12  }
0x167: {  	s11 =	simm.s32 $0x600;
	s6 =	sand.u32 $0x7000, s22;
	s12 =	sand.u32 $0x380, s9;
	[tilespmem:s20+$0x14860] =	vst v9;
	v9 =	vld [tilespmem:s20+$0xAC50]  }
.LBB2_4:
0x168: {  	p0 =	sne.s32 s11, $0x4E00;
	s6 =	sor.u32 s12, s6;
	[tilespmem:s20+$0x14870] =	vst v10;
	v4 =	vmul.f32 $2.262741660e+01, v4;
	v7 =	vmul.f32 $2.262741660e+01, v7;
	v10 =	vld [tilespmem:s20+$0xAC60]  }
0x169: {  	v11 =	vld [tilespmem:s6+$0xAC70];
	v8 =	vmul.f32 $2.262741660e+01, v8;
	[tilespmem:s7+$0x14C60] =	vst v3;
	s7 =	smov.u32 s20;
	s20 =	smov.u32 s6  }
0x16a: {  	v12 =	vld [tilespmem:s20+$0xA000];
	[tilespmem:s7+$0x14C00] =	vst v4;
	v3 =	vmul.f32 $2.262741660e+01, v5  }
0x16b: {  	v4 =	vld [tilespmem:s20+$0xA010];
	[tilespmem:s7+$0x14C10] =	vst v7;
	v5 =	vmul.f32 $2.262741660e+01, v6  }
0x16c: {  	v6 =	vld [tilespmem:s20+$0xA020];
	[tilespmem:s7+$0x14C20] =	vst v8;
	v7 =	vmul.f32 $2.262741660e+01, v9  }
0x16d: {  	v8 =	vld [tilespmem:s20+$0xA030];
	[tilespmem:s7+$0x14C30] =	vst v3;
	v3 =	vmul.f32 $2.262741660e+01, v10  }
0x16e: {  	v9 =	vld [tilespmem:s20+$0xA040];
	v10 =	vmul.f32 $2.262741660e+01, v11;
	[tilespmem:s7+$0x14C40] =	vst v5  }
0x16f: {  	v5 =	vmul.f32 $2.262741660e+01, v12;
	v11 =	vld [tilespmem:s20+$0xA050];
	[tilespmem:s7+$0x14C50] =	vst v7  }
0x170: {  	v4 =	vmul.f32 $2.262741660e+01, v4;
	v7 =	vld [tilespmem:s20+$0xA060];
	[tilespmem:s20+$0x14C70] =	vst v10  }
0x171: {  	[tilespmem:s20+$0x14000] =	vst v5;
	v5 =	vmul.f32 $2.262741660e+01, v6;
	v6 =	vld [tilespmem:s20+$0xA070]  }
0x172: {  	[tilespmem:s20+$0x14010] =	vst v4;
	v4 =	vmul.f32 $2.262741660e+01, v8;
	v8 =	vld [tilespmem:s20+$0xA400]  }
0x173: {  	[tilespmem:s20+$0x14020] =	vst v5;
	v5 =	vmul.f32 $2.262741660e+01, v9;
	v9 =	vld [tilespmem:s20+$0xA410]  }
0x174: {  	[tilespmem:s20+$0x14030] =	vst v4;
	v4 =	vmul.f32 $2.262741660e+01, v11;
	v10 =	vld [tilespmem:s20+$0xA420]  }
0x175: {  	[tilespmem:s20+$0x14040] =	vst v5;
	v5 =	vmul.f32 $2.262741660e+01, v7;
	v7 =	vld [tilespmem:s20+$0xA430]  }
0x176: {  	[tilespmem:s20+$0x14050] =	vst v4;
	v4 =	vmul.f32 $2.262741660e+01, v6;
	v6 =	vld [tilespmem:s20+$0xA440]  }
0x177: {  	[tilespmem:s20+$0x14060] =	vst v5;
	v5 =	vmul.f32 $2.262741660e+01, v8;
	v8 =	vld [tilespmem:s20+$0xA450]  }
0x178: {  	[tilespmem:s20+$0x14070] =	vst v4;
	v4 =	vmul.f32 $2.262741660e+01, v9;
	v9 =	vld [tilespmem:s20+$0xA460]  }
0x179: {  	[tilespmem:s20+$0x14400] =	vst v5;
	v5 =	vmul.f32 $2.262741660e+01, v10;
	v10 =	vld [tilespmem:s20+$0xA470]  }
0x17a: {  	[tilespmem:s20+$0x14410] =	vst v4;
	v4 =	vmul.f32 $2.262741660e+01, v7;
	v7 =	vld [tilespmem:s20+$0xA800]  }
0x17b: {  	[tilespmem:s20+$0x14420] =	vst v5;
	v5 =	vmul.f32 $2.262741660e+01, v6;
	v6 =	vld [tilespmem:s20+$0xA810]  }
0x17c: {  	[tilespmem:s20+$0x14430] =	vst v4;
	v4 =	vmul.f32 $2.262741660e+01, v8;
	v8 =	vld [tilespmem:s20+$0xA820]  }
0x17d: {  	[tilespmem:s20+$0x14440] =	vst v5;
	v5 =	vmul.f32 $2.262741660e+01, v9;
	v9 =	vld [tilespmem:s20+$0xA830]  }
0x17e: {  	[tilespmem:s20+$0x14450] =	vst v4;
	v4 =	vmul.f32 $2.262741660e+01, v10;
	v10 =	vld [tilespmem:s20+$0xA840]  }
0x17f: {  	[tilespmem:s20+$0x14460] =	vst v5;
	v5 =	vmul.f32 $2.262741660e+01, v7;
	v11 =	vld [tilespmem:s20+$0xA850]  }
0x180: {  	[tilespmem:s20+$0x14470] =	vst v4;
	v4 =	vmul.f32 $2.262741660e+01, v6;
	v6 =	vld [tilespmem:s20+$0xA860]  }
0x181: {  	[tilespmem:s20+$0x14800] =	vst v5;
	v5 =	vmul.f32 $2.262741660e+01, v8;
	v12 =	vld [tilespmem:s20+$0xA870]  }
0x182: {  	[tilespmem:s20+$0x14810] =	vst v4;
	v8 =	vmul.f32 $2.262741660e+01, v9;
	v4 =	vld [tilespmem:s20+$0xAC00]  }
.Ltmp3:
0x183: {  	[tilespmem:s20+$0x14820] =	vst v5;
	v5 =	vmul.f32 $2.262741660e+01, v10;
	v7 =	vld [tilespmem:s20+$0xAC10];
	(pc) =	sbr.rel @p0 .LBB2_4-.Ltmp3, $4  }
0x184: {  	[tilespmem:s20+$0x14830] =	vst v8;
	v9 =	vmul.f32 $2.262741660e+01, v11;
	v8 =	vld [tilespmem:s20+$0xAC20]  }
0x185: {  	[tilespmem:s20+$0x14840] =	vst v5;
	v11 =	vmul.f32 $2.262741660e+01, v6;
	v5 =	vld [tilespmem:s20+$0xAC30]  }
0x186: {  	s9 =	sadd.s32 $0x80, s9;
	[tilespmem:s20+$0x14850] =	vst v9;
	v10 =	vmul.f32 $2.262741660e+01, v12;
	v6 =	vld [tilespmem:s20+$0xAC40]  }
0x187: {  	s6 =	sand.u32 $0x7000, s11;
	s12 =	sand.u32 $0x380, s9;
	s11 =	sadd.s32 $0x200, s11;
	[tilespmem:s20+$0x14860] =	vst v11;
	v9 =	vld [tilespmem:s20+$0xAC50]  }
0x188: {  	[tilespmem:s20+$0x14870] =	vst v10;
	s6 =	sor.u32 s12, s6;
	v20 =	vld [tilespmem:s20+$0xAC60];
	v4 =	vmul.f32 $2.262741660e+01, v4  }
0x189: {  	v7 =	vmul.f32 $2.262741660e+01, v7;
	v11 =	vld [tilespmem:s6+$0xAC70];
	[tilespmem:s7+$0x14C60] =	vst v3  }
0x18a: {  	v8 =	vmul.f32 $2.262741660e+01, v8;
	v3 =	vld [tilespmem:s6+$0xA000];
	[tilespmem:s20+$0x14C00] =	vst v4  }
0x18b: {  	v5 =	vmul.f32 $2.262741660e+01, v5;
	v4 =	vld [tilespmem:s6+$0xA010];
	[tilespmem:s20+$0x14C10] =	vst v7  }
0x18c: {  	v6 =	vmul.f32 $2.262741660e+01, v6;
	v7 =	vld [tilespmem:s6+$0xA020];
	[tilespmem:s20+$0x14C20] =	vst v8  }
0x18d: {  	v9 =	vmul.f32 $2.262741660e+01, v9;
	v8 =	vld [tilespmem:s6+$0xA030];
	[tilespmem:s20+$0x14C30] =	vst v5  }
0x18e: {  	v5 =	vld [tilespmem:s6+$0xA040];
	[tilespmem:s20+$0x14C40] =	vst v6;
	v21 =	vmul.f32 $2.262741660e+01, v11  }
0x18f: {  	v22 =	vld [tilespmem:s6+$0xA050];
	v3 =	vmul.f32 $2.262741660e+01, v3;
	[tilespmem:s20+$0x14C50] =	vst v9  }
0x190: {  	v4 =	vmul.f32 $2.262741660e+01, v4;
	v9 =	vld [tilespmem:s6+$0xA060];
	[tilespmem:s6+$0x14C70] =	vst v21  }
0x191: {  	v23 =	vld [tilespmem:s6+$0xA070];
	[tilespmem:s6+$0x14000] =	vst v3;
	v3 =	vmul.f32 $2.262741660e+01, v7  }
0x192: {  	v26 =	vld [tilespmem:s6+$0xA410];
	[tilespmem:s6+$0x14010] =	vst v4;
	v24 =	vmul.f32 $2.262741660e+01, v8  }
0x193: {  	v29 =	vld [tilespmem:s6+$0xA430];
	[tilespmem:s6+$0x14020] =	vst v3;
	v3 =	vmul.f32 $2.262741660e+01, v5  }
0x194: {  	v25 =	vld [tilespmem:s6+$0xA400];
	[tilespmem:s6+$0x14030] =	vst v24;
	v27 =	vmul.f32 $2.262741660e+01, v22  }
0x195: {  	v32 =	vld [tilespmem:s6+$0xA450];
	[tilespmem:s6+$0x14040] =	vst v3;
	v3 =	vmul.f32 $2.262741660e+01, v9  }
0x196: {  	v28 =	vld [tilespmem:s6+$0xA420];
	v30 =	vmul.f32 $2.262741660e+01, v23;
	[tilespmem:s6+$0x14050] =	vst v27  }
0x197: {  	v35 =	vld [tilespmem:s6+$0xA470];
	v33 =	vmul.f32 $2.262741660e+01, v26;
	[tilespmem:s6+$0x14060] =	vst v3  }
0x198: {  	v31 =	vld [tilespmem:s6+$0xA440];
	v36 =	vmul.f32 $2.262741660e+01, v29;
	[tilespmem:s6+$0x14070] =	vst v30  }
0x199: {  	v38 =	vld [tilespmem:s6+$0xA810];
	v3 =	vmul.f32 $2.262741660e+01, v25;
	[tilespmem:s6+$0x14410] =	vst v33  }
0x19a: {  	v34 =	vld [tilespmem:s6+$0xA460];
	v39 =	vmul.f32 $2.262741660e+01, v32;
	[tilespmem:s6+$0x14430] =	vst v36  }
0x19b: {  	v41 =	vld [tilespmem:s6+$0xA830];
	[tilespmem:s6+$0x14400] =	vst v3;
	v3 =	vmul.f32 $2.262741660e+01, v28  }
0x19c: {  	v37 =	vld [tilespmem:s6+$0xA800];
	v42 =	vmul.f32 $2.262741660e+01, v35;
	[tilespmem:s6+$0x14450] =	vst v39  }
0x19d: {  	v44 =	vld [tilespmem:s6+$0xA850];
	[tilespmem:s6+$0x14420] =	vst v3;
	v3 =	vmul.f32 $2.262741660e+01, v31  }
0x19e: {  	v40 =	vld [tilespmem:s6+$0xA820];
	v45 =	vmul.f32 $2.262741660e+01, v38;
	[tilespmem:s6+$0x14470] =	vst v42  }
0x19f: {  	v47 =	vld [tilespmem:s6+$0xA870];
	[tilespmem:s6+$0x14440] =	vst v3;
	v3 =	vmul.f32 $2.262741660e+01, v34  }
0x1a0: {  	v43 =	vld [tilespmem:s6+$0xA840];
	v48 =	vmul.f32 $2.262741660e+01, v41;
	[tilespmem:s6+$0x14810] =	vst v45  }
0x1a1: {  	v49 =	vld [tilespmem:s6+$0xAC00];
	[tilespmem:s6+$0x14460] =	vst v3;
	v3 =	vmul.f32 $2.262741660e+01, v37  }
0x1a2: {  	v46 =	vld [tilespmem:s6+$0xA860];
	v51 =	vmul.f32 $2.262741660e+01, v44;
	[tilespmem:s6+$0x14830] =	vst v48  }
0x1a3: {  	v50 =	vld [tilespmem:s6+$0xAC10];
	[tilespmem:s6+$0x14800] =	vst v3;
	v3 =	vmul.f32 $2.262741660e+01, v40  }
0x1a4: {  	v52 =	vld [tilespmem:s6+$0xAC20];
	v54 =	vmul.f32 $2.262741660e+01, v47;
	[tilespmem:s6+$0x14850] =	vst v51  }
0x1a5: {  	[tilespmem:s6+$0x14820] =	vst v3;
	v3 =	vmul.f32 $2.262741660e+01, v43  }
0x1a6: {  	v53 =	vld [tilespmem:s6+$0xAC30];
	v56 =	vmul.f32 $2.262741660e+01, v49;
	[tilespmem:s6+$0x14870] =	vst v54  }
0x1a7: {  	v55 =	vld [tilespmem:s6+$0xAC40];
	[tilespmem:s6+$0x14840] =	vst v3;
	v3 =	vmul.f32 $2.262741660e+01, v46  }
0x1a8: {  	v57 =	vld [tilespmem:s6+$0xAC60];
	v8 =	vmul.f32 $2.262741660e+01, v50;
	[tilespmem:s6+$0x14C00] =	vst v56  }
0x1a9: {  	v9 =	vmul.f32 $2.262741660e+01, v52;
	[tilespmem:s6+$0x14860] =	vst v3;
	v3 =	vld [tilespmem:s6+$0xAC50]  }
0x1aa: {  	v10 =	vmul.f32 $2.262741660e+01, v20;
	[tilespmem:s6+$0x14C10] =	vst v8  }
0x1ab: {  	v58 =	vmul.f32 $2.262741660e+01, v53;
	[tilespmem:s6+$0x14C20] =	vst v9  }
0x1ac: {  	v59 =	vmul.f32 $2.262741660e+01, v55;
	[tilespmem:s20+$0x14C60] =	vst v10  }
0x1ad: {  	v60 =	vmul.f32 $2.262741660e+01, v57;
	[tilespmem:s6+$0x14C30] =	vst v58  }
0x1ae: {  	[tilespmem:s6+$0x14C40] =	vst v59;
	v3 =	vmul.f32 $2.262741660e+01, v3  }
0x1af: {  	[tilespmem:s6+$0x14C60] =	vst v60  }
0x1b0: {  	s22 =	rddreg [dreg:$0x6];
	[tilespmem:s6+$0x14C50] =	vst v3  }
0x1b1: {  	[hbm4b:s22+s4] =	stream.linear.scatter [tilespmem:s16], [sflag:$0x4], $0x5000, $0x38;
	[tilespmem:$0x19000] =	vst v63  }
0x1b2: {  	v3 =	vld [tilespmem:$0x180];
	_ =	sdelay $0x4  }
0x1b3: {  	v61 =	vshll.u32 v3, $0x2  }
0x1b4: {  	v3 =	vand.u32 $0x7, v3;
	v4 =	vand.u32 $0xFFFFFFE0, v61  }
0x1b5: {  	v3 =	vor.u32 v3, v4  }
0x1b6: {  	v4 =	vperm.xlane v3, v0;
	_ =	sdelay $0x1  }
0x1b7: {  	v4 =	vadd.s32 v1, v4;
	_ =	sdelay $0x1  }
0x1b8: {  	v3 =	vperm.xlane v3, v2;
	_ =	sdelay $0x1  }
0x1b9: {  	v3 =	vadd.s32 v1, v3  }
0x1ba: {  	[tilespmem:s23], [sflag:$0x2] =	stream.indirect_vreg.gather [hbm4b:s1+s4], $0x80, v4, vm0, $0xb8;
	[tilespmem:$0x19000] =	vst v63  }
0x1bb: {  	_ = 	snop  }
0x1bc: {  	[tilespmem:s24], [sflag:$0x2] =	stream.indirect_vreg.gather [hbm4b:s8+s4], $0x80, v4, vm0, $0xb8;
	[tilespmem:$0x19000] =	vst v63  }
0x1bd: {  	_ = 	snop  }
0x1be: {  	[tilespmem:s25], [sflag:$0x2] =	stream.indirect_vreg.gather [hbm4b:s1+s4], $0x80, v3, vm0, $0xb8;
	[tilespmem:$0x19000] =	vst v63  }
0x1bf: {  	_ = 	snop  }
0x1c0: {  	[tilespmem:s26], [sflag:$0x2] =	stream.indirect_vreg.gather [hbm4b:s8+s4], $0x80, v3, vm0, $0xb8;
	[tilespmem:$0x19000] =	vst v63  }
0x1c1: {  	v3 =	vld [tilespmem:$0x190];
	_ =	sdelay $0x4  }
0x1c2: {  	v62 =	vshll.u32 v3, $0x2  }
0x1c3: {  	v3 =	vand.u32 $0x7, v3;
	v4 =	vand.u32 $0xFFFFFFE0, v62  }
0x1c4: {  	v3 =	vor.u32 v3, v4  }
0x1c5: {  	v4 =	vperm.xlane v3, v0;
	_ =	sdelay $0x1  }
0x1c6: {  	v4 =	vadd.s32 v1, v4;
	_ =	sdelay $0x1  }
0x1c7: {  	v3 =	vperm.xlane v3, v2;
	_ =	sdelay $0x1  }
0x1c8: {  	v3 =	vadd.s32 v1, v3  }
0x1c9: {  	[tilespmem:s28], [sflag:$0x2] =	stream.indirect_vreg.gather [hbm4b:s1+s4], $0x80, v4, vm0, $0xb8;
	[tilespmem:$0x19000] =	vst v63  }
0x1ca: {  	_ = 	snop  }
0x1cb: {  	[tilespmem:s29], [sflag:$0x2] =	stream.indirect_vreg.gather [hbm4b:s8+s4], $0x80, v4, vm0, $0xb8;
	[tilespmem:$0x19000] =	vst v63  }
0x1cc: {  	_ = 	snop  }
0x1cd: {  	[tilespmem:s30], [sflag:$0x2] =	stream.indirect_vreg.gather [hbm4b:s1+s4], $0x80, v3, vm0, $0xb8;
	[tilespmem:$0x19000] =	vst v63  }
0x1ce: {  	_ = 	snop  }
0x1cf: {  	[tilespmem:s31], [sflag:$0x2] =	stream.indirect_vreg.gather [hbm4b:s8+s4], $0x80, v3, vm0, $0xb8;
	[tilespmem:$0x19000] =	vst v63  }
0x1d0: {  	v3 =	vld.msk [tilespmem:$0x1A0], $0xff;
	_ =	sdelay $0x4  }
0x1d1: {  	v63 =	vshll.u32 v3, $0x2  }
0x1d2: {  	v3 =	vand.u32 $0x7, v3;
	v4 =	vand.u32 $0xFFFFFFE0, v63  }
0x1d3: {  	v3 =	vor.u32 v3, v4  }
0x1d4: {  	v3 =	vperm.xlane v3, v0;
	_ =	sdelay $0x1  }
0x1d5: {  	v3 =	vadd.s32 v1, v3;
	_ =	sdelay $0x4  }
0x1d6: {  	[tilespmem:s2], [sflag:$0x2] =	stream.indirect_vreg.gather [hbm4b:s1+s4], $0x80, v3, vm0, $0xb8;
	[tilespmem:$0x19000] =	vst v63  }
0x1d7: {  	s20 =	simm.s32 $0x1  }
0x1d8: {  	[tilespmem:s0], [sflag:$0x2] =	stream.indirect_vreg.gather [hbm4b:s8+s4], $0x80, v3, vm0, $0xb8;
	[tilespmem:$0x19000] =	vst v63  }
.LBB2_6:
0x1d9: {  	_ =	swait.ge [sflag:s13], $0x5000  }
0x1da: {  	[sflag:s13] =	ssyncset.done $0x0  }
0x1db: {  	[sflag:s13] =	ssyncadd.s32 $0xFFFFB000  }
0x1dc: {  	s6 =	simm.s32 $0x0;
	_ =	swait.ge [sflag:s17], $0x5000  }
0x1dd: {  	s7 =	sand.u32 $0x7000, s6;
	s6 =	sand.u32 $0x380, s6;
	[sflag:s17] =	ssyncset.done $0x0  }
0x1de: {  	s7 =	sor.u32 s6, s7;
	[sflag:s17] =	ssyncadd.s32 $0xFFFFB000  }
0x1df: {  	v3 =	vld [tilespmem:s7+$0x5C70]  }
0x1e0: {  	v4 =	vld [tilespmem:s7+$0x5000]  }
0x1e1: {  	v5 =	vld [tilespmem:s7+$0x5010]  }
0x1e2: {  	v6 =	vld [tilespmem:s7+$0x5020]  }
0x1e3: {  	v7 =	vld [tilespmem:s7+$0x5030]  }
0x1e4: {  	v8 =	vld [tilespmem:s7+$0x5040];
	v3 =	vmul.f32 $2.262741660e+01, v3  }
0x1e5: {  	v9 =	vld [tilespmem:s7+$0x5050];
	v4 =	vmul.f32 $2.262741660e+01, v4  }
0x1e6: {  	v10 =	vld [tilespmem:s7+$0x5060];
	[tilespmem:s7+$0xFC70] =	vst v3;
	v3 =	vmul.f32 $2.262741660e+01, v5  }
0x1e7: {  	[tilespmem:s7+$0xF000] =	vst v4;
	v4 =	vld [tilespmem:s7+$0x5070];
	v5 =	vmul.f32 $2.262741660e+01, v6  }
0x1e8: {  	v6 =	vmul.f32 $2.262741660e+01, v7;
	[tilespmem:s7+$0xF010] =	vst v3;
	v3 =	vld [tilespmem:s7+$0x5400]  }
0x1e9: {  	v7 =	vmul.f32 $2.262741660e+01, v8;
	[tilespmem:s7+$0xF020] =	vst v5;
	v5 =	vld [tilespmem:s7+$0x5410]  }
0x1ea: {  	v8 =	vmul.f32 $2.262741660e+01, v9;
	[tilespmem:s7+$0xF030] =	vst v6;
	v6 =	vld [tilespmem:s7+$0x5420]  }
0x1eb: {  	v9 =	vmul.f32 $2.262741660e+01, v10;
	[tilespmem:s7+$0xF040] =	vst v7;
	v7 =	vld [tilespmem:s7+$0x5430]  }
0x1ec: {  	[tilespmem:s7+$0xF050] =	vst v8;
	v8 =	vld [tilespmem:s7+$0x5440];
	v4 =	vmul.f32 $2.262741660e+01, v4  }
0x1ed: {  	[tilespmem:s7+$0xF060] =	vst v9;
	v9 =	vld [tilespmem:s7+$0x5450];
	v3 =	vmul.f32 $2.262741660e+01, v3  }
0x1ee: {  	[tilespmem:s7+$0xF070] =	vst v4;
	v4 =	vld [tilespmem:s7+$0x5460];
	v5 =	vmul.f32 $2.262741660e+01, v5  }
0x1ef: {  	v6 =	vmul.f32 $2.262741660e+01, v6;
	[tilespmem:s7+$0xF400] =	vst v3;
	v3 =	vld [tilespmem:s7+$0x5470]  }
0x1f0: {  	v7 =	vmul.f32 $2.262741660e+01, v7;
	[tilespmem:s7+$0xF410] =	vst v5;
	v5 =	vld [tilespmem:s7+$0x5800]  }
0x1f1: {  	v8 =	vmul.f32 $2.262741660e+01, v8;
	[tilespmem:s7+$0xF420] =	vst v6;
	v6 =	vld [tilespmem:s7+$0x5810]  }
0x1f2: {  	v9 =	vmul.f32 $2.262741660e+01, v9;
	[tilespmem:s7+$0xF430] =	vst v7;
	v7 =	vld [tilespmem:s7+$0x5820]  }
0x1f3: {  	[tilespmem:s7+$0xF440] =	vst v8;
	v8 =	vld [tilespmem:s7+$0x5830];
	v4 =	vmul.f32 $2.262741660e+01, v4  }
0x1f4: {  	[tilespmem:s7+$0xF450] =	vst v9;
	v9 =	vld [tilespmem:s7+$0x5840];
	v3 =	vmul.f32 $2.262741660e+01, v3  }
0x1f5: {  	[tilespmem:s7+$0xF460] =	vst v4;
	v4 =	vld [tilespmem:s7+$0x5850];
	v5 =	vmul.f32 $2.262741660e+01, v5  }
0x1f6: {  	v6 =	vmul.f32 $2.262741660e+01, v6;
	[tilespmem:s7+$0xF470] =	vst v3;
	v3 =	vld [tilespmem:s7+$0x5860]  }
0x1f7: {  	v7 =	vmul.f32 $2.262741660e+01, v7;
	[tilespmem:s7+$0xF800] =	vst v5;
	v5 =	vld [tilespmem:s7+$0x5870]  }
0x1f8: {  	v10 =	vld [tilespmem:s7+$0x5C60];
	v8 =	vmul.f32 $2.262741660e+01, v8;
	[tilespmem:s7+$0xF810] =	vst v6  }
0x1f9: {  	v9 =	vmul.f32 $2.262741660e+01, v9;
	v6 =	vld [tilespmem:s7+$0x5C00];
	[tilespmem:s7+$0xF820] =	vst v7  }
0x1fa: {  	v7 =	vld [tilespmem:s7+$0x5C10];
	[tilespmem:s7+$0xF830] =	vst v8;
	v4 =	vmul.f32 $2.262741660e+01, v4  }
0x1fb: {  	v8 =	vld [tilespmem:s7+$0x5C20];
	[tilespmem:s7+$0xF840] =	vst v9;
	v3 =	vmul.f32 $2.262741660e+01, v3  }
0x1fc: {  	s21 =	simm.s32 $0x200;
	s9 =	simm.s32 $0x80;
	v9 =	vld [tilespmem:s7+$0x5C30];
	[tilespmem:s7+$0xF850] =	vst v4;
	v5 =	vmul.f32 $2.262741660e+01, v5  }
0x1fd: {  	s9 =	sand.u32 $0x380, s9;
	s6 =	sand.u32 $0x7000, s21;
	v4 =	vld [tilespmem:s7+$0x5C40];
	[tilespmem:s7+$0xF860] =	vst v3  }
0x1fe: {  	s21 =	sor.u32 s9, s6;
	v3 =	vld [tilespmem:s7+$0x5C50];
	[tilespmem:s7+$0xF870] =	vst v5;
	v5 =	vmul.f32 $2.262741660e+01, v6  }
0x1ff: {  	v7 =	vmul.f32 $2.262741660e+01, v7;
	v6 =	vld [tilespmem:s21+$0x5C70]  }
0x200: {  	v8 =	vmul.f32 $2.262741660e+01, v8;
	v11 =	vld [tilespmem:s21+$0x5000];
	[tilespmem:s7+$0xFC00] =	vst v5  }
0x201: {  	v9 =	vmul.f32 $2.262741660e+01, v9;
	v5 =	vld [tilespmem:s21+$0x5010];
	[tilespmem:s7+$0xFC10] =	vst v7  }
0x202: {  	v4 =	vmul.f32 $2.262741660e+01, v4;
	v7 =	vld [tilespmem:s21+$0x5020];
	[tilespmem:s7+$0xFC20] =	vst v8  }
0x203: {  	v8 =	vld [tilespmem:s21+$0x5030];
	[tilespmem:s7+$0xFC30] =	vst v9;
	v3 =	vmul.f32 $2.262741660e+01, v3  }
0x204: {  	v9 =	vld [tilespmem:s21+$0x5040];
	[tilespmem:s7+$0xFC40] =	vst v4;
	v6 =	vmul.f32 $2.262741660e+01, v6  }
0x205: {  	v4 =	vld [tilespmem:s21+$0x5050];
	[tilespmem:s7+$0xFC50] =	vst v3;
	v3 =	vmul.f32 $2.262741660e+01, v11  }
0x206: {  	v11 =	vld [tilespmem:s21+$0x5060];
	[tilespmem:s21+$0xFC70] =	vst v6;
	v5 =	vmul.f32 $2.262741660e+01, v5  }
0x207: {  	[tilespmem:s21+$0xF000] =	vst v3;
	v3 =	vld [tilespmem:s21+$0x5070];
	v6 =	vmul.f32 $2.262741660e+01, v7  }
0x208: {  	[tilespmem:s21+$0xF010] =	vst v5;
	v5 =	vld [tilespmem:s21+$0x5400];
	v7 =	vmul.f32 $2.262741660e+01, v8  }
0x209: {  	[tilespmem:s21+$0xF020] =	vst v6;
	v6 =	vld [tilespmem:s21+$0x5410];
	v8 =	vmul.f32 $2.262741660e+01, v9  }
0x20a: {  	[tilespmem:s21+$0xF030] =	vst v7;
	v7 =	vld [tilespmem:s21+$0x5420];
	v4 =	vmul.f32 $2.262741660e+01, v4  }
0x20b: {  	[tilespmem:s21+$0xF040] =	vst v8;
	v8 =	vld [tilespmem:s21+$0x5430];
	v9 =	vmul.f32 $2.262741660e+01, v11  }
0x20c: {  	[tilespmem:s21+$0xF050] =	vst v4;
	v4 =	vld [tilespmem:s21+$0x5440];
	v3 =	vmul.f32 $2.262741660e+01, v3  }
0x20d: {  	[tilespmem:s21+$0xF060] =	vst v9;
	v9 =	vld [tilespmem:s21+$0x5450];
	v5 =	vmul.f32 $2.262741660e+01, v5  }
0x20e: {  	[tilespmem:s21+$0xF070] =	vst v3;
	v3 =	vld [tilespmem:s21+$0x5460];
	v6 =	vmul.f32 $2.262741660e+01, v6  }
0x20f: {  	[tilespmem:s21+$0xF400] =	vst v5;
	v5 =	vld [tilespmem:s21+$0x5470];
	v7 =	vmul.f32 $2.262741660e+01, v7  }
0x210: {  	[tilespmem:s21+$0xF410] =	vst v6;
	v6 =	vld [tilespmem:s21+$0x5800];
	v8 =	vmul.f32 $2.262741660e+01, v8  }
0x211: {  	[tilespmem:s21+$0xF420] =	vst v7;
	v7 =	vld [tilespmem:s21+$0x5810];
	v4 =	vmul.f32 $2.262741660e+01, v4  }
0x212: {  	[tilespmem:s21+$0xF430] =	vst v8;
	v8 =	vld [tilespmem:s21+$0x5820];
	v9 =	vmul.f32 $2.262741660e+01, v9  }
0x213: {  	v11 =	vld [tilespmem:s21+$0x5830];
	[tilespmem:s21+$0xF440] =	vst v4;
	v3 =	vmul.f32 $2.262741660e+01, v3  }
0x214: {  	[tilespmem:s21+$0xF450] =	vst v9;
	v9 =	vld [tilespmem:s21+$0x5840];
	v4 =	vmul.f32 $2.262741660e+01, v5  }
0x215: {  	[tilespmem:s21+$0xF460] =	vst v3;
	v3 =	vld [tilespmem:s21+$0x5850];
	v5 =	vmul.f32 $2.262741660e+01, v6  }
0x216: {  	v6 =	vld [tilespmem:s21+$0x5860];
	[tilespmem:s21+$0xF470] =	vst v4;
	v4 =	vmul.f32 $2.262741660e+01, v7  }
0x217: {  	v12 =	vld [tilespmem:s21+$0x5870];
	[tilespmem:s21+$0xF800] =	vst v5;
	v5 =	vmul.f32 $2.262741660e+01, v8  }
0x218: {  	v7 =	vld [tilespmem:s21+$0x5C10];
	v8 =	vmul.f32 $2.262741660e+01, v11;
	[tilespmem:s21+$0xF810] =	vst v4  }
0x219: {  	v4 =	vld [tilespmem:s21+$0x5C00];
	[tilespmem:s21+$0xF820] =	vst v5;
	v5 =	vmul.f32 $2.262741660e+01, v9  }
0x21a: {  	[tilespmem:s21+$0xF830] =	vst v8;
	v8 =	vld [tilespmem:s21+$0x5C20];
	v3 =	vmul.f32 $2.262741660e+01, v3  }
0x21b: {  	v9 =	vmul.f32 $2.262741660e+01, v6;
	[tilespmem:s21+$0xF840] =	vst v5;
	v5 =	vld [tilespmem:s21+$0x5C30]  }
0x21c: {  	s22 =	simm.s32 $0x400;
	s9 =	simm.s32 $0x100;
	v6 =	vld [tilespmem:s21+$0x5C40];
	[tilespmem:s21+$0xF850] =	vst v3;
	v3 =	vmul.f32 $2.262741660e+01, v10;
	v10 =	vmul.f32 $2.262741660e+01, v12  }
0x21d: {  	s11 =	simm.s32 $0x600;
	s6 =	sand.u32 $0x7000, s22;
	s12 =	sand.u32 $0x380, s9;
	[tilespmem:s21+$0xF860] =	vst v9;
	v9 =	vld [tilespmem:s21+$0x5C50]  }
.LBB2_7:
0x21e: {  	p0 =	sne.s32 s11, $0x4E00;
	s6 =	sor.u32 s12, s6;
	[tilespmem:s21+$0xF870] =	vst v10;
	v4 =	vmul.f32 $2.262741660e+01, v4;
	v7 =	vmul.f32 $2.262741660e+01, v7;
	v10 =	vld [tilespmem:s21+$0x5C60]  }
0x21f: {  	v11 =	vld [tilespmem:s6+$0x5C70];
	v8 =	vmul.f32 $2.262741660e+01, v8;
	[tilespmem:s7+$0xFC60] =	vst v3;
	s7 =	smov.u32 s21;
	s21 =	smov.u32 s6  }
0x220: {  	v12 =	vld [tilespmem:s21+$0x5000];
	[tilespmem:s7+$0xFC00] =	vst v4;
	v3 =	vmul.f32 $2.262741660e+01, v5  }
0x221: {  	v4 =	vld [tilespmem:s21+$0x5010];
	[tilespmem:s7+$0xFC10] =	vst v7;
	v5 =	vmul.f32 $2.262741660e+01, v6  }
0x222: {  	v6 =	vld [tilespmem:s21+$0x5020];
	[tilespmem:s7+$0xFC20] =	vst v8;
	v7 =	vmul.f32 $2.262741660e+01, v9  }
0x223: {  	v8 =	vld [tilespmem:s21+$0x5030];
	[tilespmem:s7+$0xFC30] =	vst v3;
	v3 =	vmul.f32 $2.262741660e+01, v10  }
0x224: {  	v9 =	vld [tilespmem:s21+$0x5040];
	v10 =	vmul.f32 $2.262741660e+01, v11;
	[tilespmem:s7+$0xFC40] =	vst v5  }
0x225: {  	v5 =	vmul.f32 $2.262741660e+01, v12;
	v11 =	vld [tilespmem:s21+$0x5050];
	[tilespmem:s7+$0xFC50] =	vst v7  }
0x226: {  	v4 =	vmul.f32 $2.262741660e+01, v4;
	v7 =	vld [tilespmem:s21+$0x5060];
	[tilespmem:s21+$0xFC70] =	vst v10  }
0x227: {  	[tilespmem:s21+$0xF000] =	vst v5;
	v5 =	vmul.f32 $2.262741660e+01, v6;
	v6 =	vld [tilespmem:s21+$0x5070]  }
0x228: {  	[tilespmem:s21+$0xF010] =	vst v4;
	v4 =	vmul.f32 $2.262741660e+01, v8;
	v8 =	vld [tilespmem:s21+$0x5400]  }
0x229: {  	[tilespmem:s21+$0xF020] =	vst v5;
	v5 =	vmul.f32 $2.262741660e+01, v9;
	v9 =	vld [tilespmem:s21+$0x5410]  }
0x22a: {  	[tilespmem:s21+$0xF030] =	vst v4;
	v4 =	vmul.f32 $2.262741660e+01, v11;
	v10 =	vld [tilespmem:s21+$0x5420]  }
0x22b: {  	[tilespmem:s21+$0xF040] =	vst v5;
	v5 =	vmul.f32 $2.262741660e+01, v7;
	v7 =	vld [tilespmem:s21+$0x5430]  }
0x22c: {  	[tilespmem:s21+$0xF050] =	vst v4;
	v4 =	vmul.f32 $2.262741660e+01, v6;
	v6 =	vld [tilespmem:s21+$0x5440]  }
0x22d: {  	[tilespmem:s21+$0xF060] =	vst v5;
	v5 =	vmul.f32 $2.262741660e+01, v8;
	v8 =	vld [tilespmem:s21+$0x5450]  }
0x22e: {  	[tilespmem:s21+$0xF070] =	vst v4;
	v4 =	vmul.f32 $2.262741660e+01, v9;
	v9 =	vld [tilespmem:s21+$0x5460]  }
0x22f: {  	[tilespmem:s21+$0xF400] =	vst v5;
	v5 =	vmul.f32 $2.262741660e+01, v10;
	v10 =	vld [tilespmem:s21+$0x5470]  }
0x230: {  	[tilespmem:s21+$0xF410] =	vst v4;
	v4 =	vmul.f32 $2.262741660e+01, v7;
	v7 =	vld [tilespmem:s21+$0x5800]  }
0x231: {  	[tilespmem:s21+$0xF420] =	vst v5;
	v5 =	vmul.f32 $2.262741660e+01, v6;
	v6 =	vld [tilespmem:s21+$0x5810]  }
0x232: {  	[tilespmem:s21+$0xF430] =	vst v4;
	v4 =	vmul.f32 $2.262741660e+01, v8;
	v8 =	vld [tilespmem:s21+$0x5820]  }
0x233: {  	[tilespmem:s21+$0xF440] =	vst v5;
	v5 =	vmul.f32 $2.262741660e+01, v9;
	v9 =	vld [tilespmem:s21+$0x5830]  }
0x234: {  	[tilespmem:s21+$0xF450] =	vst v4;
	v4 =	vmul.f32 $2.262741660e+01, v10;
	v10 =	vld [tilespmem:s21+$0x5840]  }
0x235: {  	[tilespmem:s21+$0xF460] =	vst v5;
	v5 =	vmul.f32 $2.262741660e+01, v7;
	v11 =	vld [tilespmem:s21+$0x5850]  }
0x236: {  	[tilespmem:s21+$0xF470] =	vst v4;
	v4 =	vmul.f32 $2.262741660e+01, v6;
	v6 =	vld [tilespmem:s21+$0x5860]  }
0x237: {  	[tilespmem:s21+$0xF800] =	vst v5;
	v5 =	vmul.f32 $2.262741660e+01, v8;
	v12 =	vld [tilespmem:s21+$0x5870]  }
0x238: {  	[tilespmem:s21+$0xF810] =	vst v4;
	v8 =	vmul.f32 $2.262741660e+01, v9;
	v4 =	vld [tilespmem:s21+$0x5C00]  }
.Ltmp4:
0x239: {  	[tilespmem:s21+$0xF820] =	vst v5;
	v5 =	vmul.f32 $2.262741660e+01, v10;
	v7 =	vld [tilespmem:s21+$0x5C10];
	(pc) =	sbr.rel @p0 .LBB2_7-.Ltmp4, $4  }
0x23a: {  	[tilespmem:s21+$0xF830] =	vst v8;
	v9 =	vmul.f32 $2.262741660e+01, v11;
	v8 =	vld [tilespmem:s21+$0x5C20]  }
0x23b: {  	[tilespmem:s21+$0xF840] =	vst v5;
	v11 =	vmul.f32 $2.262741660e+01, v6;
	v5 =	vld [tilespmem:s21+$0x5C30]  }
0x23c: {  	s9 =	sadd.s32 $0x80, s9;
	[tilespmem:s21+$0xF850] =	vst v9;
	v10 =	vmul.f32 $2.262741660e+01, v12;
	v6 =	vld [tilespmem:s21+$0x5C40]  }
0x23d: {  	s6 =	sand.u32 $0x7000, s11;
	s12 =	sand.u32 $0x380, s9;
	s11 =	sadd.s32 $0x200, s11;
	[tilespmem:s21+$0xF860] =	vst v11;
	v9 =	vld [tilespmem:s21+$0x5C50]  }
0x23e: {  	[tilespmem:s21+$0xF870] =	vst v10;
	s6 =	sor.u32 s12, s6;
	v10 =	vld [tilespmem:s21+$0x5C60];
	v4 =	vmul.f32 $2.262741660e+01, v4  }
0x23f: {  	v7 =	vmul.f32 $2.262741660e+01, v7;
	v11 =	vld [tilespmem:s6+$0x5C70];
	[tilespmem:s7+$0xFC60] =	vst v3  }
0x240: {  	v8 =	vmul.f32 $2.262741660e+01, v8;
	v3 =	vld [tilespmem:s6+$0x5000];
	[tilespmem:s21+$0xFC00] =	vst v4  }
0x241: {  	v5 =	vmul.f32 $2.262741660e+01, v5;
	v4 =	vld [tilespmem:s6+$0x5010];
	[tilespmem:s21+$0xFC10] =	vst v7  }
0x242: {  	v6 =	vmul.f32 $2.262741660e+01, v6;
	v7 =	vld [tilespmem:s6+$0x5020];
	[tilespmem:s21+$0xFC20] =	vst v8  }
0x243: {  	v9 =	vmul.f32 $2.262741660e+01, v9;
	v8 =	vld [tilespmem:s6+$0x5030];
	[tilespmem:s21+$0xFC30] =	vst v5  }
0x244: {  	v5 =	vld [tilespmem:s6+$0x5040];
	[tilespmem:s21+$0xFC40] =	vst v6;
	v6 =	vmul.f32 $2.262741660e+01, v11  }
0x245: {  	v11 =	vld [tilespmem:s6+$0x5050];
	v3 =	vmul.f32 $2.262741660e+01, v3;
	[tilespmem:s21+$0xFC50] =	vst v9  }
0x246: {  	v4 =	vmul.f32 $2.262741660e+01, v4;
	v9 =	vld [tilespmem:s6+$0x5060];
	[tilespmem:s6+$0xFC70] =	vst v6  }
0x247: {  	v6 =	vld [tilespmem:s6+$0x5070];
	[tilespmem:s6+$0xF000] =	vst v3;
	v3 =	vmul.f32 $2.262741660e+01, v7  }
0x248: {  	v7 =	vld [tilespmem:s6+$0x5400];
	[tilespmem:s6+$0xF010] =	vst v4;
	v4 =	vmul.f32 $2.262741660e+01, v8  }
0x249: {  	[tilespmem:s6+$0xF020] =	vst v3;
	v3 =	vmul.f32 $2.262741660e+01, v5;
	v5 =	vld [tilespmem:s6+$0x5410]  }
0x24a: {  	v8 =	vld [tilespmem:s6+$0x5420];
	[tilespmem:s6+$0xF030] =	vst v4;
	v4 =	vmul.f32 $2.262741660e+01, v11  }
0x24b: {  	[tilespmem:s6+$0xF040] =	vst v3;
	v3 =	vmul.f32 $2.262741660e+01, v9;
	v9 =	vld [tilespmem:s6+$0x5430]  }
0x24c: {  	[tilespmem:s6+$0xF050] =	vst v4;
	v4 =	vmul.f32 $2.262741660e+01, v6;
	v6 =	vld [tilespmem:s6+$0x5440]  }
0x24d: {  	[tilespmem:s6+$0xF060] =	vst v3;
	v3 =	vmul.f32 $2.262741660e+01, v7;
	v7 =	vld [tilespmem:s6+$0x5450]  }
0x24e: {  	[tilespmem:s6+$0xF070] =	vst v4;
	v4 =	vmul.f32 $2.262741660e+01, v5;
	v5 =	vld [tilespmem:s6+$0x5460]  }
0x24f: {  	[tilespmem:s6+$0xF400] =	vst v3;
	v3 =	vmul.f32 $2.262741660e+01, v8;
	v8 =	vld [tilespmem:s6+$0x5470]  }
0x250: {  	[tilespmem:s6+$0xF410] =	vst v4;
	v4 =	vmul.f32 $2.262741660e+01, v9;
	v9 =	vld [tilespmem:s6+$0x5800]  }
0x251: {  	[tilespmem:s6+$0xF420] =	vst v3;
	v3 =	vmul.f32 $2.262741660e+01, v6;
	v6 =	vld [tilespmem:s6+$0x5810]  }
0x252: {  	[tilespmem:s6+$0xF430] =	vst v4;
	v4 =	vmul.f32 $2.262741660e+01, v7;
	v7 =	vld [tilespmem:s6+$0x5820]  }
0x253: {  	[tilespmem:s6+$0xF440] =	vst v3;
	v3 =	vmul.f32 $2.262741660e+01, v5;
	v5 =	vld [tilespmem:s6+$0x5830]  }
0x254: {  	[tilespmem:s6+$0xF450] =	vst v4;
	v4 =	vmul.f32 $2.262741660e+01, v8;
	v8 =	vld [tilespmem:s6+$0x5840]  }
0x255: {  	[tilespmem:s6+$0xF460] =	vst v3;
	v3 =	vmul.f32 $2.262741660e+01, v9;
	v9 =	vld [tilespmem:s6+$0x5850]  }
0x256: {  	[tilespmem:s6+$0xF470] =	vst v4;
	v4 =	vmul.f32 $2.262741660e+01, v6;
	v6 =	vld [tilespmem:s6+$0x5860]  }
0x257: {  	[tilespmem:s6+$0xF800] =	vst v3;
	v3 =	vmul.f32 $2.262741660e+01, v7;
	v7 =	vld [tilespmem:s6+$0x5870]  }
0x258: {  	[tilespmem:s6+$0xF810] =	vst v4;
	v4 =	vmul.f32 $2.262741660e+01, v5  }
0x259: {  	v5 =	vld [tilespmem:s6+$0x5C00];
	[tilespmem:s6+$0xF820] =	vst v3;
	v3 =	vmul.f32 $2.262741660e+01, v8  }
0x25a: {  	v8 =	vld [tilespmem:s6+$0x5C10];
	[tilespmem:s6+$0xF830] =	vst v4;
	v4 =	vmul.f32 $2.262741660e+01, v9  }
0x25b: {  	v9 =	vld [tilespmem:s6+$0x5C20];
	[tilespmem:s6+$0xF840] =	vst v3;
	v3 =	vmul.f32 $2.262741660e+01, v6  }
0x25c: {  	v6 =	vld [tilespmem:s6+$0x5C30];
	[tilespmem:s6+$0xF850] =	vst v4;
	v4 =	vmul.f32 $2.262741660e+01, v7  }
0x25d: {  	v10 =	vmul.f32 $2.262741660e+01, v10;
	v7 =	vld [tilespmem:s6+$0x5C40];
	[tilespmem:s6+$0xF860] =	vst v3  }
0x25e: {  	v3 =	vld [tilespmem:s6+$0x5C50];
	[tilespmem:s6+$0xF870] =	vst v4;
	v4 =	vmul.f32 $2.262741660e+01, v5  }
0x25f: {  	v5 =	vld [tilespmem:s6+$0x5C60];
	v8 =	vmul.f32 $2.262741660e+01, v8;
	[tilespmem:s21+$0xFC60] =	vst v10  }
0x260: {  	v9 =	vmul.f32 $2.262741660e+01, v9;
	[tilespmem:s6+$0xFC00] =	vst v4  }
0x261: {  	v4 =	vmul.f32 $2.262741660e+01, v6;
	[tilespmem:s6+$0xFC10] =	vst v8  }
0x262: {  	s21 =	smul.u32 $0x50, s20;
	v6 =	vmul.f32 $2.262741660e+01, v7;
	[tilespmem:s6+$0xFC20] =	vst v9  }
0x263: {  	v3 =	vmul.f32 $2.262741660e+01, v3;
	[tilespmem:s6+$0xFC30] =	vst v4  }
0x264: {  	s19 =	sadd.s32 s5, s21;
	v4 =	vmul.f32 $2.262741660e+01, v5;
	[tilespmem:s6+$0xFC40] =	vst v6  }
0x265: {  	s7 =	sshll.u32 s19, $0x6;
	[tilespmem:s6+$0xFC50] =	vst v3  }
0x266: {  	s22 =	sadd.s32 s3, s7;
	[tilespmem:s6+$0xFC60] =	vst v4  }
0x267: {  	[hbm4b:s22+s4] =	stream.linear.scatter [tilespmem:s14], [sflag:$0x3], $0x5000, $0x38;
	[tilespmem:$0x19000] =	vst v63  }
0x268: {  	p0 =	seq.s32 s20, $0x4F;
	s22 =	sshll.u32 s20, $0xA  }
0x269: {  	s6 =	sshrl.u32 @!p0 s22, $0x2  }
0x26a: {  	v3 =	vld @!p0 [tilespmem:s6+$0x100];
	_ =	sdelay $0x4  }
0x26b: {  	v4 =	vshll.u32 @!p0 v3, $0x2  }
0x26c: {  	v5 =	vlaneseq.u32 @!p0;
	v3 =	vand.u32 @!p0 $0x7, v3;
	v4 =	vand.u32 @!p0 $0xFFFFFFE0, v4  }
0x26d: {  	v6 =	vshrl.u32 @!p0 v5, $0x3;
	v3 =	vor.u32 @!p0 v3, v4;
	v4 =	vand.u32 @!p0 $0x7, v5  }
0x26e: {  	v6 =	vmul.u32 @!p0 $0x8, v6;
	v7 =	vperm.xlane @!p0 v3, v4;
	_ =	sdelay $0x1  }
0x26f: {  	v7 =	vadd.s32 @!p0 v6, v7  }
0x270: {  	v5 =	vor.u32 @!p0 $0x8, v5  }
0x271: {  	v3 =	vperm.xlane @!p0 v3, v5;
	_ =	sdelay $0x1  }
0x272: {  	vm1 =	vmmov @!p0 $0xffff;
	s9 =	simm.s32 @!p0 $0x5000;
	s7 =	simm.s32 @!p0 $0x0;
	v3 =	vadd.s32 @!p0 v6, v3  }
0x273: {  	[tilespmem:s9], [sflag:$0x1] =	stream.indirect_vreg.gather @!p0 [hbm4b:s1+s7], $0x80, v7, vm1, $0xb8;
	[tilespmem:$0x19000] =	vst v63  }
0x274: {  	s9 =	simm.s32 @!p0 $0x5800  }
0x275: {  	[tilespmem:s9], [sflag:$0x1] =	stream.indirect_vreg.gather @!p0 [hbm4b:s8+s7], $0x80, v7, vm1, $0xb8;
	[tilespmem:$0x19000] =	vst v63  }
0x276: {  	s9 =	simm.s32 @!p0 $0x6000  }
0x277: {  	[tilespmem:s9], [sflag:$0x1] =	stream.indirect_vreg.gather @!p0 [hbm4b:s1+s7], $0x80, v3, vm1, $0xb8;
	[tilespmem:$0x19000] =	vst v63  }
0x278: {  	s9 =	simm.s32 @!p0 $0x6800  }
0x279: {  	[tilespmem:s9], [sflag:$0x1] =	stream.indirect_vreg.gather @!p0 [hbm4b:s8+s7], $0x80, v3, vm1, $0xb8;
	[tilespmem:$0x19000] =	vst v63  }
0x27a: {  	v3 =	vld @!p0 [tilespmem:s6+$0x110];
	_ =	sdelay $0x4  }
0x27b: {  	v7 =	vshll.u32 @!p0 v3, $0x2  }
0x27c: {  	v3 =	vand.u32 @!p0 $0x7, v3;
	v7 =	vand.u32 @!p0 $0xFFFFFFE0, v7  }
0x27d: {  	v3 =	vor.u32 @!p0 v3, v7  }
0x27e: {  	v7 =	vperm.xlane @!p0 v3, v4;
	_ =	sdelay $0x1  }
0x27f: {  	v7 =	vadd.s32 @!p0 v6, v7;
	_ =	sdelay $0x1  }
0x280: {  	v3 =	vperm.xlane @!p0 v3, v5;
	_ =	sdelay $0x1  }
0x281: {  	s9 =	simm.s32 @!p0 $0x7000;
	v3 =	vadd.s32 @!p0 v6, v3  }
0x282: {  	[tilespmem:s9], [sflag:$0x1] =	stream.indirect_vreg.gather @!p0 [hbm4b:s1+s7], $0x80, v7, vm1, $0xb8;
	[tilespmem:$0x19000] =	vst v63  }
0x283: {  	s9 =	simm.s32 @!p0 $0x7800  }
0x284: {  	[tilespmem:s9], [sflag:$0x1] =	stream.indirect_vreg.gather @!p0 [hbm4b:s8+s7], $0x80, v7, vm1, $0xb8;
	[tilespmem:$0x19000] =	vst v63  }
0x285: {  	s9 =	simm.s32 @!p0 $0x8000  }
0x286: {  	[tilespmem:s9], [sflag:$0x1] =	stream.indirect_vreg.gather @!p0 [hbm4b:s1+s7], $0x80, v3, vm1, $0xb8;
	[tilespmem:$0x19000] =	vst v63  }
0x287: {  	s9 =	simm.s32 @!p0 $0x8800  }
0x288: {  	[tilespmem:s9], [sflag:$0x1] =	stream.indirect_vreg.gather @!p0 [hbm4b:s8+s7], $0x80, v3, vm1, $0xb8;
	[tilespmem:$0x19000] =	vst v63  }
0x289: {  	v3 =	vld.msk @!p0 [tilespmem:s6+$0x120], $0xff;
	_ =	sdelay $0x4  }
0x28a: {  	v5 =	vshll.u32 @!p0 v3, $0x2  }
0x28b: {  	v3 =	vand.u32 @!p0 $0x7, v3;
	v5 =	vand.u32 @!p0 $0xFFFFFFE0, v5  }
0x28c: {  	v3 =	vor.u32 @!p0 v3, v5  }
0x28d: {  	v3 =	vperm.xlane @!p0 v3, v4;
	_ =	sdelay $0x1  }
0x28e: {  	v3 =	vadd.s32 @!p0 v6, v3;
	_ =	sdelay $0x3  }
0x28f: {  	s6 =	simm.s32 @!p0 $0x9000  }
0x290: {  	[tilespmem:s6], [sflag:$0x1] =	stream.indirect_vreg.gather @!p0 [hbm4b:s1+s7], $0x80, v3, vm1, $0xb8;
	[tilespmem:$0x19000] =	vst v63  }
0x291: {  	s6 =	simm.s32 @!p0 $0x9800  }
0x292: {  	[tilespmem:s6], [sflag:$0x1] =	stream.indirect_vreg.gather @!p0 [hbm4b:s8+s7], $0x80, v3, vm1, $0xb8;
	[tilespmem:$0x19000] =	vst v63  }
0x293: {  	_ =	swait.ge [sflag:s15], $0x5000  }
0x294: {  	[sflag:s15] =	ssyncset.done $0x0  }
0x295: {  	[sflag:s15] =	ssyncadd.s32 $0xFFFFB000  }
0x296: {  	s7 =	simm.s32 $0x0;
	_ =	swait.ge [sflag:s18], $0x5000  }
0x297: {  	s9 =	sand.u32 $0x7000, s7;
	s6 =	sand.u32 $0x380, s7;
	[sflag:s18] =	ssyncset.done $0x0  }
0x298: {  	s9 =	sor.u32 s6, s9;
	[sflag:s18] =	ssyncadd.s32 $0xFFFFB000  }
0x299: {  	v3 =	vld [tilespmem:s9+$0xAC70]  }
0x29a: {  	v4 =	vld [tilespmem:s9+$0xA000]  }
0x29b: {  	v5 =	vld [tilespmem:s9+$0xA010]  }
0x29c: {  	v6 =	vld [tilespmem:s9+$0xA020]  }
0x29d: {  	v7 =	vld [tilespmem:s9+$0xA030]  }
0x29e: {  	v8 =	vld [tilespmem:s9+$0xA040];
	v3 =	vmul.f32 $2.262741660e+01, v3  }
0x29f: {  	v9 =	vld [tilespmem:s9+$0xA050];
	v4 =	vmul.f32 $2.262741660e+01, v4  }
0x2a0: {  	v10 =	vld [tilespmem:s9+$0xA060];
	[tilespmem:s9+$0x14C70] =	vst v3;
	v3 =	vmul.f32 $2.262741660e+01, v5  }
0x2a1: {  	[tilespmem:s9+$0x14000] =	vst v4;
	v4 =	vld [tilespmem:s9+$0xA070];
	v5 =	vmul.f32 $2.262741660e+01, v6  }
0x2a2: {  	v6 =	vmul.f32 $2.262741660e+01, v7;
	[tilespmem:s9+$0x14010] =	vst v3;
	v3 =	vld [tilespmem:s9+$0xA400]  }
0x2a3: {  	v7 =	vmul.f32 $2.262741660e+01, v8;
	[tilespmem:s9+$0x14020] =	vst v5;
	v5 =	vld [tilespmem:s9+$0xA410]  }
0x2a4: {  	v8 =	vmul.f32 $2.262741660e+01, v9;
	[tilespmem:s9+$0x14030] =	vst v6;
	v6 =	vld [tilespmem:s9+$0xA420]  }
0x2a5: {  	v9 =	vmul.f32 $2.262741660e+01, v10;
	[tilespmem:s9+$0x14040] =	vst v7;
	v7 =	vld [tilespmem:s9+$0xA430]  }
0x2a6: {  	[tilespmem:s9+$0x14050] =	vst v8;
	v8 =	vld [tilespmem:s9+$0xA440];
	v4 =	vmul.f32 $2.262741660e+01, v4  }
0x2a7: {  	[tilespmem:s9+$0x14060] =	vst v9;
	v9 =	vld [tilespmem:s9+$0xA450];
	v3 =	vmul.f32 $2.262741660e+01, v3  }
0x2a8: {  	[tilespmem:s9+$0x14070] =	vst v4;
	v4 =	vld [tilespmem:s9+$0xA460];
	v5 =	vmul.f32 $2.262741660e+01, v5  }
0x2a9: {  	v6 =	vmul.f32 $2.262741660e+01, v6;
	[tilespmem:s9+$0x14400] =	vst v3;
	v3 =	vld [tilespmem:s9+$0xA470]  }
0x2aa: {  	v7 =	vmul.f32 $2.262741660e+01, v7;
	[tilespmem:s9+$0x14410] =	vst v5;
	v5 =	vld [tilespmem:s9+$0xA800]  }
0x2ab: {  	v8 =	vmul.f32 $2.262741660e+01, v8;
	[tilespmem:s9+$0x14420] =	vst v6;
	v6 =	vld [tilespmem:s9+$0xA810]  }
0x2ac: {  	v9 =	vmul.f32 $2.262741660e+01, v9;
	[tilespmem:s9+$0x14430] =	vst v7;
	v7 =	vld [tilespmem:s9+$0xA820]  }
0x2ad: {  	[tilespmem:s9+$0x14440] =	vst v8;
	v8 =	vld [tilespmem:s9+$0xA830];
	v4 =	vmul.f32 $2.262741660e+01, v4  }
0x2ae: {  	[tilespmem:s9+$0x14450] =	vst v9;
	v9 =	vld [tilespmem:s9+$0xA840];
	v3 =	vmul.f32 $2.262741660e+01, v3  }
0x2af: {  	[tilespmem:s9+$0x14460] =	vst v4;
	v4 =	vld [tilespmem:s9+$0xA850];
	v5 =	vmul.f32 $2.262741660e+01, v5  }
0x2b0: {  	v6 =	vmul.f32 $2.262741660e+01, v6;
	[tilespmem:s9+$0x14470] =	vst v3;
	v3 =	vld [tilespmem:s9+$0xA860]  }
0x2b1: {  	v7 =	vmul.f32 $2.262741660e+01, v7;
	[tilespmem:s9+$0x14800] =	vst v5;
	v5 =	vld [tilespmem:s9+$0xA870]  }
0x2b2: {  	v10 =	vld [tilespmem:s9+$0xAC60];
	v8 =	vmul.f32 $2.262741660e+01, v8;
	[tilespmem:s9+$0x14810] =	vst v6  }
0x2b3: {  	v9 =	vmul.f32 $2.262741660e+01, v9;
	v6 =	vld [tilespmem:s9+$0xAC00];
	[tilespmem:s9+$0x14820] =	vst v7  }
0x2b4: {  	v7 =	vld [tilespmem:s9+$0xAC10];
	[tilespmem:s9+$0x14830] =	vst v8;
	v4 =	vmul.f32 $2.262741660e+01, v4  }
0x2b5: {  	v8 =	vld [tilespmem:s9+$0xAC20];
	[tilespmem:s9+$0x14840] =	vst v9;
	v3 =	vmul.f32 $2.262741660e+01, v3  }
0x2b6: {  	s11 =	simm.s32 $0x200;
	s12 =	simm.s32 $0x80;
	v9 =	vld [tilespmem:s9+$0xAC30];
	[tilespmem:s9+$0x14850] =	vst v4;
	v5 =	vmul.f32 $2.262741660e+01, v5  }
0x2b7: {  	s7 =	sand.u32 $0x380, s12;
	s6 =	sand.u32 $0x7000, s11;
	v4 =	vld [tilespmem:s9+$0xAC40];
	[tilespmem:s9+$0x14860] =	vst v3  }
0x2b8: {  	s7 =	sor.u32 s7, s6;
	v3 =	vld [tilespmem:s9+$0xAC50];
	[tilespmem:s9+$0x14870] =	vst v5;
	v5 =	vmul.f32 $2.262741660e+01, v6  }
0x2b9: {  	v7 =	vmul.f32 $2.262741660e+01, v7;
	v6 =	vld [tilespmem:s7+$0xAC70]  }
0x2ba: {  	v8 =	vmul.f32 $2.262741660e+01, v8;
	v11 =	vld [tilespmem:s7+$0xA000];
	[tilespmem:s9+$0x14C00] =	vst v5  }
0x2bb: {  	v9 =	vmul.f32 $2.262741660e+01, v9;
	v5 =	vld [tilespmem:s7+$0xA010];
	[tilespmem:s9+$0x14C10] =	vst v7  }
0x2bc: {  	v4 =	vmul.f32 $2.262741660e+01, v4;
	v7 =	vld [tilespmem:s7+$0xA020];
	[tilespmem:s9+$0x14C20] =	vst v8  }
0x2bd: {  	v8 =	vld [tilespmem:s7+$0xA030];
	[tilespmem:s9+$0x14C30] =	vst v9;
	v3 =	vmul.f32 $2.262741660e+01, v3  }
0x2be: {  	v9 =	vld [tilespmem:s7+$0xA040];
	[tilespmem:s9+$0x14C40] =	vst v4;
	v6 =	vmul.f32 $2.262741660e+01, v6  }
0x2bf: {  	v4 =	vld [tilespmem:s7+$0xA050];
	[tilespmem:s9+$0x14C50] =	vst v3;
	v3 =	vmul.f32 $2.262741660e+01, v11  }
0x2c0: {  	v11 =	vld [tilespmem:s7+$0xA060];
	[tilespmem:s7+$0x14C70] =	vst v6;
	v5 =	vmul.f32 $2.262741660e+01, v5  }
0x2c1: {  	[tilespmem:s7+$0x14000] =	vst v3;
	v3 =	vld [tilespmem:s7+$0xA070];
	v6 =	vmul.f32 $2.262741660e+01, v7  }
0x2c2: {  	[tilespmem:s7+$0x14010] =	vst v5;
	v5 =	vld [tilespmem:s7+$0xA400];
	v7 =	vmul.f32 $2.262741660e+01, v8  }
0x2c3: {  	[tilespmem:s7+$0x14020] =	vst v6;
	v6 =	vld [tilespmem:s7+$0xA410];
	v8 =	vmul.f32 $2.262741660e+01, v9  }
0x2c4: {  	[tilespmem:s7+$0x14030] =	vst v7;
	v7 =	vld [tilespmem:s7+$0xA420];
	v4 =	vmul.f32 $2.262741660e+01, v4  }
0x2c5: {  	[tilespmem:s7+$0x14040] =	vst v8;
	v8 =	vld [tilespmem:s7+$0xA430];
	v9 =	vmul.f32 $2.262741660e+01, v11  }
0x2c6: {  	[tilespmem:s7+$0x14050] =	vst v4;
	v4 =	vld [tilespmem:s7+$0xA440];
	v3 =	vmul.f32 $2.262741660e+01, v3  }
0x2c7: {  	[tilespmem:s7+$0x14060] =	vst v9;
	v9 =	vld [tilespmem:s7+$0xA450];
	v5 =	vmul.f32 $2.262741660e+01, v5  }
0x2c8: {  	[tilespmem:s7+$0x14070] =	vst v3;
	v3 =	vld [tilespmem:s7+$0xA460];
	v6 =	vmul.f32 $2.262741660e+01, v6  }
0x2c9: {  	[tilespmem:s7+$0x14400] =	vst v5;
	v5 =	vld [tilespmem:s7+$0xA470];
	v7 =	vmul.f32 $2.262741660e+01, v7  }
0x2ca: {  	[tilespmem:s7+$0x14410] =	vst v6;
	v6 =	vld [tilespmem:s7+$0xA800];
	v8 =	vmul.f32 $2.262741660e+01, v8  }
0x2cb: {  	[tilespmem:s7+$0x14420] =	vst v7;
	v7 =	vld [tilespmem:s7+$0xA810];
	v4 =	vmul.f32 $2.262741660e+01, v4  }
0x2cc: {  	[tilespmem:s7+$0x14430] =	vst v8;
	v8 =	vld [tilespmem:s7+$0xA820];
	v9 =	vmul.f32 $2.262741660e+01, v9  }
0x2cd: {  	v11 =	vld [tilespmem:s7+$0xA830];
	[tilespmem:s7+$0x14440] =	vst v4;
	v3 =	vmul.f32 $2.262741660e+01, v3  }
0x2ce: {  	[tilespmem:s7+$0x14450] =	vst v9;
	v9 =	vld [tilespmem:s7+$0xA840];
	v4 =	vmul.f32 $2.262741660e+01, v5  }
0x2cf: {  	[tilespmem:s7+$0x14460] =	vst v3;
	v3 =	vld [tilespmem:s7+$0xA850];
	v5 =	vmul.f32 $2.262741660e+01, v6  }
0x2d0: {  	v6 =	vld [tilespmem:s7+$0xA860];
	[tilespmem:s7+$0x14470] =	vst v4;
	v4 =	vmul.f32 $2.262741660e+01, v7  }
0x2d1: {  	v12 =	vld [tilespmem:s7+$0xA870];
	[tilespmem:s7+$0x14800] =	vst v5;
	v5 =	vmul.f32 $2.262741660e+01, v8  }
0x2d2: {  	v7 =	vld [tilespmem:s7+$0xAC10];
	v8 =	vmul.f32 $2.262741660e+01, v11;
	[tilespmem:s7+$0x14810] =	vst v4  }
0x2d3: {  	v4 =	vld [tilespmem:s7+$0xAC00];
	[tilespmem:s7+$0x14820] =	vst v5;
	v5 =	vmul.f32 $2.262741660e+01, v9  }
0x2d4: {  	[tilespmem:s7+$0x14830] =	vst v8;
	v8 =	vld [tilespmem:s7+$0xAC20];
	v3 =	vmul.f32 $2.262741660e+01, v3  }
0x2d5: {  	v9 =	vmul.f32 $2.262741660e+01, v6;
	[tilespmem:s7+$0x14840] =	vst v5;
	v5 =	vld [tilespmem:s7+$0xAC30]  }
0x2d6: {  	s19 =	simm.s32 $0x400;
	s11 =	simm.s32 $0x100;
	v6 =	vld [tilespmem:s7+$0xAC40];
	[tilespmem:s7+$0x14850] =	vst v3;
	v3 =	vmul.f32 $2.262741660e+01, v10;
	v10 =	vmul.f32 $2.262741660e+01, v12  }
0x2d7: {  	s12 =	sand.u32 $0x7000, s19;
	s19 =	sand.u32 $0x380, s11;
	s6 =	simm.s32 $0x600;
	[tilespmem:s7+$0x14860] =	vst v9;
	v9 =	vld [tilespmem:s7+$0xAC50]  }
.LBB2_9:
0x2d8: {  	p1 =	sne.s32 s6, $0x4E00;
	s12 =	sor.u32 s19, s12;
	[tilespmem:s7+$0x14870] =	vst v10;
	v4 =	vmul.f32 $2.262741660e+01, v4;
	v7 =	vmul.f32 $2.262741660e+01, v7;
	v10 =	vld [tilespmem:s7+$0xAC60]  }
0x2d9: {  	v11 =	vld [tilespmem:s12+$0xAC70];
	v8 =	vmul.f32 $2.262741660e+01, v8;
	[tilespmem:s9+$0x14C60] =	vst v3;
	s9 =	smov.u32 s7;
	s7 =	smov.u32 s12  }
0x2da: {  	v12 =	vld [tilespmem:s7+$0xA000];
	[tilespmem:s9+$0x14C00] =	vst v4;
	v3 =	vmul.f32 $2.262741660e+01, v5  }
0x2db: {  	v4 =	vld [tilespmem:s7+$0xA010];
	[tilespmem:s9+$0x14C10] =	vst v7;
	v5 =	vmul.f32 $2.262741660e+01, v6  }
0x2dc: {  	v6 =	vld [tilespmem:s7+$0xA020];
	[tilespmem:s9+$0x14C20] =	vst v8;
	v7 =	vmul.f32 $2.262741660e+01, v9  }
0x2dd: {  	v8 =	vld [tilespmem:s7+$0xA030];
	[tilespmem:s9+$0x14C30] =	vst v3;
	v3 =	vmul.f32 $2.262741660e+01, v10  }
0x2de: {  	v9 =	vld [tilespmem:s7+$0xA040];
	v10 =	vmul.f32 $2.262741660e+01, v11;
	[tilespmem:s9+$0x14C40] =	vst v5  }
0x2df: {  	v5 =	vmul.f32 $2.262741660e+01, v12;
	v11 =	vld [tilespmem:s7+$0xA050];
	[tilespmem:s9+$0x14C50] =	vst v7  }
0x2e0: {  	v4 =	vmul.f32 $2.262741660e+01, v4;
	v7 =	vld [tilespmem:s7+$0xA060];
	[tilespmem:s7+$0x14C70] =	vst v10  }
0x2e1: {  	[tilespmem:s7+$0x14000] =	vst v5;
	v5 =	vmul.f32 $2.262741660e+01, v6;
	v6 =	vld [tilespmem:s7+$0xA070]  }
0x2e2: {  	[tilespmem:s7+$0x14010] =	vst v4;
	v4 =	vmul.f32 $2.262741660e+01, v8;
	v8 =	vld [tilespmem:s7+$0xA400]  }
0x2e3: {  	[tilespmem:s7+$0x14020] =	vst v5;
	v5 =	vmul.f32 $2.262741660e+01, v9;
	v9 =	vld [tilespmem:s7+$0xA410]  }
0x2e4: {  	[tilespmem:s7+$0x14030] =	vst v4;
	v4 =	vmul.f32 $2.262741660e+01, v11;
	v10 =	vld [tilespmem:s7+$0xA420]  }
0x2e5: {  	[tilespmem:s7+$0x14040] =	vst v5;
	v5 =	vmul.f32 $2.262741660e+01, v7;
	v7 =	vld [tilespmem:s7+$0xA430]  }
0x2e6: {  	[tilespmem:s7+$0x14050] =	vst v4;
	v4 =	vmul.f32 $2.262741660e+01, v6;
	v6 =	vld [tilespmem:s7+$0xA440]  }
0x2e7: {  	[tilespmem:s7+$0x14060] =	vst v5;
	v5 =	vmul.f32 $2.262741660e+01, v8;
	v8 =	vld [tilespmem:s7+$0xA450]  }
0x2e8: {  	[tilespmem:s7+$0x14070] =	vst v4;
	v4 =	vmul.f32 $2.262741660e+01, v9;
	v9 =	vld [tilespmem:s7+$0xA460]  }
0x2e9: {  	[tilespmem:s7+$0x14400] =	vst v5;
	v5 =	vmul.f32 $2.262741660e+01, v10;
	v10 =	vld [tilespmem:s7+$0xA470]  }
0x2ea: {  	[tilespmem:s7+$0x14410] =	vst v4;
	v4 =	vmul.f32 $2.262741660e+01, v7;
	v7 =	vld [tilespmem:s7+$0xA800]  }
0x2eb: {  	[tilespmem:s7+$0x14420] =	vst v5;
	v5 =	vmul.f32 $2.262741660e+01, v6;
	v6 =	vld [tilespmem:s7+$0xA810]  }
0x2ec: {  	[tilespmem:s7+$0x14430] =	vst v4;
	v4 =	vmul.f32 $2.262741660e+01, v8;
	v8 =	vld [tilespmem:s7+$0xA820]  }
0x2ed: {  	[tilespmem:s7+$0x14440] =	vst v5;
	v5 =	vmul.f32 $2.262741660e+01, v9;
	v9 =	vld [tilespmem:s7+$0xA830]  }
0x2ee: {  	[tilespmem:s7+$0x14450] =	vst v4;
	v4 =	vmul.f32 $2.262741660e+01, v10;
	v10 =	vld [tilespmem:s7+$0xA840]  }
0x2ef: {  	[tilespmem:s7+$0x14460] =	vst v5;
	v5 =	vmul.f32 $2.262741660e+01, v7;
	v11 =	vld [tilespmem:s7+$0xA850]  }
0x2f0: {  	[tilespmem:s7+$0x14470] =	vst v4;
	v4 =	vmul.f32 $2.262741660e+01, v6;
	v6 =	vld [tilespmem:s7+$0xA860]  }
0x2f1: {  	[tilespmem:s7+$0x14800] =	vst v5;
	v5 =	vmul.f32 $2.262741660e+01, v8;
	v12 =	vld [tilespmem:s7+$0xA870]  }
0x2f2: {  	[tilespmem:s7+$0x14810] =	vst v4;
	v8 =	vmul.f32 $2.262741660e+01, v9;
	v4 =	vld [tilespmem:s7+$0xAC00]  }
.Ltmp5:
0x2f3: {  	[tilespmem:s7+$0x14820] =	vst v5;
	v5 =	vmul.f32 $2.262741660e+01, v10;
	v7 =	vld [tilespmem:s7+$0xAC10];
	(pc) =	sbr.rel @p1 .LBB2_9-.Ltmp5, $4  }
0x2f4: {  	[tilespmem:s7+$0x14830] =	vst v8;
	v9 =	vmul.f32 $2.262741660e+01, v11;
	v8 =	vld [tilespmem:s7+$0xAC20]  }
0x2f5: {  	[tilespmem:s7+$0x14840] =	vst v5;
	v11 =	vmul.f32 $2.262741660e+01, v6;
	v5 =	vld [tilespmem:s7+$0xAC30]  }
0x2f6: {  	s11 =	sadd.s32 $0x80, s11;
	[tilespmem:s7+$0x14850] =	vst v9;
	v10 =	vmul.f32 $2.262741660e+01, v12;
	v6 =	vld [tilespmem:s7+$0xAC40]  }
0x2f7: {  	s12 =	sand.u32 $0x7000, s6;
	s19 =	sand.u32 $0x380, s11;
	s6 =	sadd.s32 $0x200, s6;
	[tilespmem:s7+$0x14860] =	vst v11;
	v9 =	vld [tilespmem:s7+$0xAC50]  }
0x2f8: {  	[tilespmem:s7+$0x14870] =	vst v10;
	s6 =	sor.u32 s19, s12;
	v23 =	vld [tilespmem:s7+$0xAC60];
	v4 =	vmul.f32 $2.262741660e+01, v4  }
0x2f9: {  	v7 =	vmul.f32 $2.262741660e+01, v7;
	v11 =	vld [tilespmem:s6+$0xAC70];
	[tilespmem:s9+$0x14C60] =	vst v3  }
0x2fa: {  	v8 =	vmul.f32 $2.262741660e+01, v8;
	v3 =	vld [tilespmem:s6+$0xA000];
	[tilespmem:s7+$0x14C00] =	vst v4  }
0x2fb: {  	v5 =	vmul.f32 $2.262741660e+01, v5;
	v4 =	vld [tilespmem:s6+$0xA010];
	[tilespmem:s7+$0x14C10] =	vst v7  }
0x2fc: {  	v6 =	vmul.f32 $2.262741660e+01, v6;
	v7 =	vld [tilespmem:s6+$0xA020];
	[tilespmem:s7+$0x14C20] =	vst v8  }
0x2fd: {  	v9 =	vmul.f32 $2.262741660e+01, v9;
	v8 =	vld [tilespmem:s6+$0xA030];
	[tilespmem:s7+$0x14C30] =	vst v5  }
0x2fe: {  	v5 =	vld [tilespmem:s6+$0xA040];
	[tilespmem:s7+$0x14C40] =	vst v6;
	v24 =	vmul.f32 $2.262741660e+01, v11  }
0x2ff: {  	v25 =	vld [tilespmem:s6+$0xA050];
	v3 =	vmul.f32 $2.262741660e+01, v3;
	[tilespmem:s7+$0x14C50] =	vst v9  }
0x300: {  	v4 =	vmul.f32 $2.262741660e+01, v4;
	v9 =	vld [tilespmem:s6+$0xA060];
	[tilespmem:s6+$0x14C70] =	vst v24  }
0x301: {  	v26 =	vld [tilespmem:s6+$0xA070];
	[tilespmem:s6+$0x14000] =	vst v3;
	v3 =	vmul.f32 $2.262741660e+01, v7  }
0x302: {  	v29 =	vld [tilespmem:s6+$0xA410];
	[tilespmem:s6+$0x14010] =	vst v4;
	v27 =	vmul.f32 $2.262741660e+01, v8  }
0x303: {  	v32 =	vld [tilespmem:s6+$0xA430];
	[tilespmem:s6+$0x14020] =	vst v3;
	v3 =	vmul.f32 $2.262741660e+01, v5  }
0x304: {  	v28 =	vld [tilespmem:s6+$0xA400];
	[tilespmem:s6+$0x14030] =	vst v27;
	v30 =	vmul.f32 $2.262741660e+01, v25  }
0x305: {  	v35 =	vld [tilespmem:s6+$0xA450];
	[tilespmem:s6+$0x14040] =	vst v3;
	v3 =	vmul.f32 $2.262741660e+01, v9  }
0x306: {  	v31 =	vld [tilespmem:s6+$0xA420];
	v33 =	vmul.f32 $2.262741660e+01, v26;
	[tilespmem:s6+$0x14050] =	vst v30  }
0x307: {  	v38 =	vld [tilespmem:s6+$0xA470];
	v36 =	vmul.f32 $2.262741660e+01, v29;
	[tilespmem:s6+$0x14060] =	vst v3  }
0x308: {  	v34 =	vld [tilespmem:s6+$0xA440];
	v39 =	vmul.f32 $2.262741660e+01, v32;
	[tilespmem:s6+$0x14070] =	vst v33  }
0x309: {  	v41 =	vld [tilespmem:s6+$0xA810];
	v3 =	vmul.f32 $2.262741660e+01, v28;
	[tilespmem:s6+$0x14410] =	vst v36  }
0x30a: {  	v37 =	vld [tilespmem:s6+$0xA460];
	v42 =	vmul.f32 $2.262741660e+01, v35;
	[tilespmem:s6+$0x14430] =	vst v39  }
0x30b: {  	v44 =	vld [tilespmem:s6+$0xA830];
	[tilespmem:s6+$0x14400] =	vst v3;
	v3 =	vmul.f32 $2.262741660e+01, v31  }
0x30c: {  	v40 =	vld [tilespmem:s6+$0xA800];
	v45 =	vmul.f32 $2.262741660e+01, v38;
	[tilespmem:s6+$0x14450] =	vst v42  }
0x30d: {  	v47 =	vld [tilespmem:s6+$0xA850];
	[tilespmem:s6+$0x14420] =	vst v3;
	v3 =	vmul.f32 $2.262741660e+01, v34  }
0x30e: {  	v43 =	vld [tilespmem:s6+$0xA820];
	v48 =	vmul.f32 $2.262741660e+01, v41;
	[tilespmem:s6+$0x14470] =	vst v45  }
0x30f: {  	v50 =	vld [tilespmem:s6+$0xA870];
	[tilespmem:s6+$0x14440] =	vst v3;
	v3 =	vmul.f32 $2.262741660e+01, v37  }
0x310: {  	v46 =	vld [tilespmem:s6+$0xA840];
	v51 =	vmul.f32 $2.262741660e+01, v44;
	[tilespmem:s6+$0x14810] =	vst v48  }
0x311: {  	v52 =	vld [tilespmem:s6+$0xAC00];
	[tilespmem:s6+$0x14460] =	vst v3;
	v3 =	vmul.f32 $2.262741660e+01, v40  }
0x312: {  	v49 =	vld [tilespmem:s6+$0xA860];
	v54 =	vmul.f32 $2.262741660e+01, v47;
	[tilespmem:s6+$0x14830] =	vst v51  }
0x313: {  	v53 =	vld [tilespmem:s6+$0xAC10];
	[tilespmem:s6+$0x14800] =	vst v3;
	v3 =	vmul.f32 $2.262741660e+01, v43  }
0x314: {  	v55 =	vld [tilespmem:s6+$0xAC20];
	v57 =	vmul.f32 $2.262741660e+01, v50;
	[tilespmem:s6+$0x14850] =	vst v54  }
0x315: {  	[tilespmem:s6+$0x14820] =	vst v3;
	v3 =	vmul.f32 $2.262741660e+01, v46  }
0x316: {  	v56 =	vld [tilespmem:s6+$0xAC30];
	v59 =	vmul.f32 $2.262741660e+01, v52;
	[tilespmem:s6+$0x14870] =	vst v57  }
0x317: {  	v58 =	vld [tilespmem:s6+$0xAC40];
	[tilespmem:s6+$0x14840] =	vst v3;
	v3 =	vmul.f32 $2.262741660e+01, v49  }
0x318: {  	v60 =	vld [tilespmem:s6+$0xAC60];
	v8 =	vmul.f32 $2.262741660e+01, v53;
	[tilespmem:s6+$0x14C00] =	vst v59  }
0x319: {  	v9 =	vmul.f32 $2.262741660e+01, v55;
	[tilespmem:s6+$0x14860] =	vst v3;
	v3 =	vld [tilespmem:s6+$0xAC50]  }
0x31a: {  	v10 =	vmul.f32 $2.262741660e+01, v23;
	[tilespmem:s6+$0x14C10] =	vst v8  }
0x31b: {  	v61 =	vmul.f32 $2.262741660e+01, v56;
	[tilespmem:s6+$0x14C20] =	vst v9  }
0x31c: {  	v62 =	vmul.f32 $2.262741660e+01, v58;
	[tilespmem:s7+$0x14C60] =	vst v10  }
.Ltmp6:
0x31d: {  	v63 =	vmul.f32 $2.262741660e+01, v60;
	[tilespmem:s6+$0x14C30] =	vst v61;
	(pc) =	sbr.rel @p0 .LBB2_12-.Ltmp6, $4  }
0x31e: {  	s19 =	sadd.s32 s21, s10;
	[tilespmem:s6+$0x14C40] =	vst v62;
	v3 =	vmul.f32 $2.262741660e+01, v3  }
0x31f: {  	s7 =	sshll.u32 s19, $0x6;
	[tilespmem:s6+$0x14C60] =	vst v63  }
0x320: {  	s21 =	sadd.s32 s3, s7;
	[tilespmem:s6+$0x14C50] =	vst v3  }
0x321: {  	[hbm4b:s21+s4] =	stream.linear.scatter [tilespmem:s16], [sflag:$0x4], $0x5000, $0x38;
	[tilespmem:$0x19000] =	vst v63  }
0x322: {  	s6 =	sshrl.u32 s22, $0x2  }
0x323: {  	v3 =	vld [tilespmem:s6+$0x180];
	_ =	sdelay $0x4  }
0x324: {  	v4 =	vshll.u32 v3, $0x2  }
0x325: {  	v3 =	vand.u32 $0x7, v3;
	v4 =	vand.u32 $0xFFFFFFE0, v4  }
0x326: {  	v3 =	vor.u32 v3, v4  }
0x327: {  	v4 =	vperm.xlane v3, v0;
	_ =	sdelay $0x1  }
0x328: {  	v4 =	vadd.s32 v1, v4;
	_ =	sdelay $0x1  }
0x329: {  	v3 =	vperm.xlane v3, v2;
	_ =	sdelay $0x1  }
0x32a: {  	v3 =	vadd.s32 v1, v3  }
0x32b: {  	[tilespmem:s23], [sflag:$0x2] =	stream.indirect_vreg.gather [hbm4b:s1+s4], $0x80, v4, vm0, $0xb8;
	[tilespmem:$0x19000] =	vst v63  }
0x32c: {  	_ = 	snop  }
0x32d: {  	[tilespmem:s24], [sflag:$0x2] =	stream.indirect_vreg.gather [hbm4b:s8+s4], $0x80, v4, vm0, $0xb8;
	[tilespmem:$0x19000] =	vst v63  }
0x32e: {  	_ = 	snop  }
0x32f: {  	[tilespmem:s25], [sflag:$0x2] =	stream.indirect_vreg.gather [hbm4b:s1+s4], $0x80, v3, vm0, $0xb8;
	[tilespmem:$0x19000] =	vst v63  }
0x330: {  	_ = 	snop  }
0x331: {  	[tilespmem:s26], [sflag:$0x2] =	stream.indirect_vreg.gather [hbm4b:s8+s4], $0x80, v3, vm0, $0xb8;
	[tilespmem:$0x19000] =	vst v63  }
0x332: {  	v3 =	vld [tilespmem:s6+$0x190];
	_ =	sdelay $0x4  }
0x333: {  	v62 =	vshll.u32 v3, $0x2  }
0x334: {  	v3 =	vand.u32 $0x7, v3;
	v4 =	vand.u32 $0xFFFFFFE0, v62  }
0x335: {  	v3 =	vor.u32 v3, v4  }
0x336: {  	v4 =	vperm.xlane v3, v0;
	_ =	sdelay $0x1  }
0x337: {  	v4 =	vadd.s32 v1, v4;
	_ =	sdelay $0x1  }
0x338: {  	v3 =	vperm.xlane v3, v2;
	_ =	sdelay $0x1  }
0x339: {  	v3 =	vadd.s32 v1, v3  }
0x33a: {  	[tilespmem:s28], [sflag:$0x2] =	stream.indirect_vreg.gather [hbm4b:s1+s4], $0x80, v4, vm0, $0xb8;
	[tilespmem:$0x19000] =	vst v63  }
0x33b: {  	_ = 	snop  }
0x33c: {  	[tilespmem:s29], [sflag:$0x2] =	stream.indirect_vreg.gather [hbm4b:s8+s4], $0x80, v4, vm0, $0xb8;
	[tilespmem:$0x19000] =	vst v63  }
0x33d: {  	_ = 	snop  }
0x33e: {  	[tilespmem:s30], [sflag:$0x2] =	stream.indirect_vreg.gather [hbm4b:s1+s4], $0x80, v3, vm0, $0xb8;
	[tilespmem:$0x19000] =	vst v63  }
0x33f: {  	_ = 	snop  }
0x340: {  	[tilespmem:s31], [sflag:$0x2] =	stream.indirect_vreg.gather [hbm4b:s8+s4], $0x80, v3, vm0, $0xb8;
	[tilespmem:$0x19000] =	vst v63  }
0x341: {  	v3 =	vld.msk [tilespmem:s6+$0x1A0], $0xff;
	_ =	sdelay $0x4  }
0x342: {  	v63 =	vshll.u32 v3, $0x2  }
0x343: {  	v3 =	vand.u32 $0x7, v3;
	v4 =	vand.u32 $0xFFFFFFE0, v63  }
0x344: {  	v3 =	vor.u32 v3, v4  }
0x345: {  	v3 =	vperm.xlane v3, v0;
	_ =	sdelay $0x1  }
0x346: {  	v3 =	vadd.s32 v1, v3;
	_ =	sdelay $0x2  }
.Ltmp7:
0x347: {  	_ = 	snop;
	(pc) =	sbr.rel .LBB2_6-.Ltmp7, $4  }
0x348: {  	_ = 	snop  }
0x349: {  	[tilespmem:s2], [sflag:$0x2] =	stream.indirect_vreg.gather [hbm4b:s1+s4], $0x80, v3, vm0, $0xb8;
	[tilespmem:$0x19000] =	vst v63  }
0x34a: {  	s20 =	sadd.s32 $0x1, s20  }
0x34b: {  	[tilespmem:s0], [sflag:$0x2] =	stream.indirect_vreg.gather [hbm4b:s8+s4], $0x80, v3, vm0, $0xb8;
	[tilespmem:$0x19000] =	vst v63  }
.LBB2_13:
0x34c: {  	_ =	sfence.sel $0x180000  }
0x34d: {  	[bflag:$0x0] =	sbarrier.arrive $0xFFFF  }
0x34e: {  	_ =	strace $0x90000047  }
0x34f: {  	s0 =	stileid.u32;
	[bflag:$0x2] =	sbarrier.arrive $0xFFFF  }
0x350: {  	p0 =	sne.s32 s0, $0x0;
	s0 =	rddreg [dreg:$0x3]  }
0x351: {  	s0 =	sadd.s32 @!p0 $0x100000, s0  }
0x352: {  	[sflag:s0] =	ssyncadd.tile.s32 @!p0 $0x1;
	_ =	shalt  }
.Lfunc_end2:
_tile_overlayer_lowered:
.L_overlay_start_2:
0x353: {  	(tag) =	ssettag $0x2  }
0x354: {  	s0 =	rddreg [dreg:$0x0];
	s2 =	stileid.u32  }
0x355: {  	s1 =	rddreg [dreg:$0x1];
	p0 =	sne.s32 s2, $0x0  }
0x356: {  	s3 =	rddreg [dreg:$0x2];
	[bflag:$0x3] =	sbarrier.arrive $0xFFFF;
	s2 =	simm.s32 @!p0 $0x1C05  }
0x357: {  	[timem:s3], [sflag:s2] =	dma.local @!p0 [hbm:s0], s1  }
0x358: {  	s0 =	simm.s32 @!p0 $0x5  }
0x359: {  	_ =	swait.ge @!p0 [sflag:s0], s1  }
0x35a: {  	s1 =	ssub.s32 @!p0 $0x0, s1;
	[sflag:s0] =	ssyncset.done @!p0 $0x0  }
0x35b: {  	[sflag:s0] =	ssyncadd.s32 @!p0 s1  }
0x35c: {  	[bflag:$0x3] =	sbarrier.arrive $0xFFFF  }
0x35d: {  	_ =	shalt  }

</sc_bundles>
